<compile_context>
chip_gen: v7x
topology: tpu7x:2x2x1
jax: 0.10.2.dev20260603
libtpu: 0.0.44.dev20260713+nightly
codegen_flags: <defaults>
</compile_context>

<pallas_src>
import jax
import jax.numpy as jnp
from jax import lax
from jax.experimental import pallas as pl
from jax.experimental.pallas import tpu as pltpu
from jax.experimental.pallas import tpu_sc as plsc

N = 10000
E = 320000
D = 128
ED = 4
NLAYER = 5
G = 64

NC = 2
NS = 16
HD = D // NC
EPT = E // NS
BB = 80
NBLK = EPT // BB
NRING = 2
NMB = 2
EAW = BB * ED + 64
RPS = 624
DC = HD // 16


def _sc_edge_body(h_hbm, src_hbm, dst_hbm, ea_hbm, wb_hbm, out_hbm,
                  src_v, dst_v, ea_v, gbuf, mbuf, wb_v, aggr_sh,
                  gsem0, gsem1, esem0, esem1, ssem0, ssem1):
    cid = lax.axis_index("c")
    sid = lax.axis_index("s")
    gsems = (gsem0, gsem1)
    esems = (esem0, esem1)
    ssems = (ssem0, ssem1)

    pltpu.sync_copy(src_hbm.at[sid], src_v)
    pltpu.sync_copy(dst_hbm.at[sid], dst_v)
    pltpu.sync_copy(wb_hbm.at[cid], wb_v)

    @plsc.parallel_loop(0, BB, 1, unroll=4)
    def _zero(i):
        for c in range(DC):
            mbuf[0, i, pl.ds(c * 16, 16)] = jnp.zeros((16,), jnp.float32)

    @plsc.parallel_loop(0, NBLK * BB // 16, 1, unroll=8)
    def _ix(i):
        r = i // (BB // 16)
        c16 = (i % (BB // 16)) * 16
        src_v[r, pl.ds(c16, 16)] = src_v[r, pl.ds(c16, 16)] * 2 + cid

    r0 = pl.multiple_of(sid * RPS, 8)
    for t in range(7):
        pltpu.sync_copy(mbuf.at[0], aggr_sh.at[pl.ds(r0 + t * BB, BB)])
    pltpu.sync_copy(mbuf.at[0, pl.ds(0, RPS - 7 * BB)],
                    aggr_sh.at[pl.ds(r0 + 7 * BB, RPS - 7 * BB)])

    @pl.when(sid == NS - 1)
    def _zero_tail():
        pltpu.sync_copy(mbuf.at[0, pl.ds(0, 16)],
                        aggr_sh.at[pl.ds(NS * RPS, N - NS * RPS)])

    plsc.subcore_barrier()

    def bf16r(v):
        t = v * jnp.float32(65537.0)
        return t - (t - v)

    we_rows = [[bf16r(wb_v[0, pl.ds(r * HD + c * 16, 16)]) for c in range(DC)]
               for r in range(ED)]
    be_row = [wb_v[0, pl.ds(ED * HD + c * 16, 16)] for c in range(DC)]

    def issue(b, par):
        ea_off = pl.multiple_of((sid * EPT + b * BB) * ED, 8)
        pltpu.async_copy(ea_hbm.at[pl.ds(ea_off, EAW)], ea_v.at[par],
                         esems[par])
        pltpu.async_copy(h_hbm.at[src_v.at[b]], gbuf.at[par], gsems[par])

    def wait_inputs(b, par):
        ea_off = pl.multiple_of((sid * EPT + b * BB) * ED, 8)
        pltpu.make_async_copy(ea_hbm.at[pl.ds(ea_off, EAW)], ea_v.at[par],
                              esems[par]).wait()
        pltpu.make_async_copy(h_hbm.at[src_v.at[b]], gbuf.at[par],
                              gsems[par]).wait()

    def compute(par, mpar):
        @plsc.parallel_loop(0, BB, 1, unroll=2)
        def _edge(jj):
            av = bf16r(ea_v[par, pl.ds(jj * ED, 16)])
            a0 = av[0]
            a1 = av[1]
            a2 = av[2]
            a3 = av[3]
            for c in range(DC):
                m = gbuf[par, jj, pl.ds(c * 16, 16)] + be_row[c]
                m = m + a0 * we_rows[0][c]
                m = m + a1 * we_rows[1][c]
                m = m + a2 * we_rows[2][c]
                m = m + a3 * we_rows[3][c]
                mbuf[mpar, jj, pl.ds(c * 16, 16)] = jnp.maximum(m, 0.0)

    def scatter(b, par):
        pltpu.async_copy(mbuf.at[par], aggr_sh.at[dst_v.at[b]],
                         ssems[par], add=True)

    def wait_scatter(b, par):
        pltpu.make_async_copy(mbuf.at[par], aggr_sh.at[dst_v.at[b]],
                              ssems[par]).wait()

    for q in range(NRING - 1):
        issue(q, q)

    def pipe_body(i, carry):
        for q in range(NRING):
            b = i * NRING + q
            mq = q % NMB
            wait_inputs(b, q)

            compute(q, mq)
            pltpu.sync_copy(mbuf.at[mq], aggr_sh.at[dst_v.at[b]], add=True)

            @pl.when(b + NRING - 1 < NBLK)
            def _iss():
                issue(b + NRING - 1, (q + NRING - 1) % NRING)

        return carry

    lax.fori_loop(0, NBLK // NRING, pipe_body, 0)
    plsc.subcore_barrier()

    for t in range(7):
        pltpu.sync_copy(aggr_sh.at[pl.ds(r0 + t * BB, BB)],
                        out_hbm.at[cid, pl.ds(r0 + t * BB, BB)])
    pltpu.sync_copy(aggr_sh.at[pl.ds(r0 + 7 * BB, RPS - 7 * BB)],
                    out_hbm.at[cid, pl.ds(r0 + 7 * BB, RPS - 7 * BB)])

    @pl.when(sid == NS - 1)
    def _wb_tail():
        pltpu.sync_copy(aggr_sh.at[pl.ds(NS * RPS, N - NS * RPS)],
                        out_hbm.at[cid, pl.ds(NS * RPS, N - NS * RPS)])


@jax.jit
def _sc_edge(h2d, src3d, dst3d, ea_flat, wb):
    mesh = plsc.VectorSubcoreMesh(core_axis_name="c", subcore_axis_name="s",
                                  num_cores=NC, num_subcores=NS)
    return pl.kernel(
        _sc_edge_body,
        out_type=jax.ShapeDtypeStruct((NC, N, HD), jnp.float32),
        mesh=mesh,
        compiler_params=pltpu.CompilerParams(use_tc_tiling_on_sc=False),
        scratch_types=[
            pltpu.VMEM((NBLK, BB), jnp.int32),
            pltpu.VMEM((NBLK, BB), jnp.int32),
            pltpu.VMEM((NRING, EAW), jnp.float32),
            pltpu.VMEM((NRING, BB, HD), jnp.float32),
            pltpu.VMEM((NMB, BB, HD), jnp.float32),
            pltpu.VMEM((1, (ED + 1) * HD), jnp.float32),
            pltpu.VMEM_SHARED((N, HD), jnp.float32),
        ] + [pltpu.SemaphoreType.DMA] * 6,
    )(h2d, src3d, dst3d, ea_flat, wb)


def _tc_layer_body(eps_ref, h_ref, a_ref, w1_ref, b1_ref, w2_ref,
                   b2_ref, g_ref, bt_ref, out_ref):
    h = h_ref[...]
    s = 1.0 + eps_ref[0]
    aggr = jnp.concatenate([a_ref[0], a_ref[1]], axis=-1)
    h2 = s * h + aggr
    t = jnp.dot(h2.astype(jnp.bfloat16), w1_ref[...].astype(jnp.bfloat16),
                preferred_element_type=jnp.float32)
    t = jnp.maximum(t + b1_ref[...], 0.0)
    t2 = jnp.dot(t.astype(jnp.bfloat16), w2_ref[...].astype(jnp.bfloat16),
                 preferred_element_type=jnp.float32)
    t2 = t2 + b2_ref[...]
    mean = jnp.mean(t2, axis=0, keepdims=True)
    var = jnp.mean((t2 - mean) * (t2 - mean), axis=0, keepdims=True)
    bn = g_ref[...] * (t2 - mean) / jnp.sqrt(var + 1e-5) + bt_ref[...]
    out_ref[...] = jnp.maximum(bn, 0.0) + h


_NDSPEC = [pl.BlockSpec(memory_space=pltpu.SMEM),
           pl.BlockSpec((N, D), lambda: (0, 0)),
           pl.BlockSpec((NC, N, HD), lambda: (0, 0, 0)),
           pl.BlockSpec((D, D), lambda: (0, 0)),
           pl.BlockSpec((1, D), lambda: (0, 0)),
           pl.BlockSpec((D, D), lambda: (0, 0)),
           pl.BlockSpec((1, D), lambda: (0, 0)),
           pl.BlockSpec((1, D), lambda: (0, 0)),
           pl.BlockSpec((1, D), lambda: (0, 0))]


@jax.jit
def _tc_layer(eps_i, h, parts, w1, b1, w2, b2, g, bt):
    return pl.pallas_call(
        _tc_layer_body,
        out_shape=jax.ShapeDtypeStruct((N, D), jnp.float32),
        in_specs=_NDSPEC,
        out_specs=pl.BlockSpec((N, D), lambda: (0, 0)),
    )(eps_i, h, parts, w1, b1, w2, b2, g, bt)


def _tc_last_body(eps_ref, h_ref, a_ref, w1_ref, b1_ref, w2_ref, b2_ref,
                  g_ref, bt_ref, batch_ref, wm1_ref, bm1_ref, wm2_ref,
                  bm2_ref, wm3_ref, bm3_ref, out_ref):
    h = h_ref[...]
    s = 1.0 + eps_ref[0]
    aggr = jnp.concatenate([a_ref[0], a_ref[1]], axis=-1)
    h2 = s * h + aggr
    t = jnp.dot(h2.astype(jnp.bfloat16), w1_ref[...].astype(jnp.bfloat16),
                preferred_element_type=jnp.float32)
    t = jnp.maximum(t + b1_ref[...], 0.0)
    t2 = jnp.dot(t.astype(jnp.bfloat16), w2_ref[...].astype(jnp.bfloat16),
                 preferred_element_type=jnp.float32)
    t2 = t2 + b2_ref[...]
    mean = jnp.mean(t2, axis=0, keepdims=True)
    var = jnp.mean((t2 - mean) * (t2 - mean), axis=0, keepdims=True)
    bn = g_ref[...] * (t2 - mean) / jnp.sqrt(var + 1e-5) + bt_ref[...]
    hf = jnp.maximum(bn, 0.0) + h
    b = batch_ref[...]
    gids = lax.broadcasted_iota(jnp.int32, (G, 1), 0)
    onehot = (b == gids).astype(jnp.float32)
    sums = jnp.dot(onehot, hf, preferred_element_type=jnp.float32,
                   precision=lax.Precision.HIGHEST)
    cnt = jnp.sum(onehot, axis=1, keepdims=True)
    pooled = sums / jnp.maximum(cnt, 1.0)
    o = jnp.dot(pooled.astype(jnp.bfloat16), wm1_ref[...].astype(jnp.bfloat16),
                preferred_element_type=jnp.float32)
    o = jnp.maximum(o + bm1_ref[...], 0.0)
    o = jnp.dot(o.astype(jnp.bfloat16), wm2_ref[...].astype(jnp.bfloat16),
                preferred_element_type=jnp.float32)
    o = jnp.maximum(o + bm2_ref[...], 0.0)
    o = jnp.dot(o.astype(jnp.bfloat16), wm3_ref[...].astype(jnp.bfloat16),
                preferred_element_type=jnp.float32)
    out_ref[...] = o + bm3_ref[...]


@jax.jit
def _tc_last(eps_i, h, parts, w1, b1, w2, b2, g, bt, batch2d,
             wm1, bm1, wm2, bm2, wm3, bm3):
    return pl.pallas_call(
        _tc_last_body,
        out_shape=jax.ShapeDtypeStruct((G, 1), jnp.float32),
        in_specs=_NDSPEC + [pl.BlockSpec((1, N), lambda: (0, 0)),
                            pl.BlockSpec((D, D), lambda: (0, 0)),
                            pl.BlockSpec((1, D), lambda: (0, 0)),
                            pl.BlockSpec((D, D), lambda: (0, 0)),
                            pl.BlockSpec((1, D), lambda: (0, 0)),
                            pl.BlockSpec((D, 1), lambda: (0, 0)),
                            pl.BlockSpec((1, 1), lambda: (0, 0))],
        out_specs=pl.BlockSpec((G, 1), lambda: (0, 0)),
    )(eps_i, h, parts, w1, b1, w2, b2, g, bt, batch2d,
      wm1, bm1, wm2, bm2, wm3, bm3)


def kernel(x, edge_index, batch, edge_attr, W1, b1, W2, b2, eps, We, be,
           gamma, beta, Wm1, bm1, Wm2, bm2, Wm3, bm3):
    src3d = edge_index[0].astype(jnp.int32).reshape(NS, NBLK, BB)
    dst3d = edge_index[1].astype(jnp.int32).reshape(NS, NBLK, BB)
    ea_flat = jnp.pad(edge_attr.reshape(E * ED), (0, 128))
    batch2d = batch.astype(jnp.int32).reshape(1, N)

    h = x
    out = None
    for i in range(NLAYER):
        wb = jnp.stack([
            jnp.concatenate([We[i][:, c * HD:(c + 1) * HD].reshape(-1),
                             be[i][c * HD:(c + 1) * HD]]).reshape(1, -1)
            for c in range(NC)])
        parts = _sc_edge(h.reshape(NC * N, HD), src3d, dst3d, ea_flat, wb)
        args = (eps[i].reshape(1), h, parts, W1[i], b1[i].reshape(1, D),
                W2[i], b2[i].reshape(1, D), gamma[i].reshape(1, D),
                beta[i].reshape(1, D))
        if i < NLAYER - 1:
            h = _tc_layer(*args)
        else:
            out = _tc_last(*args, batch2d, Wm1, bm1.reshape(1, D), Wm2,
                           bm2.reshape(1, D), Wm3, bm3.reshape(1, 1))
    return out

# --- scband reference (transcript-rebuilt; emitter-appended) ---
"""Pipeline reference for scband-ginnet-78211354460181 (READ-ONLY COPY).

The authoritative reference and input builder live on the scoring server;
editing this copy changes nothing except your own understanding.
"""

import jax, jax.numpy as jnp
import numpy as np

N = 10000
E = 320000
D = 128
ED = 4
L = 5
G = 64


def setup_inputs(seed: int = 0) -> dict:
    key = jax.random.key(seed)
    ks = jax.random.split(key, 16)
    s = 1.0 / np.sqrt(D)
    inp = {
        "x": jax.random.normal(ks[0], (N, D), dtype=jnp.float32),
        "edge_index": jax.random.randint(ks[1], (2, E), 0, N),
        "batch": jnp.sort(jax.random.randint(ks[2], (N,), 0, G)),
        "edge_attr": jax.random.normal(ks[3], (E, ED), dtype=jnp.float32),
        "W1": jax.random.normal(ks[4], (L, D, D), dtype=jnp.float32) * s,
        "b1": jnp.zeros((L, D), dtype=jnp.float32),
        "W2": jax.random.normal(ks[5], (L, D, D), dtype=jnp.float32) * s,
        "b2": jnp.zeros((L, D), dtype=jnp.float32),
        "eps": jnp.zeros((L,), dtype=jnp.float32),
        "We": jax.random.normal(ks[6], (L, ED, D), dtype=jnp.float32) * 0.5,
        "be": jnp.zeros((L, D), dtype=jnp.float32),
        "gamma": jnp.ones((L, D), dtype=jnp.float32),
        "beta": jnp.zeros((L, D), dtype=jnp.float32),
        "Wm1": jax.random.normal(ks[7], (D, D), dtype=jnp.float32) * s,
        "bm1": jnp.zeros((D,), dtype=jnp.float32),
        "Wm2": jax.random.normal(ks[8], (D, D), dtype=jnp.float32) * s,
        "bm2": jnp.zeros((D,), dtype=jnp.float32),
        "Wm3": jax.random.normal(ks[9], (D, 1), dtype=jnp.float32) * s,
        "bm3": jnp.zeros((1,), dtype=jnp.float32),
    }
    return inp


def reference(x, edge_index, batch, edge_attr, W1, b1, W2, b2, eps, We, be,
              gamma, beta, Wm1, bm1, Wm2, bm2, Wm3, bm3):
    src = edge_index[0]
    dst = edge_index[1]
    h = x
    for i in range(L):
        h_res = h
        # GINEConv: message = relu(x_j + lin(edge_attr)); aggr = sum at dst
        e = edge_attr @ We[i] + be[i]
        msg = jax.nn.relu(h[src] + e)
        aggr = jax.ops.segment_sum(msg, dst, num_segments=N)
        h2 = (1.0 + eps[i]) * h + aggr
        # conv MLP: Linear -> ReLU -> Linear
        h2 = jax.nn.relu(h2 @ W1[i] + b1[i]) @ W2[i] + b2[i]
        # BatchNorm1d (training-mode batch statistics, biased variance like torch)
        mean = jnp.mean(h2, axis=0)
        var = jnp.var(h2, axis=0)
        h2 = gamma[i] * (h2 - mean) / jnp.sqrt(var + 1e-5) + beta[i]
        h2 = jax.nn.relu(h2)
        # dropout is identity in eval mode
        h = h2 + h_res
    # global_mean_pool
    sums = jax.ops.segment_sum(h, batch, num_segments=G)
    cnt = jax.ops.segment_sum(jnp.ones((h.shape[0], 1), h.dtype), batch, num_segments=G)
    pooled = sums / jnp.maximum(cnt, 1.0)
    # final MLP head
    o = jax.nn.relu(pooled @ Wm1 + bm1)
    o = jax.nn.relu(o @ Wm2 + bm2)
    return o @ Wm3 + bm3

if __name__ == "__main__":
    import jax
    _d = setup_inputs()
    print(jax.jit(kernel)(*tuple(_d.values())))

</pallas_src>

<mosaic_0001>
#map = affine_map<(d0, d1) -> (0, 0)>
#map1 = affine_map<(d0, d1) -> (0, 0, 0)>
#map2 = affine_map<(d0, d1) -> (0)>
module attributes {stable_mosaic.version = 14 : i64} {
  func.func @_sc_edge_body(%arg0: i32, %arg1: i32, %arg2: memref<20000x64xf32, #tpu.memory_space<hbm>>, %arg3: memref<16x250x80xi32, #tpu.memory_space<hbm>>, %arg4: memref<16x250x80xi32, #tpu.memory_space<hbm>>, %arg5: memref<1280128xf32, #tpu.memory_space<hbm>>, %arg6: memref<2x1x320xf32, #tpu.memory_space<hbm>>, %arg7: memref<2x10000x64xf32, #tpu.memory_space<hbm>>, %arg8: memref<250x80xi32, #tpu.memory_space<vmem>>, %arg9: memref<250x80xi32, #tpu.memory_space<vmem>>, %arg10: memref<2x384xf32, #tpu.memory_space<vmem>>, %arg11: memref<2x80x64xf32, #tpu.memory_space<vmem>>, %arg12: memref<2x80x64xf32, #tpu.memory_space<vmem>>, %arg13: memref<1x320xf32, #tpu.memory_space<vmem>>, %arg14: memref<10000x64xf32, #tpu.memory_space<vmem_shared>>, %arg15: memref<!tpu.dma_semaphore, #tpu.memory_space<semaphore_mem>>, %arg16: memref<!tpu.dma_semaphore, #tpu.memory_space<semaphore_mem>>, %arg17: memref<!tpu.dma_semaphore, #tpu.memory_space<semaphore_mem>>, %arg18: memref<!tpu.dma_semaphore, #tpu.memory_space<semaphore_mem>>, %arg19: memref<!tpu.dma_semaphore, #tpu.memory_space<semaphore_mem>>, %arg20: memref<!tpu.dma_semaphore, #tpu.memory_space<semaphore_mem>>) attributes {dimension_semantics = [#tpu.dimension_semantics<core_parallel>, #tpu.dimension_semantics<subcore_parallel>], iteration_bounds = array<i64: 2, 16>, scalar_prefetch = 0 : i64, scratch_operands = 13 : i64, tpu.core_type = #tpu.core_type<sc_vector_subcore>, window_params = [{transform_indices = #map}, {transform_indices = #map1}, {transform_indices = #map1}, {transform_indices = #map2}, {transform_indices = #map1}, {transform_indices = #map1}]} {
    "tpu.region"() ({
      %run_scoped3A_278 = tpu.sem_alloc : memref<!tpu.dma_semaphore, #tpu.memory_space<semaphore_mem>>
      %dma_start3A_279 = arith.constant 0 : i32
      %dma_start3A_280 = arith.constant 0 : i32
      %dma_start3A_281 = tpu.memref_slice %arg3[%arg1, %dma_start3A_279, %dma_start3A_280] : memref<16x250x80xi32, #tpu.memory_space<hbm>> -> memref<1x250x80xi32, #tpu.memory_space<hbm>>
      %dma_start3A_282 = tpu.memref_squeeze %dma_start3A_281 : memref<1x250x80xi32, #tpu.memory_space<hbm>> -> memref<250x80xi32, #tpu.memory_space<hbm>>
      %dma_start3A_283 = arith.constant 0 : i32
      %dma_start3A_284 = arith.constant 0 : i32
      %dma_start3A_285 = tpu.memref_slice %arg3[%arg1, %dma_start3A_283, %dma_start3A_284] : memref<16x250x80xi32, #tpu.memory_space<hbm>> -> memref<1x250x80xi32, #tpu.memory_space<hbm>>
      %dma_start3A_286 = tpu.memref_squeeze %dma_start3A_285 : memref<1x250x80xi32, #tpu.memory_space<hbm>> -> memref<250x80xi32, #tpu.memory_space<hbm>>
      tpu.enqueue_dma source(%dma_start3A_286 : memref<250x80xi32, #tpu.memory_space<hbm>>) target(%arg8 : memref<250x80xi32, #tpu.memory_space<vmem>>) target_semaphore(%run_scoped3A_278 : memref<!tpu.dma_semaphore, #tpu.memory_space<semaphore_mem>>)
      %dma_wait3A = arith.constant 0 : i32
      %dma_wait3A_287 = arith.constant 0 : i32
      %dma_wait3A_288 = tpu.memref_slice %arg3[%arg1, %dma_wait3A, %dma_wait3A_287] : memref<16x250x80xi32, #tpu.memory_space<hbm>> -> memref<1x250x80xi32, #tpu.memory_space<hbm>>
      %dma_wait3A_289 = tpu.memref_squeeze %dma_wait3A_288 : memref<1x250x80xi32, #tpu.memory_space<hbm>> -> memref<250x80xi32, #tpu.memory_space<hbm>>
      %dma_wait3A_290 = arith.constant 0 : i32
      %dma_wait3A_291 = arith.constant 0 : i32
      %dma_wait3A_292 = tpu.memref_slice %arg3[%arg1, %dma_wait3A_290, %dma_wait3A_291] : memref<16x250x80xi32, #tpu.memory_space<hbm>> -> memref<1x250x80xi32, #tpu.memory_space<hbm>>
      %dma_wait3A_293 = tpu.memref_squeeze %dma_wait3A_292 : memref<1x250x80xi32, #tpu.memory_space<hbm>> -> memref<250x80xi32, #tpu.memory_space<hbm>>
      tpu.wait_dma2 semaphore(%run_scoped3A_278 : memref<!tpu.dma_semaphore, #tpu.memory_space<semaphore_mem>>) src(%dma_wait3A_293 : memref<250x80xi32, #tpu.memory_space<hbm>>) dst(%arg8 : memref<250x80xi32, #tpu.memory_space<vmem>>)
      tpu.yield
    }) : () -> ()
    "tpu.region"() ({
      %run_scoped3A_278 = tpu.sem_alloc : memref<!tpu.dma_semaphore, #tpu.memory_space<semaphore_mem>>
      %dma_start3A_279 = arith.constant 0 : i32
      %dma_start3A_280 = arith.constant 0 : i32
      %dma_start3A_281 = tpu.memref_slice %arg4[%arg1, %dma_start3A_279, %dma_start3A_280] : memref<16x250x80xi32, #tpu.memory_space<hbm>> -> memref<1x250x80xi32, #tpu.memory_space<hbm>>
      %dma_start3A_282 = tpu.memref_squeeze %dma_start3A_281 : memref<1x250x80xi32, #tpu.memory_space<hbm>> -> memref<250x80xi32, #tpu.memory_space<hbm>>
      %dma_start3A_283 = arith.constant 0 : i32
      %dma_start3A_284 = arith.constant 0 : i32
      %dma_start3A_285 = tpu.memref_slice %arg4[%arg1, %dma_start3A_283, %dma_start3A_284] : memref<16x250x80xi32, #tpu.memory_space<hbm>> -> memref<1x250x80xi32, #tpu.memory_space<hbm>>
      %dma_start3A_286 = tpu.memref_squeeze %dma_start3A_285 : memref<1x250x80xi32, #tpu.memory_space<hbm>> -> memref<250x80xi32, #tpu.memory_space<hbm>>
      tpu.enqueue_dma source(%dma_start3A_286 : memref<250x80xi32, #tpu.memory_space<hbm>>) target(%arg9 : memref<250x80xi32, #tpu.memory_space<vmem>>) target_semaphore(%run_scoped3A_278 : memref<!tpu.dma_semaphore, #tpu.memory_space<semaphore_mem>>)
      %dma_wait3A = arith.constant 0 : i32
      %dma_wait3A_287 = arith.constant 0 : i32
      %dma_wait3A_288 = tpu.memref_slice %arg4[%arg1, %dma_wait3A, %dma_wait3A_287] : memref<16x250x80xi32, #tpu.memory_space<hbm>> -> memref<1x250x80xi32, #tpu.memory_space<hbm>>
      %dma_wait3A_289 = tpu.memref_squeeze %dma_wait3A_288 : memref<1x250x80xi32, #tpu.memory_space<hbm>> -> memref<250x80xi32, #tpu.memory_space<hbm>>
      %dma_wait3A_290 = arith.constant 0 : i32
      %dma_wait3A_291 = arith.constant 0 : i32
      %dma_wait3A_292 = tpu.memref_slice %arg4[%arg1, %dma_wait3A_290, %dma_wait3A_291] : memref<16x250x80xi32, #tpu.memory_space<hbm>> -> memref<1x250x80xi32, #tpu.memory_space<hbm>>
      %dma_wait3A_293 = tpu.memref_squeeze %dma_wait3A_292 : memref<1x250x80xi32, #tpu.memory_space<hbm>> -> memref<250x80xi32, #tpu.memory_space<hbm>>
      tpu.wait_dma2 semaphore(%run_scoped3A_278 : memref<!tpu.dma_semaphore, #tpu.memory_space<semaphore_mem>>) src(%dma_wait3A_293 : memref<250x80xi32, #tpu.memory_space<hbm>>) dst(%arg9 : memref<250x80xi32, #tpu.memory_space<vmem>>)
      tpu.yield
    }) : () -> ()
    "tpu.region"() ({
      %run_scoped3A_278 = tpu.sem_alloc : memref<!tpu.dma_semaphore, #tpu.memory_space<semaphore_mem>>
      %dma_start3A_279 = arith.constant 0 : i32
      %dma_start3A_280 = arith.constant 0 : i32
      %dma_start3A_281 = tpu.memref_slice %arg6[%arg0, %dma_start3A_279, %dma_start3A_280] : memref<2x1x320xf32, #tpu.memory_space<hbm>> -> memref<1x1x320xf32, #tpu.memory_space<hbm>>
      %dma_start3A_282 = tpu.memref_squeeze %dma_start3A_281 : memref<1x1x320xf32, #tpu.memory_space<hbm>> -> memref<1x320xf32, #tpu.memory_space<hbm>>
      %dma_start3A_283 = arith.constant 0 : i32
      %dma_start3A_284 = arith.constant 0 : i32
      %dma_start3A_285 = tpu.memref_slice %arg6[%arg0, %dma_start3A_283, %dma_start3A_284] : memref<2x1x320xf32, #tpu.memory_space<hbm>> -> memref<1x1x320xf32, #tpu.memory_space<hbm>>
      %dma_start3A_286 = tpu.memref_squeeze %dma_start3A_285 : memref<1x1x320xf32, #tpu.memory_space<hbm>> -> memref<1x320xf32, #tpu.memory_space<hbm>>
      tpu.enqueue_dma source(%dma_start3A_286 : memref<1x320xf32, #tpu.memory_space<hbm>>) target(%arg13 : memref<1x320xf32, #tpu.memory_space<vmem>>) target_semaphore(%run_scoped3A_278 : memref<!tpu.dma_semaphore, #tpu.memory_space<semaphore_mem>>)
      %dma_wait3A = arith.constant 0 : i32
      %dma_wait3A_287 = arith.constant 0 : i32
      %dma_wait3A_288 = tpu.memref_slice %arg6[%arg0, %dma_wait3A, %dma_wait3A_287] : memref<2x1x320xf32, #tpu.memory_space<hbm>> -> memref<1x1x320xf32, #tpu.memory_space<hbm>>
      %dma_wait3A_289 = tpu.memref_squeeze %dma_wait3A_288 : memref<1x1x320xf32, #tpu.memory_space<hbm>> -> memref<1x320xf32, #tpu.memory_space<hbm>>
      %dma_wait3A_290 = arith.constant 0 : i32
      %dma_wait3A_291 = arith.constant 0 : i32
      %dma_wait3A_292 = tpu.memref_slice %arg6[%arg0, %dma_wait3A_290, %dma_wait3A_291] : memref<2x1x320xf32, #tpu.memory_space<hbm>> -> memref<1x1x320xf32, #tpu.memory_space<hbm>>
      %dma_wait3A_293 = tpu.memref_squeeze %dma_wait3A_292 : memref<1x1x320xf32, #tpu.memory_space<hbm>> -> memref<1x320xf32, #tpu.memory_space<hbm>>
      tpu.wait_dma2 semaphore(%run_scoped3A_278 : memref<!tpu.dma_semaphore, #tpu.memory_space<semaphore_mem>>) src(%dma_wait3A_293 : memref<1x320xf32, #tpu.memory_space<hbm>>) dst(%arg13 : memref<1x320xf32, #tpu.memory_space<vmem>>)
      tpu.yield
    }) : () -> ()
    %parallel_loop3A = arith.constant 0 : i32
    %parallel_loop3A_0 = arith.constant 80 : i32
    %parallel_loop3A_1 = arith.constant 1 : i32
    scf.for %parallel_loop3A_278 = %parallel_loop3A to %parallel_loop3A_0 step %parallel_loop3A_1  : i32 {
      %parallel_loop3A_279 = arith.constant 0.000000e+00 : f32
      %parallel_loop3A_280 = vector.broadcast %parallel_loop3A_279 : f32 to vector<16xf32>
      %parallel_loop3A_281 = arith.constant 0 : i32
      %parallel_loop3A_282 = arith.index_cast %parallel_loop3A_281 : i32 to index
      %parallel_loop3A_283 = arith.index_cast %parallel_loop3A_278 : i32 to index
      %parallel_loop3A_284 = arith.constant 0 : index
      %parallel_loop3A_285 = tpu.vector_load %arg12[%parallel_loop3A_282, %parallel_loop3A_283, %parallel_loop3A_284] {strides = array<i32>} : memref<2x80x64xf32, #tpu.memory_space<vmem>>, vector<1x1x16xf32>,
      %parallel_loop3A_286 = vector.shape_cast %parallel_loop3A_285 : vector<1x1x16xf32> to vector<16xf32>
      %parallel_loop3A_287 = vector.shape_cast %parallel_loop3A_280 : vector<16xf32> to vector<1x1x16xf32>
      tpu.vector_store %arg12[%parallel_loop3A_282, %parallel_loop3A_283, %parallel_loop3A_284], %parallel_loop3A_287 {strides = array<i32>} : memref<2x80x64xf32, #tpu.memory_space<vmem>>, vector<1x1x16xf32>,
      %parallel_loop3A_288 = arith.constant 0.000000e+00 : f32
      %parallel_loop3A_289 = vector.broadcast %parallel_loop3A_288 : f32 to vector<16xf32>
      %parallel_loop3A_290 = arith.constant 0 : i32
      %parallel_loop3A_291 = arith.index_cast %parallel_loop3A_290 : i32 to index
      %parallel_loop3A_292 = arith.index_cast %parallel_loop3A_278 : i32 to index
      %parallel_loop3A_293 = arith.constant 16 : index
      %parallel_loop3A_294 = tpu.vector_load %arg12[%parallel_loop3A_291, %parallel_loop3A_292, %parallel_loop3A_293] {strides = array<i32>} : memref<2x80x64xf32, #tpu.memory_space<vmem>>, vector<1x1x16xf32>,
      %parallel_loop3A_295 = vector.shape_cast %parallel_loop3A_294 : vector<1x1x16xf32> to vector<16xf32>
      %parallel_loop3A_296 = vector.shape_cast %parallel_loop3A_289 : vector<16xf32> to vector<1x1x16xf32>
      tpu.vector_store %arg12[%parallel_loop3A_291, %parallel_loop3A_292, %parallel_loop3A_293], %parallel_loop3A_296 {strides = array<i32>} : memref<2x80x64xf32, #tpu.memory_space<vmem>>, vector<1x1x16xf32>,
      %parallel_loop3A_297 = arith.constant 0.000000e+00 : f32
      %parallel_loop3A_298 = vector.broadcast %parallel_loop3A_297 : f32 to vector<16xf32>
      %parallel_loop3A_299 = arith.constant 0 : i32
      %parallel_loop3A_300 = arith.index_cast %parallel_loop3A_299 : i32 to index
      %parallel_loop3A_301 = arith.index_cast %parallel_loop3A_278 : i32 to index
      %parallel_loop3A_302 = arith.constant 32 : index
      %parallel_loop3A_303 = tpu.vector_load %arg12[%parallel_loop3A_300, %parallel_loop3A_301, %parallel_loop3A_302] {strides = array<i32>} : memref<2x80x64xf32, #tpu.memory_space<vmem>>, vector<1x1x16xf32>,
      %parallel_loop3A_304 = vector.shape_cast %parallel_loop3A_303 : vector<1x1x16xf32> to vector<16xf32>
      %parallel_loop3A_305 = vector.shape_cast %parallel_loop3A_298 : vector<16xf32> to vector<1x1x16xf32>
      tpu.vector_store %arg12[%parallel_loop3A_300, %parallel_loop3A_301, %parallel_loop3A_302], %parallel_loop3A_305 {strides = array<i32>} : memref<2x80x64xf32, #tpu.memory_space<vmem>>, vector<1x1x16xf32>,
      %parallel_loop3A_306 = arith.constant 0.000000e+00 : f32
      %parallel_loop3A_307 = vector.broadcast %parallel_loop3A_306 : f32 to vector<16xf32>
      %parallel_loop3A_308 = arith.constant 0 : i32
      %parallel_loop3A_309 = arith.index_cast %parallel_loop3A_308 : i32 to index
      %parallel_loop3A_310 = arith.index_cast %parallel_loop3A_278 : i32 to index
      %parallel_loop3A_311 = arith.constant 48 : index
      %parallel_loop3A_312 = tpu.vector_load %arg12[%parallel_loop3A_309, %parallel_loop3A_310, %parallel_loop3A_311] {strides = array<i32>} : memref<2x80x64xf32, #tpu.memory_space<vmem>>, vector<1x1x16xf32>,
      %parallel_loop3A_313 = vector.shape_cast %parallel_loop3A_312 : vector<1x1x16xf32> to vector<16xf32>
      %parallel_loop3A_314 = vector.shape_cast %parallel_loop3A_307 : vector<16xf32> to vector<1x1x16xf32>
      tpu.vector_store %arg12[%parallel_loop3A_309, %parallel_loop3A_310, %parallel_loop3A_311], %parallel_loop3A_314 {strides = array<i32>} : memref<2x80x64xf32, #tpu.memory_space<vmem>>, vector<1x1x16xf32>,
    } {sc.loop_unroll_factor = 4 : i64, sc.parallel_access}
    %parallel_loop3A_2 = arith.constant 0 : i32
    %parallel_loop3A_3 = arith.constant 1250 : i32
    %parallel_loop3A_4 = arith.constant 1 : i32
    scf.for %parallel_loop3A_278 = %parallel_loop3A_2 to %parallel_loop3A_3 step %parallel_loop3A_4  : i32 {
      %parallel_loop3A_279 = arith.constant 5 : i32
      %parallel_loop3A_280 = arith.divsi %parallel_loop3A_278, %parallel_loop3A_279 : i32
      %parallel_loop3A_281 = arith.constant 0 : i32
      %parallel_loop3A_282 = arith.cmpi sgt, %parallel_loop3A_278, %parallel_loop3A_281 : i32
      %parallel_loop3A_283 = arith.extui %parallel_loop3A_282 : i1 to i32
      %parallel_loop3A_284 = arith.constant 0 : i32
      %parallel_loop3A_285 = arith.cmpi slt, %parallel_loop3A_278, %parallel_loop3A_284 : i32
      %parallel_loop3A_286 = arith.extui %parallel_loop3A_285 : i1 to i32
      %parallel_loop3A_287 = arith.subi %parallel_loop3A_283, %parallel_loop3A_286 : i32
      %parallel_loop3A_288 = arith.constant 0 : i32
      %parallel_loop3A_289 = arith.cmpi sgt, %parallel_loop3A_279, %parallel_loop3A_288 : i32
      %parallel_loop3A_290 = arith.extui %parallel_loop3A_289 : i1 to i32
      %parallel_loop3A_291 = arith.constant 0 : i32
      %parallel_loop3A_292 = arith.cmpi slt, %parallel_loop3A_279, %parallel_loop3A_291 : i32
      %parallel_loop3A_293 = arith.extui %parallel_loop3A_292 : i1 to i32
      %parallel_loop3A_294 = arith.subi %parallel_loop3A_290, %parallel_loop3A_293 : i32
      %parallel_loop3A_295 = arith.cmpi ne, %parallel_loop3A_287, %parallel_loop3A_294 : i32
      %parallel_loop3A_296 = arith.remsi %parallel_loop3A_278, %parallel_loop3A_279 : i32
      %parallel_loop3A_297 = arith.constant 0 : i32
      %parallel_loop3A_298 = arith.cmpi ne, %parallel_loop3A_296, %parallel_loop3A_297 : i32
      %parallel_loop3A_299 = arith.andi %parallel_loop3A_295, %parallel_loop3A_298 : i1
      %parallel_loop3A_300 = arith.constant 1 : i32
      %parallel_loop3A_301 = arith.subi %parallel_loop3A_280, %parallel_loop3A_300 : i32
      %parallel_loop3A_302 = arith.select %parallel_loop3A_299, %parallel_loop3A_301, %parallel_loop3A_280 : i32
      %parallel_loop3A_303 = arith.constant 5 : i32
      %parallel_loop3A_304 = arith.constant 0 : i32
      %parallel_loop3A_305 = arith.cmpi eq, %parallel_loop3A_303, %parallel_loop3A_304 : i32
      %parallel_loop3A_306 = arith.constant 1 : i32
      %parallel_loop3A_307 = arith.select %parallel_loop3A_305, %parallel_loop3A_306, %parallel_loop3A_303 : i32
      %parallel_loop3A_308 = arith.remsi %parallel_loop3A_278, %parallel_loop3A_307 : i32
      %parallel_loop3A_309 = arith.constant 0 : i32
      %parallel_loop3A_310 = arith.cmpi ne, %parallel_loop3A_308, %parallel_loop3A_309 : i32
      %parallel_loop3A_311 = arith.constant 0 : i32
      %parallel_loop3A_312 = arith.cmpi slt, %parallel_loop3A_308, %parallel_loop3A_311 : i32
      %parallel_loop3A_313 = arith.constant 0 : i32
      %parallel_loop3A_314 = arith.cmpi slt, %parallel_loop3A_307, %parallel_loop3A_313 : i32
      %parallel_loop3A_315 = arith.xori %parallel_loop3A_312, %parallel_loop3A_314 : i1
      %parallel_loop3A_316 = arith.andi %parallel_loop3A_315, %parallel_loop3A_310 : i1
      %parallel_loop3A_317 = arith.addi %parallel_loop3A_308, %parallel_loop3A_307 : i32
      %parallel_loop3A_318 = arith.select %parallel_loop3A_316, %parallel_loop3A_317, %parallel_loop3A_308 : i32
      %parallel_loop3A_319 = arith.constant 16 : i32
      %parallel_loop3A_320 = arith.muli %parallel_loop3A_318, %parallel_loop3A_319 : i32
      %parallel_loop3A_321 = arith.index_cast %parallel_loop3A_302 : i32 to index
      %parallel_loop3A_322 = arith.index_cast %parallel_loop3A_320 : i32 to index
      %parallel_loop3A_323 = tpu.vector_load %arg8[%parallel_loop3A_321, %parallel_loop3A_322] {strides = array<i32>} : memref<250x80xi32, #tpu.memory_space<vmem>>, vector<1x16xi32>,
      %parallel_loop3A_324 = vector.shape_cast %parallel_loop3A_323 : vector<1x16xi32> to vector<16xi32>
      %parallel_loop3A_325 = arith.constant 2 : i32
      %parallel_loop3A_326 = vector.broadcast %parallel_loop3A_325 : i32 to vector<16xi32>
      %parallel_loop3A_327 = arith.muli %parallel_loop3A_324, %parallel_loop3A_326 : vector<16xi32>
      %parallel_loop3A_328 = vector.broadcast %arg0 : i32 to vector<16xi32>
      %parallel_loop3A_329 = arith.addi %parallel_loop3A_327, %parallel_loop3A_328 : vector<16xi32>
      %parallel_loop3A_330 = arith.index_cast %parallel_loop3A_302 : i32 to index
      %parallel_loop3A_331 = arith.index_cast %parallel_loop3A_320 : i32 to index
      %parallel_loop3A_332 = tpu.vector_load %arg8[%parallel_loop3A_330, %parallel_loop3A_331] {strides = array<i32>} : memref<250x80xi32, #tpu.memory_space<vmem>>, vector<1x16xi32>,
      %parallel_loop3A_333 = vector.shape_cast %parallel_loop3A_332 : vector<1x16xi32> to vector<16xi32>
      %parallel_loop3A_334 = vector.shape_cast %parallel_loop3A_329 : vector<16xi32> to vector<1x16xi32>
      tpu.vector_store %arg8[%parallel_loop3A_330, %parallel_loop3A_331], %parallel_loop3A_334 {strides = array<i32>} : memref<250x80xi32, #tpu.memory_space<vmem>>, vector<1x16xi32>,
    } {sc.loop_unroll_factor = 8 : i64, sc.parallel_access}
    %mul3A = arith.constant 624 : i32
    %mul3A_5 = arith.muli %arg1, %mul3A : i32
    %multiple_of3A = tpu.assume_multiple %mul3A_5, 8 : i32
    %add3A = arith.constant 0 : i32
    %add3A_6 = arith.addi %multiple_of3A, %add3A : i32
    %run_scoped3A = arith.constant 0 : i32
    "tpu.region"() ({
      %run_scoped3A_278 = tpu.sem_alloc : memref<!tpu.dma_semaphore, #tpu.memory_space<semaphore_mem>>
      %dma_start3A_279 = arith.constant 0 : i32
      %dma_start3A_280 = arith.constant 0 : i32
      %dma_start3A_281 = tpu.memref_slice %arg12[%run_scoped3A, %dma_start3A_279, %dma_start3A_280] : memref<2x80x64xf32, #tpu.memory_space<vmem>> -> memref<1x80x64xf32, #tpu.memory_space<vmem>>
      %dma_start3A_282 = tpu.memref_squeeze %dma_start3A_281 : memref<1x80x64xf32, #tpu.memory_space<vmem>> -> memref<80x64xf32, #tpu.memory_space<vmem>>
      %dma_start3A_283 = arith.constant 0 : i32
      %dma_start3A_284 = tpu.memref_slice %arg14[%add3A_6, %dma_start3A_283] : memref<10000x64xf32, #tpu.memory_space<vmem_shared>> -> memref<80x64xf32, #tpu.memory_space<vmem_shared>>
      %dma_start3A_285 = arith.constant 0 : i32
      %dma_start3A_286 = tpu.memref_slice %arg14[%add3A_6, %dma_start3A_285] : memref<10000x64xf32, #tpu.memory_space<vmem_shared>> -> memref<80x64xf32, #tpu.memory_space<vmem_shared>>
      %dma_start3A_287 = arith.constant 0 : i32
      %dma_start3A_288 = arith.constant 0 : i32
      %dma_start3A_289 = tpu.memref_slice %arg12[%run_scoped3A, %dma_start3A_287, %dma_start3A_288] : memref<2x80x64xf32, #tpu.memory_space<vmem>> -> memref<1x80x64xf32, #tpu.memory_space<vmem>>
      %dma_start3A_290 = tpu.memref_squeeze %dma_start3A_289 : memref<1x80x64xf32, #tpu.memory_space<vmem>> -> memref<80x64xf32, #tpu.memory_space<vmem>>
      tpu.enqueue_dma source(%dma_start3A_290 : memref<80x64xf32, #tpu.memory_space<vmem>>) target(%dma_start3A_286 : memref<80x64xf32, #tpu.memory_space<vmem_shared>>) target_semaphore(%run_scoped3A_278 : memref<!tpu.dma_semaphore, #tpu.memory_space<semaphore_mem>>)
      %dma_wait3A = arith.constant 0 : i32
      %dma_wait3A_291 = arith.constant 0 : i32
      %dma_wait3A_292 = tpu.memref_slice %arg12[%run_scoped3A, %dma_wait3A, %dma_wait3A_291] : memref<2x80x64xf32, #tpu.memory_space<vmem>> -> memref<1x80x64xf32, #tpu.memory_space<vmem>>
      %dma_wait3A_293 = tpu.memref_squeeze %dma_wait3A_292 : memref<1x80x64xf32, #tpu.memory_space<vmem>> -> memref<80x64xf32, #tpu.memory_space<vmem>>
      %dma_wait3A_294 = arith.constant 0 : i32
      %dma_wait3A_295 = tpu.memref_slice %arg14[%add3A_6, %dma_wait3A_294] : memref<10000x64xf32, #tpu.memory_space<vmem_shared>> -> memref<80x64xf32, #tpu.memory_space<vmem_shared>>
      %dma_wait3A_296 = arith.constant 0 : i32
      %dma_wait3A_297 = tpu.memref_slice %arg14[%add3A_6, %dma_wait3A_296] : memref<10000x64xf32, #tpu.memory_space<vmem_shared>> -> memref<80x64xf32, #tpu.memory_space<vmem_shared>>
      %dma_wait3A_298 = arith.constant 0 : i32
      %dma_wait3A_299 = arith.constant 0 : i32
      %dma_wait3A_300 = tpu.memref_slice %arg12[%run_scoped3A, %dma_wait3A_298, %dma_wait3A_299] : memref<2x80x64xf32, #tpu.memory_space<vmem>> -> memref<1x80x64xf32, #tpu.memory_space<vmem>>
      %dma_wait3A_301 = tpu.memref_squeeze %dma_wait3A_300 : memref<1x80x64xf32, #tpu.memory_space<vmem>> -> memref<80x64xf32, #tpu.memory_space<vmem>>
      tpu.wait_dma2 semaphore(%run_scoped3A_278 : memref<!tpu.dma_semaphore, #tpu.memory_space<semaphore_mem>>) src(%dma_wait3A_301 : memref<80x64xf32, #tpu.memory_space<vmem>>) dst(%dma_wait3A_297 : memref<80x64xf32, #tpu.memory_space<vmem_shared>>)
      tpu.yield
    }) : () -> ()
    %add3A_7 = arith.constant 80 : i32
    %add3A_8 = arith.addi %multiple_of3A, %add3A_7 : i32
    %run_scoped3A_9 = arith.constant 0 : i32
    "tpu.region"() ({
      %run_scoped3A_278 = tpu.sem_alloc : memref<!tpu.dma_semaphore, #tpu.memory_space<semaphore_mem>>
      %dma_start3A_279 = arith.constant 0 : i32
      %dma_start3A_280 = arith.constant 0 : i32
      %dma_start3A_281 = tpu.memref_slice %arg12[%run_scoped3A_9, %dma_start3A_279, %dma_start3A_280] : memref<2x80x64xf32, #tpu.memory_space<vmem>> -> memref<1x80x64xf32, #tpu.memory_space<vmem>>
      %dma_start3A_282 = tpu.memref_squeeze %dma_start3A_281 : memref<1x80x64xf32, #tpu.memory_space<vmem>> -> memref<80x64xf32, #tpu.memory_space<vmem>>
      %dma_start3A_283 = arith.constant 0 : i32
      %dma_start3A_284 = tpu.memref_slice %arg14[%add3A_8, %dma_start3A_283] : memref<10000x64xf32, #tpu.memory_space<vmem_shared>> -> memref<80x64xf32, #tpu.memory_space<vmem_shared>>
      %dma_start3A_285 = arith.constant 0 : i32
      %dma_start3A_286 = tpu.memref_slice %arg14[%add3A_8, %dma_start3A_285] : memref<10000x64xf32, #tpu.memory_space<vmem_shared>> -> memref<80x64xf32, #tpu.memory_space<vmem_shared>>
      %dma_start3A_287 = arith.constant 0 : i32
      %dma_start3A_288 = arith.constant 0 : i32
      %dma_start3A_289 = tpu.memref_slice %arg12[%run_scoped3A_9, %dma_start3A_287, %dma_start3A_288] : memref<2x80x64xf32, #tpu.memory_space<vmem>> -> memref<1x80x64xf32, #tpu.memory_space<vmem>>
      %dma_start3A_290 = tpu.memref_squeeze %dma_start3A_289 : memref<1x80x64xf32, #tpu.memory_space<vmem>> -> memref<80x64xf32, #tpu.memory_space<vmem>>
      tpu.enqueue_dma source(%dma_start3A_290 : memref<80x64xf32, #tpu.memory_space<vmem>>) target(%dma_start3A_286 : memref<80x64xf32, #tpu.memory_space<vmem_shared>>) target_semaphore(%run_scoped3A_278 : memref<!tpu.dma_semaphore, #tpu.memory_space<semaphore_mem>>)
      %dma_wait3A = arith.constant 0 : i32
      %dma_wait3A_291 = arith.constant 0 : i32
      %dma_wait3A_292 = tpu.memref_slice %arg12[%run_scoped3A_9, %dma_wait3A, %dma_wait3A_291] : memref<2x80x64xf32, #tpu.memory_space<vmem>> -> memref<1x80x64xf32, #tpu.memory_space<vmem>>
      %dma_wait3A_293 = tpu.memref_squeeze %dma_wait3A_292 : memref<1x80x64xf32, #tpu.memory_space<vmem>> -> memref<80x64xf32, #tpu.memory_space<vmem>>
      %dma_wait3A_294 = arith.constant 0 : i32
      %dma_wait3A_295 = tpu.memref_slice %arg14[%add3A_8, %dma_wait3A_294] : memref<10000x64xf32, #tpu.memory_space<vmem_shared>> -> memref<80x64xf32, #tpu.memory_space<vmem_shared>>
      %dma_wait3A_296 = arith.constant 0 : i32
      %dma_wait3A_297 = tpu.memref_slice %arg14[%add3A_8, %dma_wait3A_296] : memref<10000x64xf32, #tpu.memory_space<vmem_shared>> -> memref<80x64xf32, #tpu.memory_space<vmem_shared>>
      %dma_wait3A_298 = arith.constant 0 : i32
      %dma_wait3A_299 = arith.constant 0 : i32
      %dma_wait3A_300 = tpu.memref_slice %arg12[%run_scoped3A_9, %dma_wait3A_298, %dma_wait3A_299] : memref<2x80x64xf32, #tpu.memory_space<vmem>> -> memref<1x80x64xf32, #tpu.memory_space<vmem>>
      %dma_wait3A_301 = tpu.memref_squeeze %dma_wait3A_300 : memref<1x80x64xf32, #tpu.memory_space<vmem>> -> memref<80x64xf32, #tpu.memory_space<vmem>>
      tpu.wait_dma2 semaphore(%run_scoped3A_278 : memref<!tpu.dma_semaphore, #tpu.memory_space<semaphore_mem>>) src(%dma_wait3A_301 : memref<80x64xf32, #tpu.memory_space<vmem>>) dst(%dma_wait3A_297 : memref<80x64xf32, #tpu.memory_space<vmem_shared>>)
      tpu.yield
    }) : () -> ()
    %add3A_10 = arith.constant 160 : i32
    %add3A_11 = arith.addi %multiple_of3A, %add3A_10 : i32
    %run_scoped3A_12 = arith.constant 0 : i32
    "tpu.region"() ({
      %run_scoped3A_278 = tpu.sem_alloc : memref<!tpu.dma_semaphore, #tpu.memory_space<semaphore_mem>>
      %dma_start3A_279 = arith.constant 0 : i32
      %dma_start3A_280 = arith.constant 0 : i32
      %dma_start3A_281 = tpu.memref_slice %arg12[%run_scoped3A_12, %dma_start3A_279, %dma_start3A_280] : memref<2x80x64xf32, #tpu.memory_space<vmem>> -> memref<1x80x64xf32, #tpu.memory_space<vmem>>
      %dma_start3A_282 = tpu.memref_squeeze %dma_start3A_281 : memref<1x80x64xf32, #tpu.memory_space<vmem>> -> memref<80x64xf32, #tpu.memory_space<vmem>>
      %dma_start3A_283 = arith.constant 0 : i32
      %dma_start3A_284 = tpu.memref_slice %arg14[%add3A_11, %dma_start3A_283] : memref<10000x64xf32, #tpu.memory_space<vmem_shared>> -> memref<80x64xf32, #tpu.memory_space<vmem_shared>>
      %dma_start3A_285 = arith.constant 0 : i32
      %dma_start3A_286 = tpu.memref_slice %arg14[%add3A_11, %dma_start3A_285] : memref<10000x64xf32, #tpu.memory_space<vmem_shared>> -> memref<80x64xf32, #tpu.memory_space<vmem_shared>>
      %dma_start3A_287 = arith.constant 0 : i32
      %dma_start3A_288 = arith.constant 0 : i32
      %dma_start3A_289 = tpu.memref_slice %arg12[%run_scoped3A_12, %dma_start3A_287, %dma_start3A_288] : memref<2x80x64xf32, #tpu.memory_space<vmem>> -> memref<1x80x64xf32, #tpu.memory_space<vmem>>
      %dma_start3A_290 = tpu.memref_squeeze %dma_start3A_289 : memref<1x80x64xf32, #tpu.memory_space<vmem>> -> memref<80x64xf32, #tpu.memory_space<vmem>>
      tpu.enqueue_dma source(%dma_start3A_290 : memref<80x64xf32, #tpu.memory_space<vmem>>) target(%dma_start3A_286 : memref<80x64xf32, #tpu.memory_space<vmem_shared>>) target_semaphore(%run_scoped3A_278 : memref<!tpu.dma_semaphore, #tpu.memory_space<semaphore_mem>>)
      %dma_wait3A = arith.constant 0 : i32
      %dma_wait3A_291 = arith.constant 0 : i32
      %dma_wait3A_292 = tpu.memref_slice %arg12[%run_scoped3A_12, %dma_wait3A, %dma_wait3A_291] : memref<2x80x64xf32, #tpu.memory_space<vmem>> -> memref<1x80x64xf32, #tpu.memory_space<vmem>>
      %dma_wait3A_293 = tpu.memref_squeeze %dma_wait3A_292 : memref<1x80x64xf32, #tpu.memory_space<vmem>> -> memref<80x64xf32, #tpu.memory_space<vmem>>
      %dma_wait3A_294 = arith.constant 0 : i32
      %dma_wait3A_295 = tpu.memref_slice %arg14[%add3A_11, %dma_wait3A_294] : memref<10000x64xf32, #tpu.memory_space<vmem_shared>> -> memref<80x64xf32, #tpu.memory_space<vmem_shared>>
      %dma_wait3A_296 = arith.constant 0 : i32
      %dma_wait3A_297 = tpu.memref_slice %arg14[%add3A_11, %dma_wait3A_296] : memref<10000x64xf32, #tpu.memory_space<vmem_shared>> -> memref<80x64xf32, #tpu.memory_space<vmem_shared>>
      %dma_wait3A_298 = arith.constant 0 : i32
      %dma_wait3A_299 = arith.constant 0 : i32
      %dma_wait3A_300 = tpu.memref_slice %arg12[%run_scoped3A_12, %dma_wait3A_298, %dma_wait3A_299] : memref<2x80x64xf32, #tpu.memory_space<vmem>> -> memref<1x80x64xf32, #tpu.memory_space<vmem>>
      %dma_wait3A_301 = tpu.memref_squeeze %dma_wait3A_300 : memref<1x80x64xf32, #tpu.memory_space<vmem>> -> memref<80x64xf32, #tpu.memory_space<vmem>>
      tpu.wait_dma2 semaphore(%run_scoped3A_278 : memref<!tpu.dma_semaphore, #tpu.memory_space<semaphore_mem>>) src(%dma_wait3A_301 : memref<80x64xf32, #tpu.memory_space<vmem>>) dst(%dma_wait3A_297 : memref<80x64xf32, #tpu.memory_space<vmem_shared>>)
      tpu.yield
    }) : () -> ()
    %add3A_13 = arith.constant 240 : i32
    %add3A_14 = arith.addi %multiple_of3A, %add3A_13 : i32
    %run_scoped3A_15 = arith.constant 0 : i32
    "tpu.region"() ({
      %run_scoped3A_278 = tpu.sem_alloc : memref<!tpu.dma_semaphore, #tpu.memory_space<semaphore_mem>>
      %dma_start3A_279 = arith.constant 0 : i32
      %dma_start3A_280 = arith.constant 0 : i32
      %dma_start3A_281 = tpu.memref_slice %arg12[%run_scoped3A_15, %dma_start3A_279, %dma_start3A_280] : memref<2x80x64xf32, #tpu.memory_space<vmem>> -> memref<1x80x64xf32, #tpu.memory_space<vmem>>
      %dma_start3A_282 = tpu.memref_squeeze %dma_start3A_281 : memref<1x80x64xf32, #tpu.memory_space<vmem>> -> memref<80x64xf32, #tpu.memory_space<vmem>>
      %dma_start3A_283 = arith.constant 0 : i32
      %dma_start3A_284 = tpu.memref_slice %arg14[%add3A_14, %dma_start3A_283] : memref<10000x64xf32, #tpu.memory_space<vmem_shared>> -> memref<80x64xf32, #tpu.memory_space<vmem_shared>>
      %dma_start3A_285 = arith.constant 0 : i32
      %dma_start3A_286 = tpu.memref_slice %arg14[%add3A_14, %dma_start3A_285] : memref<10000x64xf32, #tpu.memory_space<vmem_shared>> -> memref<80x64xf32, #tpu.memory_space<vmem_shared>>
      %dma_start3A_287 = arith.constant 0 : i32
      %dma_start3A_288 = arith.constant 0 : i32
      %dma_start3A_289 = tpu.memref_slice %arg12[%run_scoped3A_15, %dma_start3A_287, %dma_start3A_288] : memref<2x80x64xf32, #tpu.memory_space<vmem>> -> memref<1x80x64xf32, #tpu.memory_space<vmem>>
      %dma_start3A_290 = tpu.memref_squeeze %dma_start3A_289 : memref<1x80x64xf32, #tpu.memory_space<vmem>> -> memref<80x64xf32, #tpu.memory_space<vmem>>
      tpu.enqueue_dma source(%dma_start3A_290 : memref<80x64xf32, #tpu.memory_space<vmem>>) target(%dma_start3A_286 : memref<80x64xf32, #tpu.memory_space<vmem_shared>>) target_semaphore(%run_scoped3A_278 : memref<!tpu.dma_semaphore, #tpu.memory_space<semaphore_mem>>)
      %dma_wait3A = arith.constant 0 : i32
      %dma_wait3A_291 = arith.constant 0 : i32
      %dma_wait3A_292 = tpu.memref_slice %arg12[%run_scoped3A_15, %dma_wait3A, %dma_wait3A_291] : memref<2x80x64xf32, #tpu.memory_space<vmem>> -> memref<1x80x64xf32, #tpu.memory_space<vmem>>
      %dma_wait3A_293 = tpu.memref_squeeze %dma_wait3A_292 : memref<1x80x64xf32, #tpu.memory_space<vmem>> -> memref<80x64xf32, #tpu.memory_space<vmem>>
      %dma_wait3A_294 = arith.constant 0 : i32
      %dma_wait3A_295 = tpu.memref_slice %arg14[%add3A_14, %dma_wait3A_294] : memref<10000x64xf32, #tpu.memory_space<vmem_shared>> -> memref<80x64xf32, #tpu.memory_space<vmem_shared>>
      %dma_wait3A_296 = arith.constant 0 : i32
      %dma_wait3A_297 = tpu.memref_slice %arg14[%add3A_14, %dma_wait3A_296] : memref<10000x64xf32, #tpu.memory_space<vmem_shared>> -> memref<80x64xf32, #tpu.memory_space<vmem_shared>>
      %dma_wait3A_298 = arith.constant 0 : i32
      %dma_wait3A_299 = arith.constant 0 : i32
      %dma_wait3A_300 = tpu.memref_slice %arg12[%run_scoped3A_15, %dma_wait3A_298, %dma_wait3A_299] : memref<2x80x64xf32, #tpu.memory_space<vmem>> -> memref<1x80x64xf32, #tpu.memory_space<vmem>>
      %dma_wait3A_301 = tpu.memref_squeeze %dma_wait3A_300 : memref<1x80x64xf32, #tpu.memory_space<vmem>> -> memref<80x64xf32, #tpu.memory_space<vmem>>
      tpu.wait_dma2 semaphore(%run_scoped3A_278 : memref<!tpu.dma_semaphore, #tpu.memory_space<semaphore_mem>>) src(%dma_wait3A_301 : memref<80x64xf32, #tpu.memory_space<vmem>>) dst(%dma_wait3A_297 : memref<80x64xf32, #tpu.memory_space<vmem_shared>>)
      tpu.yield
    }) : () -> ()
    %add3A_16 = arith.constant 320 : i32
    %add3A_17 = arith.addi %multiple_of3A, %add3A_16 : i32
    %run_scoped3A_18 = arith.constant 0 : i32
    "tpu.region"() ({
      %run_scoped3A_278 = tpu.sem_alloc : memref<!tpu.dma_semaphore, #tpu.memory_space<semaphore_mem>>
      %dma_start3A_279 = arith.constant 0 : i32
      %dma_start3A_280 = arith.constant 0 : i32
      %dma_start3A_281 = tpu.memref_slice %arg12[%run_scoped3A_18, %dma_start3A_279, %dma_start3A_280] : memref<2x80x64xf32, #tpu.memory_space<vmem>> -> memref<1x80x64xf32, #tpu.memory_space<vmem>>
      %dma_start3A_282 = tpu.memref_squeeze %dma_start3A_281 : memref<1x80x64xf32, #tpu.memory_space<vmem>> -> memref<80x64xf32, #tpu.memory_space<vmem>>
      %dma_start3A_283 = arith.constant 0 : i32
      %dma_start3A_284 = tpu.memref_slice %arg14[%add3A_17, %dma_start3A_283] : memref<10000x64xf32, #tpu.memory_space<vmem_shared>> -> memref<80x64xf32, #tpu.memory_space<vmem_shared>>
      %dma_start3A_285 = arith.constant 0 : i32
      %dma_start3A_286 = tpu.memref_slice %arg14[%add3A_17, %dma_start3A_285] : memref<10000x64xf32, #tpu.memory_space<vmem_shared>> -> memref<80x64xf32, #tpu.memory_space<vmem_shared>>
      %dma_start3A_287 = arith.constant 0 : i32
      %dma_start3A_288 = arith.constant 0 : i32
      %dma_start3A_289 = tpu.memref_slice %arg12[%run_scoped3A_18, %dma_start3A_287, %dma_start3A_288] : memref<2x80x64xf32, #tpu.memory_space<vmem>> -> memref<1x80x64xf32, #tpu.memory_space<vmem>>
      %dma_start3A_290 = tpu.memref_squeeze %dma_start3A_289 : memref<1x80x64xf32, #tpu.memory_space<vmem>> -> memref<80x64xf32, #tpu.memory_space<vmem>>
      tpu.enqueue_dma source(%dma_start3A_290 : memref<80x64xf32, #tpu.memory_space<vmem>>) target(%dma_start3A_286 : memref<80x64xf32, #tpu.memory_space<vmem_shared>>) target_semaphore(%run_scoped3A_278 : memref<!tpu.dma_semaphore, #tpu.memory_space<semaphore_mem>>)
      %dma_wait3A = arith.constant 0 : i32
      %dma_wait3A_291 = arith.constant 0 : i32
      %dma_wait3A_292 = tpu.memref_slice %arg12[%run_scoped3A_18, %dma_wait3A, %dma_wait3A_291] : memref<2x80x64xf32, #tpu.memory_space<vmem>> -> memref<1x80x64xf32, #tpu.memory_space<vmem>>
      %dma_wait3A_293 = tpu.memref_squeeze %dma_wait3A_292 : memref<1x80x64xf32, #tpu.memory_space<vmem>> -> memref<80x64xf32, #tpu.memory_space<vmem>>
      %dma_wait3A_294 = arith.constant 0 : i32
      %dma_wait3A_295 = tpu.memref_slice %arg14[%add3A_17, %dma_wait3A_294] : memref<10000x64xf32, #tpu.memory_space<vmem_shared>> -> memref<80x64xf32, #tpu.memory_space<vmem_shared>>
      %dma_wait3A_296 = arith.constant 0 : i32
      %dma_wait3A_297 = tpu.memref_slice %arg14[%add3A_17, %dma_wait3A_296] : memref<10000x64xf32, #tpu.memory_space<vmem_shared>> -> memref<80x64xf32, #tpu.memory_space<vmem_shared>>
      %dma_wait3A_298 = arith.constant 0 : i32
      %dma_wait3A_299 = arith.constant 0 : i32
      %dma_wait3A_300 = tpu.memref_slice %arg12[%run_scoped3A_18, %dma_wait3A_298, %dma_wait3A_299] : memref<2x80x64xf32, #tpu.memory_space<vmem>> -> memref<1x80x64xf32, #tpu.memory_space<vmem>>
      %dma_wait3A_301 = tpu.memref_squeeze %dma_wait3A_300 : memref<1x80x64xf32, #tpu.memory_space<vmem>> -> memref<80x64xf32, #tpu.memory_space<vmem>>
      tpu.wait_dma2 semaphore(%run_scoped3A_278 : memref<!tpu.dma_semaphore, #tpu.memory_space<semaphore_mem>>) src(%dma_wait3A_301 : memref<80x64xf32, #tpu.memory_space<vmem>>) dst(%dma_wait3A_297 : memref<80x64xf32, #tpu.memory_space<vmem_shared>>)
      tpu.yield
    }) : () -> ()
    %add3A_19 = arith.constant 400 : i32
    %add3A_20 = arith.addi %multiple_of3A, %add3A_19 : i32
    %run_scoped3A_21 = arith.constant 0 : i32
    "tpu.region"() ({
      %run_scoped3A_278 = tpu.sem_alloc : memref<!tpu.dma_semaphore, #tpu.memory_space<semaphore_mem>>
      %dma_start3A_279 = arith.constant 0 : i32
      %dma_start3A_280 = arith.constant 0 : i32
      %dma_start3A_281 = tpu.memref_slice %arg12[%run_scoped3A_21, %dma_start3A_279, %dma_start3A_280] : memref<2x80x64xf32, #tpu.memory_space<vmem>> -> memref<1x80x64xf32, #tpu.memory_space<vmem>>
      %dma_start3A_282 = tpu.memref_squeeze %dma_start3A_281 : memref<1x80x64xf32, #tpu.memory_space<vmem>> -> memref<80x64xf32, #tpu.memory_space<vmem>>
      %dma_start3A_283 = arith.constant 0 : i32
      %dma_start3A_284 = tpu.memref_slice %arg14[%add3A_20, %dma_start3A_283] : memref<10000x64xf32, #tpu.memory_space<vmem_shared>> -> memref<80x64xf32, #tpu.memory_space<vmem_shared>>
      %dma_start3A_285 = arith.constant 0 : i32
      %dma_start3A_286 = tpu.memref_slice %arg14[%add3A_20, %dma_start3A_285] : memref<10000x64xf32, #tpu.memory_space<vmem_shared>> -> memref<80x64xf32, #tpu.memory_space<vmem_shared>>
      %dma_start3A_287 = arith.constant 0 : i32
      %dma_start3A_288 = arith.constant 0 : i32
      %dma_start3A_289 = tpu.memref_slice %arg12[%run_scoped3A_21, %dma_start3A_287, %dma_start3A_288] : memref<2x80x64xf32, #tpu.memory_space<vmem>> -> memref<1x80x64xf32, #tpu.memory_space<vmem>>
      %dma_start3A_290 = tpu.memref_squeeze %dma_start3A_289 : memref<1x80x64xf32, #tpu.memory_space<vmem>> -> memref<80x64xf32, #tpu.memory_space<vmem>>
      tpu.enqueue_dma source(%dma_start3A_290 : memref<80x64xf32, #tpu.memory_space<vmem>>) target(%dma_start3A_286 : memref<80x64xf32, #tpu.memory_space<vmem_shared>>) target_semaphore(%run_scoped3A_278 : memref<!tpu.dma_semaphore, #tpu.memory_space<semaphore_mem>>)
      %dma_wait3A = arith.constant 0 : i32
      %dma_wait3A_291 = arith.constant 0 : i32
      %dma_wait3A_292 = tpu.memref_slice %arg12[%run_scoped3A_21, %dma_wait3A, %dma_wait3A_291] : memref<2x80x64xf32, #tpu.memory_space<vmem>> -> memref<1x80x64xf32, #tpu.memory_space<vmem>>
      %dma_wait3A_293 = tpu.memref_squeeze %dma_wait3A_292 : memref<1x80x64xf32, #tpu.memory_space<vmem>> -> memref<80x64xf32, #tpu.memory_space<vmem>>
      %dma_wait3A_294 = arith.constant 0 : i32
      %dma_wait3A_295 = tpu.memref_slice %arg14[%add3A_20, %dma_wait3A_294] : memref<10000x64xf32, #tpu.memory_space<vmem_shared>> -> memref<80x64xf32, #tpu.memory_space<vmem_shared>>
      %dma_wait3A_296 = arith.constant 0 : i32
      %dma_wait3A_297 = tpu.memref_slice %arg14[%add3A_20, %dma_wait3A_296] : memref<10000x64xf32, #tpu.memory_space<vmem_shared>> -> memref<80x64xf32, #tpu.memory_space<vmem_shared>>
      %dma_wait3A_298 = arith.constant 0 : i32
      %dma_wait3A_299 = arith.constant 0 : i32
      %dma_wait3A_300 = tpu.memref_slice %arg12[%run_scoped3A_21, %dma_wait3A_298, %dma_wait3A_299] : memref<2x80x64xf32, #tpu.memory_space<vmem>> -> memref<1x80x64xf32, #tpu.memory_space<vmem>>
      %dma_wait3A_301 = tpu.memref_squeeze %dma_wait3A_300 : memref<1x80x64xf32, #tpu.memory_space<vmem>> -> memref<80x64xf32, #tpu.memory_space<vmem>>
      tpu.wait_dma2 semaphore(%run_scoped3A_278 : memref<!tpu.dma_semaphore, #tpu.memory_space<semaphore_mem>>) src(%dma_wait3A_301 : memref<80x64xf32, #tpu.memory_space<vmem>>) dst(%dma_wait3A_297 : memref<80x64xf32, #tpu.memory_space<vmem_shared>>)
      tpu.yield
    }) : () -> ()
    %add3A_22 = arith.constant 480 : i32
    %add3A_23 = arith.addi %multiple_of3A, %add3A_22 : i32
    %run_scoped3A_24 = arith.constant 0 : i32
    "tpu.region"() ({
      %run_scoped3A_278 = tpu.sem_alloc : memref<!tpu.dma_semaphore, #tpu.memory_space<semaphore_mem>>
      %dma_start3A_279 = arith.constant 0 : i32
      %dma_start3A_280 = arith.constant 0 : i32
      %dma_start3A_281 = tpu.memref_slice %arg12[%run_scoped3A_24, %dma_start3A_279, %dma_start3A_280] : memref<2x80x64xf32, #tpu.memory_space<vmem>> -> memref<1x80x64xf32, #tpu.memory_space<vmem>>
      %dma_start3A_282 = tpu.memref_squeeze %dma_start3A_281 : memref<1x80x64xf32, #tpu.memory_space<vmem>> -> memref<80x64xf32, #tpu.memory_space<vmem>>
      %dma_start3A_283 = arith.constant 0 : i32
      %dma_start3A_284 = tpu.memref_slice %arg14[%add3A_23, %dma_start3A_283] : memref<10000x64xf32, #tpu.memory_space<vmem_shared>> -> memref<80x64xf32, #tpu.memory_space<vmem_shared>>
      %dma_start3A_285 = arith.constant 0 : i32
      %dma_start3A_286 = tpu.memref_slice %arg14[%add3A_23, %dma_start3A_285] : memref<10000x64xf32, #tpu.memory_space<vmem_shared>> -> memref<80x64xf32, #tpu.memory_space<vmem_shared>>
      %dma_start3A_287 = arith.constant 0 : i32
      %dma_start3A_288 = arith.constant 0 : i32
      %dma_start3A_289 = tpu.memref_slice %arg12[%run_scoped3A_24, %dma_start3A_287, %dma_start3A_288] : memref<2x80x64xf32, #tpu.memory_space<vmem>> -> memref<1x80x64xf32, #tpu.memory_space<vmem>>
      %dma_start3A_290 = tpu.memref_squeeze %dma_start3A_289 : memref<1x80x64xf32, #tpu.memory_space<vmem>> -> memref<80x64xf32, #tpu.memory_space<vmem>>
      tpu.enqueue_dma source(%dma_start3A_290 : memref<80x64xf32, #tpu.memory_space<vmem>>) target(%dma_start3A_286 : memref<80x64xf32, #tpu.memory_space<vmem_shared>>) target_semaphore(%run_scoped3A_278 : memref<!tpu.dma_semaphore, #tpu.memory_space<semaphore_mem>>)
      %dma_wait3A = arith.constant 0 : i32
      %dma_wait3A_291 = arith.constant 0 : i32
      %dma_wait3A_292 = tpu.memref_slice %arg12[%run_scoped3A_24, %dma_wait3A, %dma_wait3A_291] : memref<2x80x64xf32, #tpu.memory_space<vmem>> -> memref<1x80x64xf32, #tpu.memory_space<vmem>>
      %dma_wait3A_293 = tpu.memref_squeeze %dma_wait3A_292 : memref<1x80x64xf32, #tpu.memory_space<vmem>> -> memref<80x64xf32, #tpu.memory_space<vmem>>
      %dma_wait3A_294 = arith.constant 0 : i32
      %dma_wait3A_295 = tpu.memref_slice %arg14[%add3A_23, %dma_wait3A_294] : memref<10000x64xf32, #tpu.memory_space<vmem_shared>> -> memref<80x64xf32, #tpu.memory_space<vmem_shared>>
      %dma_wait3A_296 = arith.constant 0 : i32
      %dma_wait3A_297 = tpu.memref_slice %arg14[%add3A_23, %dma_wait3A_296] : memref<10000x64xf32, #tpu.memory_space<vmem_shared>> -> memref<80x64xf32, #tpu.memory_space<vmem_shared>>
      %dma_wait3A_298 = arith.constant 0 : i32
      %dma_wait3A_299 = arith.constant 0 : i32
      %dma_wait3A_300 = tpu.memref_slice %arg12[%run_scoped3A_24, %dma_wait3A_298, %dma_wait3A_299] : memref<2x80x64xf32, #tpu.memory_space<vmem>> -> memref<1x80x64xf32, #tpu.memory_space<vmem>>
      %dma_wait3A_301 = tpu.memref_squeeze %dma_wait3A_300 : memref<1x80x64xf32, #tpu.memory_space<vmem>> -> memref<80x64xf32, #tpu.memory_space<vmem>>
      tpu.wait_dma2 semaphore(%run_scoped3A_278 : memref<!tpu.dma_semaphore, #tpu.memory_space<semaphore_mem>>) src(%dma_wait3A_301 : memref<80x64xf32, #tpu.memory_space<vmem>>) dst(%dma_wait3A_297 : memref<80x64xf32, #tpu.memory_space<vmem_shared>>)
      tpu.yield
    }) : () -> ()
    %add3A_25 = arith.constant 560 : i32
    %add3A_26 = arith.addi %multiple_of3A, %add3A_25 : i32
    %run_scoped3A_27 = arith.constant 0 : i32
    "tpu.region"() ({
      %run_scoped3A_278 = tpu.sem_alloc : memref<!tpu.dma_semaphore, #tpu.memory_space<semaphore_mem>>
      %dma_start3A_279 = arith.constant 0 : i32
      %dma_start3A_280 = arith.constant 0 : i32
      %dma_start3A_281 = tpu.memref_slice %arg12[%run_scoped3A_27, %dma_start3A_279, %dma_start3A_280] : memref<2x80x64xf32, #tpu.memory_space<vmem>> -> memref<1x64x64xf32, #tpu.memory_space<vmem>>
      %dma_start3A_282 = tpu.memref_squeeze %dma_start3A_281 : memref<1x64x64xf32, #tpu.memory_space<vmem>> -> memref<64x64xf32, #tpu.memory_space<vmem>>
      %dma_start3A_283 = arith.constant 0 : i32
      %dma_start3A_284 = tpu.memref_slice %arg14[%add3A_26, %dma_start3A_283] : memref<10000x64xf32, #tpu.memory_space<vmem_shared>> -> memref<64x64xf32, #tpu.memory_space<vmem_shared>>
      %dma_start3A_285 = arith.constant 0 : i32
      %dma_start3A_286 = tpu.memref_slice %arg14[%add3A_26, %dma_start3A_285] : memref<10000x64xf32, #tpu.memory_space<vmem_shared>> -> memref<64x64xf32, #tpu.memory_space<vmem_shared>>
      %dma_start3A_287 = arith.constant 0 : i32
      %dma_start3A_288 = arith.constant 0 : i32
      %dma_start3A_289 = tpu.memref_slice %arg12[%run_scoped3A_27, %dma_start3A_287, %dma_start3A_288] : memref<2x80x64xf32, #tpu.memory_space<vmem>> -> memref<1x64x64xf32, #tpu.memory_space<vmem>>
      %dma_start3A_290 = tpu.memref_squeeze %dma_start3A_289 : memref<1x64x64xf32, #tpu.memory_space<vmem>> -> memref<64x64xf32, #tpu.memory_space<vmem>>
      tpu.enqueue_dma source(%dma_start3A_290 : memref<64x64xf32, #tpu.memory_space<vmem>>) target(%dma_start3A_286 : memref<64x64xf32, #tpu.memory_space<vmem_shared>>) target_semaphore(%run_scoped3A_278 : memref<!tpu.dma_semaphore, #tpu.memory_space<semaphore_mem>>)
      %dma_wait3A = arith.constant 0 : i32
      %dma_wait3A_291 = arith.constant 0 : i32
      %dma_wait3A_292 = tpu.memref_slice %arg12[%run_scoped3A_27, %dma_wait3A, %dma_wait3A_291] : memref<2x80x64xf32, #tpu.memory_space<vmem>> -> memref<1x64x64xf32, #tpu.memory_space<vmem>>
      %dma_wait3A_293 = tpu.memref_squeeze %dma_wait3A_292 : memref<1x64x64xf32, #tpu.memory_space<vmem>> -> memref<64x64xf32, #tpu.memory_space<vmem>>
      %dma_wait3A_294 = arith.constant 0 : i32
      %dma_wait3A_295 = tpu.memref_slice %arg14[%add3A_26, %dma_wait3A_294] : memref<10000x64xf32, #tpu.memory_space<vmem_shared>> -> memref<64x64xf32, #tpu.memory_space<vmem_shared>>
      %dma_wait3A_296 = arith.constant 0 : i32
      %dma_wait3A_297 = tpu.memref_slice %arg14[%add3A_26, %dma_wait3A_296] : memref<10000x64xf32, #tpu.memory_space<vmem_shared>> -> memref<64x64xf32, #tpu.memory_space<vmem_shared>>
      %dma_wait3A_298 = arith.constant 0 : i32
      %dma_wait3A_299 = arith.constant 0 : i32
      %dma_wait3A_300 = tpu.memref_slice %arg12[%run_scoped3A_27, %dma_wait3A_298, %dma_wait3A_299] : memref<2x80x64xf32, #tpu.memory_space<vmem>> -> memref<1x64x64xf32, #tpu.memory_space<vmem>>
      %dma_wait3A_301 = tpu.memref_squeeze %dma_wait3A_300 : memref<1x64x64xf32, #tpu.memory_space<vmem>> -> memref<64x64xf32, #tpu.memory_space<vmem>>
      tpu.wait_dma2 semaphore(%run_scoped3A_278 : memref<!tpu.dma_semaphore, #tpu.memory_space<semaphore_mem>>) src(%dma_wait3A_301 : memref<64x64xf32, #tpu.memory_space<vmem>>) dst(%dma_wait3A_297 : memref<64x64xf32, #tpu.memory_space<vmem_shared>>)
      tpu.yield
    }) : () -> ()
    %eq3A = arith.constant 15 : i32
    %eq3A_28 = arith.cmpi eq, %arg1, %eq3A : i32
    %convert_element_type3A = arith.extui %eq3A_28 : i1 to i32
    %cond3A = arith.constant 0 : i32
    %cond3A_29 = arith.cmpi ne, %convert_element_type3A, %cond3A : i32
    scf.if %cond3A_29 {
      %run_scoped3A_278 = arith.constant 0 : i32
      "tpu.region"() ({
        %run_scoped3A_279 = tpu.sem_alloc : memref<!tpu.dma_semaphore, #tpu.memory_space<semaphore_mem>>
        %dma_start3A_280 = arith.constant 0 : i32
        %dma_start3A_281 = arith.constant 0 : i32
        %dma_start3A_282 = tpu.memref_slice %arg12[%run_scoped3A_278, %dma_start3A_280, %dma_start3A_281] : memref<2x80x64xf32, #tpu.memory_space<vmem>> -> memref<1x16x64xf32, #tpu.memory_space<vmem>>
        %dma_start3A_283 = tpu.memref_squeeze %dma_start3A_282 : memref<1x16x64xf32, #tpu.memory_space<vmem>> -> memref<16x64xf32, #tpu.memory_space<vmem>>
        %dma_start3A_284 = arith.constant 9984 : i32
        %dma_start3A_285 = arith.constant 0 : i32
        %dma_start3A_286 = tpu.memref_slice %arg14[%dma_start3A_284, %dma_start3A_285] : memref<10000x64xf32, #tpu.memory_space<vmem_shared>> -> memref<16x64xf32, #tpu.memory_space<vmem_shared>>
        %dma_start3A_287 = arith.constant 9984 : i32
        %dma_start3A_288 = arith.constant 0 : i32
        %dma_start3A_289 = tpu.memref_slice %arg14[%dma_start3A_287, %dma_start3A_288] : memref<10000x64xf32, #tpu.memory_space<vmem_shared>> -> memref<16x64xf32, #tpu.memory_space<vmem_shared>>
        %dma_start3A_290 = arith.constant 0 : i32
        %dma_start3A_291 = arith.constant 0 : i32
        %dma_start3A_292 = tpu.memref_slice %arg12[%run_scoped3A_278, %dma_start3A_290, %dma_start3A_291] : memref<2x80x64xf32, #tpu.memory_space<vmem>> -> memref<1x16x64xf32, #tpu.memory_space<vmem>>
        %dma_start3A_293 = tpu.memref_squeeze %dma_start3A_292 : memref<1x16x64xf32, #tpu.memory_space<vmem>> -> memref<16x64xf32, #tpu.memory_space<vmem>>
        tpu.enqueue_dma source(%dma_start3A_293 : memref<16x64xf32, #tpu.memory_space<vmem>>) target(%dma_start3A_289 : memref<16x64xf32, #tpu.memory_space<vmem_shared>>) target_semaphore(%run_scoped3A_279 : memref<!tpu.dma_semaphore, #tpu.memory_space<semaphore_mem>>)
        %dma_wait3A = arith.constant 0 : i32
        %dma_wait3A_294 = arith.constant 0 : i32
        %dma_wait3A_295 = tpu.memref_slice %arg12[%run_scoped3A_278, %dma_wait3A, %dma_wait3A_294] : memref<2x80x64xf32, #tpu.memory_space<vmem>> -> memref<1x16x64xf32, #tpu.memory_space<vmem>>
        %dma_wait3A_296 = tpu.memref_squeeze %dma_wait3A_295 : memref<1x16x64xf32, #tpu.memory_space<vmem>> -> memref<16x64xf32, #tpu.memory_space<vmem>>
        %dma_wait3A_297 = arith.constant 9984 : i32
        %dma_wait3A_298 = arith.constant 0 : i32
        %dma_wait3A_299 = tpu.memref_slice %arg14[%dma_wait3A_297, %dma_wait3A_298] : memref<10000x64xf32, #tpu.memory_space<vmem_shared>> -> memref<16x64xf32, #tpu.memory_space<vmem_shared>>
        %dma_wait3A_300 = arith.constant 9984 : i32
        %dma_wait3A_301 = arith.constant 0 : i32
        %dma_wait3A_302 = tpu.memref_slice %arg14[%dma_wait3A_300, %dma_wait3A_301] : memref<10000x64xf32, #tpu.memory_space<vmem_shared>> -> memref<16x64xf32, #tpu.memory_space<vmem_shared>>
        %dma_wait3A_303 = arith.constant 0 : i32
        %dma_wait3A_304 = arith.constant 0 : i32
        %dma_wait3A_305 = tpu.memref_slice %arg12[%run_scoped3A_278, %dma_wait3A_303, %dma_wait3A_304] : memref<2x80x64xf32, #tpu.memory_space<vmem>> -> memref<1x16x64xf32, #tpu.memory_space<vmem>>
        %dma_wait3A_306 = tpu.memref_squeeze %dma_wait3A_305 : memref<1x16x64xf32, #tpu.memory_space<vmem>> -> memref<16x64xf32, #tpu.memory_space<vmem>>
        tpu.wait_dma2 semaphore(%run_scoped3A_279 : memref<!tpu.dma_semaphore, #tpu.memory_space<semaphore_mem>>) src(%dma_wait3A_306 : memref<16x64xf32, #tpu.memory_space<vmem>>) dst(%dma_wait3A_302 : memref<16x64xf32, #tpu.memory_space<vmem_shared>>)
        tpu.yield
      }) : () -> ()
    } else {
    }
    %barrier3A = arith.constant 0 : index
    tpu.barrier barrier_id(%barrier3A)
    %get3A = arith.constant 0 : i32
    %get3A_30 = arith.index_cast %get3A : i32 to index
    %get3A_31 = arith.constant 0 : index
    %get3A_32 = tpu.vector_load %arg13[%get3A_30, %get3A_31] {strides = array<i32>} : memref<1x320xf32, #tpu.memory_space<vmem>>, vector<1x16xf32>,
    %get3A_33 = vector.shape_cast %get3A_32 : vector<1x16xf32> to vector<16xf32>
    %mul3A_34 = arith.constant 6.553700e+04 : f32
    %mul3A_35 = vector.broadcast %mul3A_34 : f32 to vector<16xf32>
    %mul3A_36 = arith.mulf %get3A_33, %mul3A_35 : vector<16xf32>
    %sub3A = arith.subf %mul3A_36, %get3A_33 : vector<16xf32>
    %sub3A_37 = arith.subf %mul3A_36, %sub3A : vector<16xf32>
    %get3A_38 = arith.constant 0 : i32
    %get3A_39 = arith.index_cast %get3A_38 : i32 to index
    %get3A_40 = arith.constant 16 : index
    %get3A_41 = tpu.vector_load %arg13[%get3A_39, %get3A_40] {strides = array<i32>} : memref<1x320xf32, #tpu.memory_space<vmem>>, vector<1x16xf32>,
    %get3A_42 = vector.shape_cast %get3A_41 : vector<1x16xf32> to vector<16xf32>
    %mul3A_43 = arith.constant 6.553700e+04 : f32
    %mul3A_44 = vector.broadcast %mul3A_43 : f32 to vector<16xf32>
    %mul3A_45 = arith.mulf %get3A_42, %mul3A_44 : vector<16xf32>
    %sub3A_46 = arith.subf %mul3A_45, %get3A_42 : vector<16xf32>
    %sub3A_47 = arith.subf %mul3A_45, %sub3A_46 : vector<16xf32>
    %get3A_48 = arith.constant 0 : i32
    %get3A_49 = arith.index_cast %get3A_48 : i32 to index
    %get3A_50 = arith.constant 32 : index
    %get3A_51 = tpu.vector_load %arg13[%get3A_49, %get3A_50] {strides = array<i32>} : memref<1x320xf32, #tpu.memory_space<vmem>>, vector<1x16xf32>,
    %get3A_52 = vector.shape_cast %get3A_51 : vector<1x16xf32> to vector<16xf32>
    %mul3A_53 = arith.constant 6.553700e+04 : f32
    %mul3A_54 = vector.broadcast %mul3A_53 : f32 to vector<16xf32>
    %mul3A_55 = arith.mulf %get3A_52, %mul3A_54 : vector<16xf32>
    %sub3A_56 = arith.subf %mul3A_55, %get3A_52 : vector<16xf32>
    %sub3A_57 = arith.subf %mul3A_55, %sub3A_56 : vector<16xf32>
    %get3A_58 = arith.constant 0 : i32
    %get3A_59 = arith.index_cast %get3A_58 : i32 to index
    %get3A_60 = arith.constant 48 : index
    %get3A_61 = tpu.vector_load %arg13[%get3A_59, %get3A_60] {strides = array<i32>} : memref<1x320xf32, #tpu.memory_space<vmem>>, vector<1x16xf32>,
    %get3A_62 = vector.shape_cast %get3A_61 : vector<1x16xf32> to vector<16xf32>
    %mul3A_63 = arith.constant 6.553700e+04 : f32
    %mul3A_64 = vector.broadcast %mul3A_63 : f32 to vector<16xf32>
    %mul3A_65 = arith.mulf %get3A_62, %mul3A_64 : vector<16xf32>
    %sub3A_66 = arith.subf %mul3A_65, %get3A_62 : vector<16xf32>
    %sub3A_67 = arith.subf %mul3A_65, %sub3A_66 : vector<16xf32>
    %get3A_68 = arith.constant 0 : i32
    %get3A_69 = arith.index_cast %get3A_68 : i32 to index
    %get3A_70 = arith.constant 64 : index
    %get3A_71 = tpu.vector_load %arg13[%get3A_69, %get3A_70] {strides = array<i32>} : memref<1x320xf32, #tpu.memory_space<vmem>>, vector<1x16xf32>,
    %get3A_72 = vector.shape_cast %get3A_71 : vector<1x16xf32> to vector<16xf32>
    %mul3A_73 = arith.constant 6.553700e+04 : f32
    %mul3A_74 = vector.broadcast %mul3A_73 : f32 to vector<16xf32>
    %mul3A_75 = arith.mulf %get3A_72, %mul3A_74 : vector<16xf32>
    %sub3A_76 = arith.subf %mul3A_75, %get3A_72 : vector<16xf32>
    %sub3A_77 = arith.subf %mul3A_75, %sub3A_76 : vector<16xf32>
    %get3A_78 = arith.constant 0 : i32
    %get3A_79 = arith.index_cast %get3A_78 : i32 to index
    %get3A_80 = arith.constant 80 : index
    %get3A_81 = tpu.vector_load %arg13[%get3A_79, %get3A_80] {strides = array<i32>} : memref<1x320xf32, #tpu.memory_space<vmem>>, vector<1x16xf32>,
    %get3A_82 = vector.shape_cast %get3A_81 : vector<1x16xf32> to vector<16xf32>
    %mul3A_83 = arith.constant 6.553700e+04 : f32
    %mul3A_84 = vector.broadcast %mul3A_83 : f32 to vector<16xf32>
    %mul3A_85 = arith.mulf %get3A_82, %mul3A_84 : vector<16xf32>
    %sub3A_86 = arith.subf %mul3A_85, %get3A_82 : vector<16xf32>
    %sub3A_87 = arith.subf %mul3A_85, %sub3A_86 : vector<16xf32>
    %get3A_88 = arith.constant 0 : i32
    %get3A_89 = arith.index_cast %get3A_88 : i32 to index
    %get3A_90 = arith.constant 96 : index
    %get3A_91 = tpu.vector_load %arg13[%get3A_89, %get3A_90] {strides = array<i32>} : memref<1x320xf32, #tpu.memory_space<vmem>>, vector<1x16xf32>,
    %get3A_92 = vector.shape_cast %get3A_91 : vector<1x16xf32> to vector<16xf32>
    %mul3A_93 = arith.constant 6.553700e+04 : f32
    %mul3A_94 = vector.broadcast %mul3A_93 : f32 to vector<16xf32>
    %mul3A_95 = arith.mulf %get3A_92, %mul3A_94 : vector<16xf32>
    %sub3A_96 = arith.subf %mul3A_95, %get3A_92 : vector<16xf32>
    %sub3A_97 = arith.subf %mul3A_95, %sub3A_96 : vector<16xf32>
    %get3A_98 = arith.constant 0 : i32
    %get3A_99 = arith.index_cast %get3A_98 : i32 to index
    %get3A_100 = arith.constant 112 : index
    %get3A_101 = tpu.vector_load %arg13[%get3A_99, %get3A_100] {strides = array<i32>} : memref<1x320xf32, #tpu.memory_space<vmem>>, vector<1x16xf32>,
    %get3A_102 = vector.shape_cast %get3A_101 : vector<1x16xf32> to vector<16xf32>
    %mul3A_103 = arith.constant 6.553700e+04 : f32
    %mul3A_104 = vector.broadcast %mul3A_103 : f32 to vector<16xf32>
    %mul3A_105 = arith.mulf %get3A_102, %mul3A_104 : vector<16xf32>
    %sub3A_106 = arith.subf %mul3A_105, %get3A_102 : vector<16xf32>
    %sub3A_107 = arith.subf %mul3A_105, %sub3A_106 : vector<16xf32>
    %get3A_108 = arith.constant 0 : i32
    %get3A_109 = arith.index_cast %get3A_108 : i32 to index
    %get3A_110 = arith.constant 128 : index
    %get3A_111 = tpu.vector_load %arg13[%get3A_109, %get3A_110] {strides = array<i32>} : memref<1x320xf32, #tpu.memory_space<vmem>>, vector<1x16xf32>,
    %get3A_112 = vector.shape_cast %get3A_111 : vector<1x16xf32> to vector<16xf32>
    %mul3A_113 = arith.constant 6.553700e+04 : f32
    %mul3A_114 = vector.broadcast %mul3A_113 : f32 to vector<16xf32>
    %mul3A_115 = arith.mulf %get3A_112, %mul3A_114 : vector<16xf32>
    %sub3A_116 = arith.subf %mul3A_115, %get3A_112 : vector<16xf32>
    %sub3A_117 = arith.subf %mul3A_115, %sub3A_116 : vector<16xf32>
    %get3A_118 = arith.constant 0 : i32
    %get3A_119 = arith.index_cast %get3A_118 : i32 to index
    %get3A_120 = arith.constant 144 : index
    %get3A_121 = tpu.vector_load %arg13[%get3A_119, %get3A_120] {strides = array<i32>} : memref<1x320xf32, #tpu.memory_space<vmem>>, vector<1x16xf32>,
    %get3A_122 = vector.shape_cast %get3A_121 : vector<1x16xf32> to vector<16xf32>
    %mul3A_123 = arith.constant 6.553700e+04 : f32
    %mul3A_124 = vector.broadcast %mul3A_123 : f32 to vector<16xf32>
    %mul3A_125 = arith.mulf %get3A_122, %mul3A_124 : vector<16xf32>
    %sub3A_126 = arith.subf %mul3A_125, %get3A_122 : vector<16xf32>
    %sub3A_127 = arith.subf %mul3A_125, %sub3A_126 : vector<16xf32>
    %get3A_128 = arith.constant 0 : i32
    %get3A_129 = arith.index_cast %get3A_128 : i32 to index
    %get3A_130 = arith.constant 160 : index
    %get3A_131 = tpu.vector_load %arg13[%get3A_129, %get3A_130] {strides = array<i32>} : memref<1x320xf32, #tpu.memory_space<vmem>>, vector<1x16xf32>,
    %get3A_132 = vector.shape_cast %get3A_131 : vector<1x16xf32> to vector<16xf32>
    %mul3A_133 = arith.constant 6.553700e+04 : f32
    %mul3A_134 = vector.broadcast %mul3A_133 : f32 to vector<16xf32>
    %mul3A_135 = arith.mulf %get3A_132, %mul3A_134 : vector<16xf32>
    %sub3A_136 = arith.subf %mul3A_135, %get3A_132 : vector<16xf32>
    %sub3A_137 = arith.subf %mul3A_135, %sub3A_136 : vector<16xf32>
    %get3A_138 = arith.constant 0 : i32
    %get3A_139 = arith.index_cast %get3A_138 : i32 to index
    %get3A_140 = arith.constant 176 : index
    %get3A_141 = tpu.vector_load %arg13[%get3A_139, %get3A_140] {strides = array<i32>} : memref<1x320xf32, #tpu.memory_space<vmem>>, vector<1x16xf32>,
    %get3A_142 = vector.shape_cast %get3A_141 : vector<1x16xf32> to vector<16xf32>
    %mul3A_143 = arith.constant 6.553700e+04 : f32
    %mul3A_144 = vector.broadcast %mul3A_143 : f32 to vector<16xf32>
    %mul3A_145 = arith.mulf %get3A_142, %mul3A_144 : vector<16xf32>
    %sub3A_146 = arith.subf %mul3A_145, %get3A_142 : vector<16xf32>
    %sub3A_147 = arith.subf %mul3A_145, %sub3A_146 : vector<16xf32>
    %get3A_148 = arith.constant 0 : i32
    %get3A_149 = arith.index_cast %get3A_148 : i32 to index
    %get3A_150 = arith.constant 192 : index
    %get3A_151 = tpu.vector_load %arg13[%get3A_149, %get3A_150] {strides = array<i32>} : memref<1x320xf32, #tpu.memory_space<vmem>>, vector<1x16xf32>,
    %get3A_152 = vector.shape_cast %get3A_151 : vector<1x16xf32> to vector<16xf32>
    %mul3A_153 = arith.constant 6.553700e+04 : f32
    %mul3A_154 = vector.broadcast %mul3A_153 : f32 to vector<16xf32>
    %mul3A_155 = arith.mulf %get3A_152, %mul3A_154 : vector<16xf32>
    %sub3A_156 = arith.subf %mul3A_155, %get3A_152 : vector<16xf32>
    %sub3A_157 = arith.subf %mul3A_155, %sub3A_156 : vector<16xf32>
    %get3A_158 = arith.constant 0 : i32
    %get3A_159 = arith.index_cast %get3A_158 : i32 to index
    %get3A_160 = arith.constant 208 : index
    %get3A_161 = tpu.vector_load %arg13[%get3A_159, %get3A_160] {strides = array<i32>} : memref<1x320xf32, #tpu.memory_space<vmem>>, vector<1x16xf32>,
    %get3A_162 = vector.shape_cast %get3A_161 : vector<1x16xf32> to vector<16xf32>
    %mul3A_163 = arith.constant 6.553700e+04 : f32
    %mul3A_164 = vector.broadcast %mul3A_163 : f32 to vector<16xf32>
    %mul3A_165 = arith.mulf %get3A_162, %mul3A_164 : vector<16xf32>
    %sub3A_166 = arith.subf %mul3A_165, %get3A_162 : vector<16xf32>
    %sub3A_167 = arith.subf %mul3A_165, %sub3A_166 : vector<16xf32>
    %get3A_168 = arith.constant 0 : i32
    %get3A_169 = arith.index_cast %get3A_168 : i32 to index
    %get3A_170 = arith.constant 224 : index
    %get3A_171 = tpu.vector_load %arg13[%get3A_169, %get3A_170] {strides = array<i32>} : memref<1x320xf32, #tpu.memory_space<vmem>>, vector<1x16xf32>,
    %get3A_172 = vector.shape_cast %get3A_171 : vector<1x16xf32> to vector<16xf32>
    %mul3A_173 = arith.constant 6.553700e+04 : f32
    %mul3A_174 = vector.broadcast %mul3A_173 : f32 to vector<16xf32>
    %mul3A_175 = arith.mulf %get3A_172, %mul3A_174 : vector<16xf32>
    %sub3A_176 = arith.subf %mul3A_175, %get3A_172 : vector<16xf32>
    %sub3A_177 = arith.subf %mul3A_175, %sub3A_176 : vector<16xf32>
    %get3A_178 = arith.constant 0 : i32
    %get3A_179 = arith.index_cast %get3A_178 : i32 to index
    %get3A_180 = arith.constant 240 : index
    %get3A_181 = tpu.vector_load %arg13[%get3A_179, %get3A_180] {strides = array<i32>} : memref<1x320xf32, #tpu.memory_space<vmem>>, vector<1x16xf32>,
    %get3A_182 = vector.shape_cast %get3A_181 : vector<1x16xf32> to vector<16xf32>
    %mul3A_183 = arith.constant 6.553700e+04 : f32
    %mul3A_184 = vector.broadcast %mul3A_183 : f32 to vector<16xf32>
    %mul3A_185 = arith.mulf %get3A_182, %mul3A_184 : vector<16xf32>
    %sub3A_186 = arith.subf %mul3A_185, %get3A_182 : vector<16xf32>
    %sub3A_187 = arith.subf %mul3A_185, %sub3A_186 : vector<16xf32>
    %get3A_188 = arith.constant 0 : i32
    %get3A_189 = arith.index_cast %get3A_188 : i32 to index
    %get3A_190 = arith.constant 256 : index
    %get3A_191 = tpu.vector_load %arg13[%get3A_189, %get3A_190] {strides = array<i32>} : memref<1x320xf32, #tpu.memory_space<vmem>>, vector<1x16xf32>,
    %get3A_192 = vector.shape_cast %get3A_191 : vector<1x16xf32> to vector<16xf32>
    %get3A_193 = arith.constant 0 : i32
    %get3A_194 = arith.index_cast %get3A_193 : i32 to index
    %get3A_195 = arith.constant 272 : index
    %get3A_196 = tpu.vector_load %arg13[%get3A_194, %get3A_195] {strides = array<i32>} : memref<1x320xf32, #tpu.memory_space<vmem>>, vector<1x16xf32>,
    %get3A_197 = vector.shape_cast %get3A_196 : vector<1x16xf32> to vector<16xf32>
    %get3A_198 = arith.constant 0 : i32
    %get3A_199 = arith.index_cast %get3A_198 : i32 to index
    %get3A_200 = arith.constant 288 : index
    %get3A_201 = tpu.vector_load %arg13[%get3A_199, %get3A_200] {strides = array<i32>} : memref<1x320xf32, #tpu.memory_space<vmem>>, vector<1x16xf32>,
    %get3A_202 = vector.shape_cast %get3A_201 : vector<1x16xf32> to vector<16xf32>
    %get3A_203 = arith.constant 0 : i32
    %get3A_204 = arith.index_cast %get3A_203 : i32 to index
    %get3A_205 = arith.constant 304 : index
    %get3A_206 = tpu.vector_load %arg13[%get3A_204, %get3A_205] {strides = array<i32>} : memref<1x320xf32, #tpu.memory_space<vmem>>, vector<1x16xf32>,
    %get3A_207 = vector.shape_cast %get3A_206 : vector<1x16xf32> to vector<16xf32>
    %mul3A_208 = arith.constant 20000 : i32
    %mul3A_209 = arith.muli %arg1, %mul3A_208 : i32
    %add3A_210 = arith.constant 0 : i32
    %add3A_211 = arith.addi %mul3A_209, %add3A_210 : i32
    %mul3A_212 = arith.constant 4 : i32
    %mul3A_213 = arith.muli %add3A_211, %mul3A_212 : i32
    %multiple_of3A_214 = tpu.assume_multiple %mul3A_213, 8 : i32
    %dma_start3A = arith.constant 0 : i32
    %dma_start3A_215 = arith.constant 0 : i32
    %dma_start3A_216 = tpu.memref_slice %arg10[%dma_start3A, %dma_start3A_215] : memref<2x384xf32, #tpu.memory_space<vmem>> -> memref<1x384xf32, #tpu.memory_space<vmem>>
    %dma_start3A_217 = tpu.memref_squeeze %dma_start3A_216 : memref<1x384xf32, #tpu.memory_space<vmem>> -> memref<384xf32, #tpu.memory_space<vmem>>
    %dma_start3A_218 = tpu.memref_slice %arg5[%multiple_of3A_214] : memref<1280128xf32, #tpu.memory_space<hbm>> -> memref<384xf32, #tpu.memory_space<hbm>>
    %dma_start3A_219 = arith.constant 0 : i32
    %dma_start3A_220 = tpu.memref_slice %arg10[%dma_start3A, %dma_start3A_219] : memref<2x384xf32, #tpu.memory_space<vmem>> -> memref<1x384xf32, #tpu.memory_space<vmem>>
    %dma_start3A_221 = tpu.memref_squeeze %dma_start3A_220 : memref<1x384xf32, #tpu.memory_space<vmem>> -> memref<384xf32, #tpu.memory_space<vmem>>
    %dma_start3A_222 = tpu.memref_slice %arg5[%multiple_of3A_214] : memref<1280128xf32, #tpu.memory_space<hbm>> -> memref<384xf32, #tpu.memory_space<hbm>>
    tpu.enqueue_dma source(%dma_start3A_222 : memref<384xf32, #tpu.memory_space<hbm>>) target(%dma_start3A_221 : memref<384xf32, #tpu.memory_space<vmem>>) target_semaphore(%arg17 : memref<!tpu.dma_semaphore, #tpu.memory_space<semaphore_mem>>)
    %dma_start3A_223 = arith.constant 0 : i32
    %dma_start3A_224 = arith.constant 0 : i32
    %dma_start3A_225 = arith.constant 0 : i32
    %dma_start3A_226 = arith.constant 0 : i32
    %dma_start3A_227 = tpu.memref_slice %arg11[%dma_start3A_224, %dma_start3A_225, %dma_start3A_226] : memref<2x80x64xf32, #tpu.memory_space<vmem>> -> memref<1x80x64xf32, #tpu.memory_space<vmem>>
    %dma_start3A_228 = tpu.memref_squeeze %dma_start3A_227 : memref<1x80x64xf32, #tpu.memory_space<vmem>> -> memref<80x64xf32, #tpu.memory_space<vmem>>
    %dma_start3A_229 = arith.constant 0 : i32
    %dma_start3A_230 = tpu.memref_slice %arg8[%dma_start3A_223, %dma_start3A_229] : memref<250x80xi32, #tpu.memory_space<vmem>> -> memref<1x80xi32, #tpu.memory_space<vmem>>
    %dma_start3A_231 = tpu.memref_squeeze %dma_start3A_230 : memref<1x80xi32, #tpu.memory_space<vmem>> -> memref<80xi32, #tpu.memory_space<vmem>>
    %dma_start3A_232 = arith.constant 0 : i32
    %dma_start3A_233 = arith.constant 0 : i32
    %dma_start3A_234 = tpu.memref_slice %arg2[%dma_start3A_232, %dma_start3A_233] : memref<20000x64xf32, #tpu.memory_space<hbm>> -> memref<20000x64xf32, #tpu.memory_space<hbm>>
    tpu.enqueue_indirect_dma source(%dma_start3A_234 : memref<20000x64xf32, #tpu.memory_space<hbm>>) target(%dma_start3A_228 : memref<80x64xf32, #tpu.memory_space<vmem>>) offsets(%dma_start3A_231 : memref<80xi32, #tpu.memory_space<vmem>>) semaphore(%arg15 : memref<!tpu.dma_semaphore, #tpu.memory_space<semaphore_mem>>)
    %scan3A = arith.constant 0 : i32
    %scan3A_235 = arith.constant 0 : i32
    %scan3A_236 = arith.constant 125 : i32
    %scan3A_237 = arith.addi %scan3A_235, %scan3A_236 : i32
    %scan3A_238 = arith.constant 1 : i32
    scf.for %scan3A_278 = %scan3A_235 to %scan3A_237 step %scan3A_238  : i32 {
      %mul3A_279 = arith.constant 2 : i32
      %mul3A_280 = arith.muli %scan3A_278, %mul3A_279 : i32
      %add3A_281 = arith.constant 0 : i32
      %add3A_282 = arith.addi %mul3A_280, %add3A_281 : i32
      %mul3A_283 = arith.constant 20000 : i32
      %mul3A_284 = arith.muli %arg1, %mul3A_283 : i32
      %mul3A_285 = arith.constant 80 : i32
      %mul3A_286 = arith.muli %add3A_282, %mul3A_285 : i32
      %add3A_287 = arith.addi %mul3A_284, %mul3A_286 : i32
      %mul3A_288 = arith.constant 4 : i32
      %mul3A_289 = arith.muli %add3A_287, %mul3A_288 : i32
      %multiple_of3A_290 = tpu.assume_multiple %mul3A_289, 8 : i32
      %dma_wait3A = arith.constant 0 : i32
      %dma_wait3A_291 = arith.constant 0 : i32
      %dma_wait3A_292 = tpu.memref_slice %arg10[%dma_wait3A, %dma_wait3A_291] : memref<2x384xf32, #tpu.memory_space<vmem>> -> memref<1x384xf32, #tpu.memory_space<vmem>>
      %dma_wait3A_293 = tpu.memref_squeeze %dma_wait3A_292 : memref<1x384xf32, #tpu.memory_space<vmem>> -> memref<384xf32, #tpu.memory_space<vmem>>
      %dma_wait3A_294 = tpu.memref_slice %arg5[%multiple_of3A_290] : memref<1280128xf32, #tpu.memory_space<hbm>> -> memref<384xf32, #tpu.memory_space<hbm>>
      %dma_wait3A_295 = arith.constant 0 : i32
      %dma_wait3A_296 = tpu.memref_slice %arg10[%dma_wait3A, %dma_wait3A_295] : memref<2x384xf32, #tpu.memory_space<vmem>> -> memref<1x384xf32, #tpu.memory_space<vmem>>
      %dma_wait3A_297 = tpu.memref_squeeze %dma_wait3A_296 : memref<1x384xf32, #tpu.memory_space<vmem>> -> memref<384xf32, #tpu.memory_space<vmem>>
      %dma_wait3A_298 = tpu.memref_slice %arg5[%multiple_of3A_290] : memref<1280128xf32, #tpu.memory_space<hbm>> -> memref<384xf32, #tpu.memory_space<hbm>>
      tpu.wait_dma2 semaphore(%arg17 : memref<!tpu.dma_semaphore, #tpu.memory_space<semaphore_mem>>) src(%dma_wait3A_298 : memref<384xf32, #tpu.memory_space<hbm>>) dst(%dma_wait3A_297 : memref<384xf32, #tpu.memory_space<vmem>>)
      %dma_wait3A_299 = arith.constant 0 : i32
      %dma_wait3A_300 = arith.constant 0 : i32
      %dma_wait3A_301 = arith.constant 0 : i32
      %dma_wait3A_302 = tpu.memref_slice %arg11[%dma_wait3A_299, %dma_wait3A_300, %dma_wait3A_301] : memref<2x80x64xf32, #tpu.memory_space<vmem>> -> memref<1x80x64xf32, #tpu.memory_space<vmem>>
      %dma_wait3A_303 = tpu.memref_squeeze %dma_wait3A_302 : memref<1x80x64xf32, #tpu.memory_space<vmem>> -> memref<80x64xf32, #tpu.memory_space<vmem>>
      %dma_wait3A_304 = arith.constant 0 : i32
      %dma_wait3A_305 = tpu.memref_slice %arg8[%add3A_282, %dma_wait3A_304] : memref<250x80xi32, #tpu.memory_space<vmem>> -> memref<1x80xi32, #tpu.memory_space<vmem>>
      %dma_wait3A_306 = tpu.memref_squeeze %dma_wait3A_305 : memref<1x80xi32, #tpu.memory_space<vmem>> -> memref<80xi32, #tpu.memory_space<vmem>>
      %dma_wait3A_307 = arith.constant 0 : i32
      %dma_wait3A_308 = arith.constant 0 : i32
      %dma_wait3A_309 = tpu.memref_slice %arg2[%dma_wait3A_307, %dma_wait3A_308] : memref<20000x64xf32, #tpu.memory_space<hbm>> -> memref<20000x64xf32, #tpu.memory_space<hbm>>
      tpu.wait_indirect_dma semaphore(%arg15 : memref<!tpu.dma_semaphore, #tpu.memory_space<semaphore_mem>>) src(%dma_wait3A_309 : memref<20000x64xf32, #tpu.memory_space<hbm>>) dst(%dma_wait3A_303 : memref<80x64xf32, #tpu.memory_space<vmem>>)
      %parallel_loop3A_310 = arith.constant 0 : i32
      %parallel_loop3A_311 = arith.constant 80 : i32
      %parallel_loop3A_312 = arith.constant 1 : i32
      scf.for %parallel_loop3A_367 = %parallel_loop3A_310 to %parallel_loop3A_311 step %parallel_loop3A_312  : i32 {
        %parallel_loop3A_368 = arith.constant 4 : i32
        %parallel_loop3A_369 = arith.muli %parallel_loop3A_367, %parallel_loop3A_368 : i32
        %parallel_loop3A_370 = arith.constant 0 : i32
        %parallel_loop3A_371 = arith.index_cast %parallel_loop3A_370 : i32 to index
        %parallel_loop3A_372 = arith.index_cast %parallel_loop3A_369 : i32 to index
        %parallel_loop3A_373 = tpu.vector_load %arg10[%parallel_loop3A_371, %parallel_loop3A_372] {strides = array<i32>} : memref<2x384xf32, #tpu.memory_space<vmem>>, vector<1x16xf32>,
        %parallel_loop3A_374 = vector.shape_cast %parallel_loop3A_373 : vector<1x16xf32> to vector<16xf32>
        %parallel_loop3A_375 = arith.constant 6.553700e+04 : f32
        %parallel_loop3A_376 = vector.broadcast %parallel_loop3A_375 : f32 to vector<16xf32>
        %parallel_loop3A_377 = arith.mulf %parallel_loop3A_374, %parallel_loop3A_376 : vector<16xf32>
        %parallel_loop3A_378 = arith.subf %parallel_loop3A_377, %parallel_loop3A_374 : vector<16xf32>
        %parallel_loop3A_379 = arith.subf %parallel_loop3A_377, %parallel_loop3A_378 : vector<16xf32>
        %parallel_loop3A_380 = vector.extract_strided_slice %parallel_loop3A_379 {offsets = [0], sizes = [1], strides = [1]} : vector<16xf32> to vector<1xf32>
        %parallel_loop3A_381 = vector.extract %parallel_loop3A_380[0] : f32 from vector<1xf32>
        %parallel_loop3A_382 = vector.extract_strided_slice %parallel_loop3A_379 {offsets = [1], sizes = [1], strides = [1]} : vector<16xf32> to vector<1xf32>
        %parallel_loop3A_383 = vector.extract %parallel_loop3A_382[0] : f32 from vector<1xf32>
        %parallel_loop3A_384 = vector.extract_strided_slice %parallel_loop3A_379 {offsets = [2], sizes = [1], strides = [1]} : vector<16xf32> to vector<1xf32>
        %parallel_loop3A_385 = vector.extract %parallel_loop3A_384[0] : f32 from vector<1xf32>
        %parallel_loop3A_386 = vector.extract_strided_slice %parallel_loop3A_379 {offsets = [3], sizes = [1], strides = [1]} : vector<16xf32> to vector<1xf32>
        %parallel_loop3A_387 = vector.extract %parallel_loop3A_386[0] : f32 from vector<1xf32>
        %parallel_loop3A_388 = arith.constant 0 : i32
        %parallel_loop3A_389 = arith.index_cast %parallel_loop3A_388 : i32 to index
        %parallel_loop3A_390 = arith.index_cast %parallel_loop3A_367 : i32 to index
        %parallel_loop3A_391 = arith.constant 0 : index
        %parallel_loop3A_392 = tpu.vector_load %arg11[%parallel_loop3A_389, %parallel_loop3A_390, %parallel_loop3A_391] {strides = array<i32>} : memref<2x80x64xf32, #tpu.memory_space<vmem>>, vector<1x1x16xf32>,
        %parallel_loop3A_393 = vector.shape_cast %parallel_loop3A_392 : vector<1x1x16xf32> to vector<16xf32>
        %parallel_loop3A_394 = arith.addf %parallel_loop3A_393, %get3A_192 : vector<16xf32>
        %parallel_loop3A_395 = vector.broadcast %parallel_loop3A_381 : f32 to vector<16xf32>
        %parallel_loop3A_396 = arith.mulf %parallel_loop3A_395, %sub3A_37 : vector<16xf32>
        %parallel_loop3A_397 = arith.addf %parallel_loop3A_394, %parallel_loop3A_396 : vector<16xf32>
        %parallel_loop3A_398 = vector.broadcast %parallel_loop3A_383 : f32 to vector<16xf32>
        %parallel_loop3A_399 = arith.mulf %parallel_loop3A_398, %sub3A_77 : vector<16xf32>
        %parallel_loop3A_400 = arith.addf %parallel_loop3A_397, %parallel_loop3A_399 : vector<16xf32>
        %parallel_loop3A_401 = vector.broadcast %parallel_loop3A_385 : f32 to vector<16xf32>
        %parallel_loop3A_402 = arith.mulf %parallel_loop3A_401, %sub3A_117 : vector<16xf32>
        %parallel_loop3A_403 = arith.addf %parallel_loop3A_400, %parallel_loop3A_402 : vector<16xf32>
        %parallel_loop3A_404 = vector.broadcast %parallel_loop3A_387 : f32 to vector<16xf32>
        %parallel_loop3A_405 = arith.mulf %parallel_loop3A_404, %sub3A_157 : vector<16xf32>
        %parallel_loop3A_406 = arith.addf %parallel_loop3A_403, %parallel_loop3A_405 : vector<16xf32>
        %parallel_loop3A_407 = arith.constant 0.000000e+00 : f32
        %parallel_loop3A_408 = vector.broadcast %parallel_loop3A_407 : f32 to vector<16xf32>
        %parallel_loop3A_409 = arith.maximumf %parallel_loop3A_406, %parallel_loop3A_408 : vector<16xf32>
        %parallel_loop3A_410 = arith.constant 0 : i32
        %parallel_loop3A_411 = arith.index_cast %parallel_loop3A_410 : i32 to index
        %parallel_loop3A_412 = arith.index_cast %parallel_loop3A_367 : i32 to index
        %parallel_loop3A_413 = arith.constant 0 : index
        %parallel_loop3A_414 = tpu.vector_load %arg12[%parallel_loop3A_411, %parallel_loop3A_412, %parallel_loop3A_413] {strides = array<i32>} : memref<2x80x64xf32, #tpu.memory_space<vmem>>, vector<1x1x16xf32>,
        %parallel_loop3A_415 = vector.shape_cast %parallel_loop3A_414 : vector<1x1x16xf32> to vector<16xf32>
        %parallel_loop3A_416 = vector.shape_cast %parallel_loop3A_409 : vector<16xf32> to vector<1x1x16xf32>
        tpu.vector_store %arg12[%parallel_loop3A_411, %parallel_loop3A_412, %parallel_loop3A_413], %parallel_loop3A_416 {strides = array<i32>} : memref<2x80x64xf32, #tpu.memory_space<vmem>>, vector<1x1x16xf32>,
        %parallel_loop3A_417 = arith.constant 0 : i32
        %parallel_loop3A_418 = arith.index_cast %parallel_loop3A_417 : i32 to index
        %parallel_loop3A_419 = arith.index_cast %parallel_loop3A_367 : i32 to index
        %parallel_loop3A_420 = arith.constant 16 : index
        %parallel_loop3A_421 = tpu.vector_load %arg11[%parallel_loop3A_418, %parallel_loop3A_419, %parallel_loop3A_420] {strides = array<i32>} : memref<2x80x64xf32, #tpu.memory_space<vmem>>, vector<1x1x16xf32>,
        %parallel_loop3A_422 = vector.shape_cast %parallel_loop3A_421 : vector<1x1x16xf32> to vector<16xf32>
        %parallel_loop3A_423 = arith.addf %parallel_loop3A_422, %get3A_197 : vector<16xf32>
        %parallel_loop3A_424 = vector.broadcast %parallel_loop3A_381 : f32 to vector<16xf32>
        %parallel_loop3A_425 = arith.mulf %parallel_loop3A_424, %sub3A_47 : vector<16xf32>
        %parallel_loop3A_426 = arith.addf %parallel_loop3A_423, %parallel_loop3A_425 : vector<16xf32>
        %parallel_loop3A_427 = vector.broadcast %parallel_loop3A_383 : f32 to vector<16xf32>
        %parallel_loop3A_428 = arith.mulf %parallel_loop3A_427, %sub3A_87 : vector<16xf32>
        %parallel_loop3A_429 = arith.addf %parallel_loop3A_426, %parallel_loop3A_428 : vector<16xf32>
        %parallel_loop3A_430 = vector.broadcast %parallel_loop3A_385 : f32 to vector<16xf32>
        %parallel_loop3A_431 = arith.mulf %parallel_loop3A_430, %sub3A_127 : vector<16xf32>
        %parallel_loop3A_432 = arith.addf %parallel_loop3A_429, %parallel_loop3A_431 : vector<16xf32>
        %parallel_loop3A_433 = vector.broadcast %parallel_loop3A_387 : f32 to vector<16xf32>
        %parallel_loop3A_434 = arith.mulf %parallel_loop3A_433, %sub3A_167 : vector<16xf32>
        %parallel_loop3A_435 = arith.addf %parallel_loop3A_432, %parallel_loop3A_434 : vector<16xf32>
        %parallel_loop3A_436 = arith.constant 0.000000e+00 : f32
        %parallel_loop3A_437 = vector.broadcast %parallel_loop3A_436 : f32 to vector<16xf32>
        %parallel_loop3A_438 = arith.maximumf %parallel_loop3A_435, %parallel_loop3A_437 : vector<16xf32>
        %parallel_loop3A_439 = arith.constant 0 : i32
        %parallel_loop3A_440 = arith.index_cast %parallel_loop3A_439 : i32 to index
        %parallel_loop3A_441 = arith.index_cast %parallel_loop3A_367 : i32 to index
        %parallel_loop3A_442 = arith.constant 16 : index
        %parallel_loop3A_443 = tpu.vector_load %arg12[%parallel_loop3A_440, %parallel_loop3A_441, %parallel_loop3A_442] {strides = array<i32>} : memref<2x80x64xf32, #tpu.memory_space<vmem>>, vector<1x1x16xf32>,
        %parallel_loop3A_444 = vector.shape_cast %parallel_loop3A_443 : vector<1x1x16xf32> to vector<16xf32>
        %parallel_loop3A_445 = vector.shape_cast %parallel_loop3A_438 : vector<16xf32> to vector<1x1x16xf32>
        tpu.vector_store %arg12[%parallel_loop3A_440, %parallel_loop3A_441, %parallel_loop3A_442], %parallel_loop3A_445 {strides = array<i32>} : memref<2x80x64xf32, #tpu.memory_space<vmem>>, vector<1x1x16xf32>,
        %parallel_loop3A_446 = arith.constant 0 : i32
        %parallel_loop3A_447 = arith.index_cast %parallel_loop3A_446 : i32 to index
        %parallel_loop3A_448 = arith.index_cast %parallel_loop3A_367 : i32 to index
        %parallel_loop3A_449 = arith.constant 32 : index
        %parallel_loop3A_450 = tpu.vector_load %arg11[%parallel_loop3A_447, %parallel_loop3A_448, %parallel_loop3A_449] {strides = array<i32>} : memref<2x80x64xf32, #tpu.memory_space<vmem>>, vector<1x1x16xf32>,
        %parallel_loop3A_451 = vector.shape_cast %parallel_loop3A_450 : vector<1x1x16xf32> to vector<16xf32>
        %parallel_loop3A_452 = arith.addf %parallel_loop3A_451, %get3A_202 : vector<16xf32>
        %parallel_loop3A_453 = vector.broadcast %parallel_loop3A_381 : f32 to vector<16xf32>
        %parallel_loop3A_454 = arith.mulf %parallel_loop3A_453, %sub3A_57 : vector<16xf32>
        %parallel_loop3A_455 = arith.addf %parallel_loop3A_452, %parallel_loop3A_454 : vector<16xf32>
        %parallel_loop3A_456 = vector.broadcast %parallel_loop3A_383 : f32 to vector<16xf32>
        %parallel_loop3A_457 = arith.mulf %parallel_loop3A_456, %sub3A_97 : vector<16xf32>
        %parallel_loop3A_458 = arith.addf %parallel_loop3A_455, %parallel_loop3A_457 : vector<16xf32>
        %parallel_loop3A_459 = vector.broadcast %parallel_loop3A_385 : f32 to vector<16xf32>
        %parallel_loop3A_460 = arith.mulf %parallel_loop3A_459, %sub3A_137 : vector<16xf32>
        %parallel_loop3A_461 = arith.addf %parallel_loop3A_458, %parallel_loop3A_460 : vector<16xf32>
        %parallel_loop3A_462 = vector.broadcast %parallel_loop3A_387 : f32 to vector<16xf32>
        %parallel_loop3A_463 = arith.mulf %parallel_loop3A_462, %sub3A_177 : vector<16xf32>
        %parallel_loop3A_464 = arith.addf %parallel_loop3A_461, %parallel_loop3A_463 : vector<16xf32>
        %parallel_loop3A_465 = arith.constant 0.000000e+00 : f32
        %parallel_loop3A_466 = vector.broadcast %parallel_loop3A_465 : f32 to vector<16xf32>
        %parallel_loop3A_467 = arith.maximumf %parallel_loop3A_464, %parallel_loop3A_466 : vector<16xf32>
        %parallel_loop3A_468 = arith.constant 0 : i32
        %parallel_loop3A_469 = arith.index_cast %parallel_loop3A_468 : i32 to index
        %parallel_loop3A_470 = arith.index_cast %parallel_loop3A_367 : i32 to index
        %parallel_loop3A_471 = arith.constant 32 : index
        %parallel_loop3A_472 = tpu.vector_load %arg12[%parallel_loop3A_469, %parallel_loop3A_470, %parallel_loop3A_471] {strides = array<i32>} : memref<2x80x64xf32, #tpu.memory_space<vmem>>, vector<1x1x16xf32>,
        %parallel_loop3A_473 = vector.shape_cast %parallel_loop3A_472 : vector<1x1x16xf32> to vector<16xf32>
        %parallel_loop3A_474 = vector.shape_cast %parallel_loop3A_467 : vector<16xf32> to vector<1x1x16xf32>
        tpu.vector_store %arg12[%parallel_loop3A_469, %parallel_loop3A_470, %parallel_loop3A_471], %parallel_loop3A_474 {strides = array<i32>} : memref<2x80x64xf32, #tpu.memory_space<vmem>>, vector<1x1x16xf32>,
        %parallel_loop3A_475 = arith.constant 0 : i32
        %parallel_loop3A_476 = arith.index_cast %parallel_loop3A_475 : i32 to index
        %parallel_loop3A_477 = arith.index_cast %parallel_loop3A_367 : i32 to index
        %parallel_loop3A_478 = arith.constant 48 : index
        %parallel_loop3A_479 = tpu.vector_load %arg11[%parallel_loop3A_476, %parallel_loop3A_477, %parallel_loop3A_478] {strides = array<i32>} : memref<2x80x64xf32, #tpu.memory_space<vmem>>, vector<1x1x16xf32>,
        %parallel_loop3A_480 = vector.shape_cast %parallel_loop3A_479 : vector<1x1x16xf32> to vector<16xf32>
        %parallel_loop3A_481 = arith.addf %parallel_loop3A_480, %get3A_207 : vector<16xf32>
        %parallel_loop3A_482 = vector.broadcast %parallel_loop3A_381 : f32 to vector<16xf32>
        %parallel_loop3A_483 = arith.mulf %parallel_loop3A_482, %sub3A_67 : vector<16xf32>
        %parallel_loop3A_484 = arith.addf %parallel_loop3A_481, %parallel_loop3A_483 : vector<16xf32>
        %parallel_loop3A_485 = vector.broadcast %parallel_loop3A_383 : f32 to vector<16xf32>
        %parallel_loop3A_486 = arith.mulf %parallel_loop3A_485, %sub3A_107 : vector<16xf32>
        %parallel_loop3A_487 = arith.addf %parallel_loop3A_484, %parallel_loop3A_486 : vector<16xf32>
        %parallel_loop3A_488 = vector.broadcast %parallel_loop3A_385 : f32 to vector<16xf32>
        %parallel_loop3A_489 = arith.mulf %parallel_loop3A_488, %sub3A_147 : vector<16xf32>
        %parallel_loop3A_490 = arith.addf %parallel_loop3A_487, %parallel_loop3A_489 : vector<16xf32>
        %parallel_loop3A_491 = vector.broadcast %parallel_loop3A_387 : f32 to vector<16xf32>
        %parallel_loop3A_492 = arith.mulf %parallel_loop3A_491, %sub3A_187 : vector<16xf32>
        %parallel_loop3A_493 = arith.addf %parallel_loop3A_490, %parallel_loop3A_492 : vector<16xf32>
        %parallel_loop3A_494 = arith.constant 0.000000e+00 : f32
        %parallel_loop3A_495 = vector.broadcast %parallel_loop3A_494 : f32 to vector<16xf32>
        %parallel_loop3A_496 = arith.maximumf %parallel_loop3A_493, %parallel_loop3A_495 : vector<16xf32>
        %parallel_loop3A_497 = arith.constant 0 : i32
        %parallel_loop3A_498 = arith.index_cast %parallel_loop3A_497 : i32 to index
        %parallel_loop3A_499 = arith.index_cast %parallel_loop3A_367 : i32 to index
        %parallel_loop3A_500 = arith.constant 48 : index
        %parallel_loop3A_501 = tpu.vector_load %arg12[%parallel_loop3A_498, %parallel_loop3A_499, %parallel_loop3A_500] {strides = array<i32>} : memref<2x80x64xf32, #tpu.memory_space<vmem>>, vector<1x1x16xf32>,
        %parallel_loop3A_502 = vector.shape_cast %parallel_loop3A_501 : vector<1x1x16xf32> to vector<16xf32>
        %parallel_loop3A_503 = vector.shape_cast %parallel_loop3A_496 : vector<16xf32> to vector<1x1x16xf32>
        tpu.vector_store %arg12[%parallel_loop3A_498, %parallel_loop3A_499, %parallel_loop3A_500], %parallel_loop3A_503 {strides = array<i32>} : memref<2x80x64xf32, #tpu.memory_space<vmem>>, vector<1x1x16xf32>,
      } {sc.loop_unroll_factor = 2 : i64, sc.parallel_access}
      %run_scoped3A_313 = arith.constant 0 : i32
      "tpu.region"() ({
        %run_scoped3A_367 = tpu.sem_alloc : memref<!tpu.dma_semaphore, #tpu.memory_space<semaphore_mem>>
        %dma_start3A_368 = arith.constant 0 : i32
        %dma_start3A_369 = arith.constant 0 : i32
        %dma_start3A_370 = tpu.memref_slice %arg12[%run_scoped3A_313, %dma_start3A_368, %dma_start3A_369] : memref<2x80x64xf32, #tpu.memory_space<vmem>> -> memref<1x80x64xf32, #tpu.memory_space<vmem>>
        %dma_start3A_371 = tpu.memref_squeeze %dma_start3A_370 : memref<1x80x64xf32, #tpu.memory_space<vmem>> -> memref<80x64xf32, #tpu.memory_space<vmem>>
        %dma_start3A_372 = arith.constant 0 : i32
        %dma_start3A_373 = tpu.memref_slice %arg9[%add3A_282, %dma_start3A_372] : memref<250x80xi32, #tpu.memory_space<vmem>> -> memref<1x80xi32, #tpu.memory_space<vmem>>
        %dma_start3A_374 = tpu.memref_squeeze %dma_start3A_373 : memref<1x80xi32, #tpu.memory_space<vmem>> -> memref<80xi32, #tpu.memory_space<vmem>>
        %dma_start3A_375 = arith.constant 0 : i32
        %dma_start3A_376 = arith.constant 0 : i32
        %dma_start3A_377 = tpu.memref_slice %arg14[%dma_start3A_375, %dma_start3A_376] : memref<10000x64xf32, #tpu.memory_space<vmem_shared>> -> memref<10000x64xf32, #tpu.memory_space<vmem_shared>>
        tpu.enqueue_indirect_dma source(%dma_start3A_371 : memref<80x64xf32, #tpu.memory_space<vmem>>) target(%dma_start3A_377 : memref<10000x64xf32, #tpu.memory_space<vmem_shared>>) offsets(%dma_start3A_374 : memref<80xi32, #tpu.memory_space<vmem>>) semaphore(%run_scoped3A_367 : memref<!tpu.dma_semaphore, #tpu.memory_space<semaphore_mem>>) {add = true}
        %dma_wait3A_378 = arith.constant 0 : i32
        %dma_wait3A_379 = arith.constant 0 : i32
        %dma_wait3A_380 = tpu.memref_slice %arg12[%run_scoped3A_313, %dma_wait3A_378, %dma_wait3A_379] : memref<2x80x64xf32, #tpu.memory_space<vmem>> -> memref<1x80x64xf32, #tpu.memory_space<vmem>>
        %dma_wait3A_381 = tpu.memref_squeeze %dma_wait3A_380 : memref<1x80x64xf32, #tpu.memory_space<vmem>> -> memref<80x64xf32, #tpu.memory_space<vmem>>
        %dma_wait3A_382 = arith.constant 0 : i32
        %dma_wait3A_383 = tpu.memref_slice %arg9[%add3A_282, %dma_wait3A_382] : memref<250x80xi32, #tpu.memory_space<vmem>> -> memref<1x80xi32, #tpu.memory_space<vmem>>
        %dma_wait3A_384 = tpu.memref_squeeze %dma_wait3A_383 : memref<1x80xi32, #tpu.memory_space<vmem>> -> memref<80xi32, #tpu.memory_space<vmem>>
        %dma_wait3A_385 = arith.constant 0 : i32
        %dma_wait3A_386 = arith.constant 0 : i32
        %dma_wait3A_387 = tpu.memref_slice %arg14[%dma_wait3A_385, %dma_wait3A_386] : memref<10000x64xf32, #tpu.memory_space<vmem_shared>> -> memref<10000x64xf32, #tpu.memory_space<vmem_shared>>
        tpu.wait_indirect_dma semaphore(%run_scoped3A_367 : memref<!tpu.dma_semaphore, #tpu.memory_space<semaphore_mem>>) src(%dma_wait3A_381 : memref<80x64xf32, #tpu.memory_space<vmem>>) dst(%dma_wait3A_387 : memref<10000x64xf32, #tpu.memory_space<vmem_shared>>)
        tpu.yield
      }) : () -> ()
      %add3A_314 = arith.constant 2 : i32
      %add3A_315 = arith.addi %add3A_282, %add3A_314 : i32
      %sub3A_316 = arith.constant 1 : i32
      %sub3A_317 = arith.subi %add3A_315, %sub3A_316 : i32
      %lt3A = arith.constant 250 : i32
      %lt3A_318 = arith.cmpi slt, %sub3A_317, %lt3A : i32
      %convert_element_type3A_319 = arith.extui %lt3A_318 : i1 to i32
      %cond3A_320 = arith.constant 0 : i32
      %cond3A_321 = arith.cmpi ne, %convert_element_type3A_319, %cond3A_320 : i32
      scf.if %cond3A_321 {
        %add3A_367 = arith.constant 2 : i32
        %add3A_368 = arith.addi %add3A_282, %add3A_367 : i32
        %sub3A_369 = arith.constant 1 : i32
        %sub3A_370 = arith.subi %add3A_368, %sub3A_369 : i32
        %mul3A_371 = arith.constant 20000 : i32
        %mul3A_372 = arith.muli %arg1, %mul3A_371 : i32
        %mul3A_373 = arith.constant 80 : i32
        %mul3A_374 = arith.muli %sub3A_370, %mul3A_373 : i32
        %add3A_375 = arith.addi %mul3A_372, %mul3A_374 : i32
        %mul3A_376 = arith.constant 4 : i32
        %mul3A_377 = arith.muli %add3A_375, %mul3A_376 : i32
        %multiple_of3A_378 = tpu.assume_multiple %mul3A_377, 8 : i32
        %dma_start3A_379 = arith.constant 1 : i32
        %dma_start3A_380 = arith.constant 0 : i32
        %dma_start3A_381 = tpu.memref_slice %arg10[%dma_start3A_379, %dma_start3A_380] : memref<2x384xf32, #tpu.memory_space<vmem>> -> memref<1x384xf32, #tpu.memory_space<vmem>>
        %dma_start3A_382 = tpu.memref_squeeze %dma_start3A_381 : memref<1x384xf32, #tpu.memory_space<vmem>> -> memref<384xf32, #tpu.memory_space<vmem>>
        %dma_start3A_383 = tpu.memref_slice %arg5[%multiple_of3A_378] : memref<1280128xf32, #tpu.memory_space<hbm>> -> memref<384xf32, #tpu.memory_space<hbm>>
        %dma_start3A_384 = arith.constant 0 : i32
        %dma_start3A_385 = tpu.memref_slice %arg10[%dma_start3A_379, %dma_start3A_384] : memref<2x384xf32, #tpu.memory_space<vmem>> -> memref<1x384xf32, #tpu.memory_space<vmem>>
        %dma_start3A_386 = tpu.memref_squeeze %dma_start3A_385 : memref<1x384xf32, #tpu.memory_space<vmem>> -> memref<384xf32, #tpu.memory_space<vmem>>
        %dma_start3A_387 = tpu.memref_slice %arg5[%multiple_of3A_378] : memref<1280128xf32, #tpu.memory_space<hbm>> -> memref<384xf32, #tpu.memory_space<hbm>>
        tpu.enqueue_dma source(%dma_start3A_387 : memref<384xf32, #tpu.memory_space<hbm>>) target(%dma_start3A_386 : memref<384xf32, #tpu.memory_space<vmem>>) target_semaphore(%arg18 : memref<!tpu.dma_semaphore, #tpu.memory_space<semaphore_mem>>)
        %dma_start3A_388 = arith.constant 1 : i32
        %dma_start3A_389 = arith.constant 0 : i32
        %dma_start3A_390 = arith.constant 0 : i32
        %dma_start3A_391 = tpu.memref_slice %arg11[%dma_start3A_388, %dma_start3A_389, %dma_start3A_390] : memref<2x80x64xf32, #tpu.memory_space<vmem>> -> memref<1x80x64xf32, #tpu.memory_space<vmem>>
        %dma_start3A_392 = tpu.memref_squeeze %dma_start3A_391 : memref<1x80x64xf32, #tpu.memory_space<vmem>> -> memref<80x64xf32, #tpu.memory_space<vmem>>
        %dma_start3A_393 = arith.constant 0 : i32
        %dma_start3A_394 = tpu.memref_slice %arg8[%sub3A_370, %dma_start3A_393] : memref<250x80xi32, #tpu.memory_space<vmem>> -> memref<1x80xi32, #tpu.memory_space<vmem>>
        %dma_start3A_395 = tpu.memref_squeeze %dma_start3A_394 : memref<1x80xi32, #tpu.memory_space<vmem>> -> memref<80xi32, #tpu.memory_space<vmem>>
        %dma_start3A_396 = arith.constant 0 : i32
        %dma_start3A_397 = arith.constant 0 : i32
        %dma_start3A_398 = tpu.memref_slice %arg2[%dma_start3A_396, %dma_start3A_397] : memref<20000x64xf32, #tpu.memory_space<hbm>> -> memref<20000x64xf32, #tpu.memory_space<hbm>>
        tpu.enqueue_indirect_dma source(%dma_start3A_398 : memref<20000x64xf32, #tpu.memory_space<hbm>>) target(%dma_start3A_392 : memref<80x64xf32, #tpu.memory_space<vmem>>) offsets(%dma_start3A_395 : memref<80xi32, #tpu.memory_space<vmem>>) semaphore(%arg16 : memref<!tpu.dma_semaphore, #tpu.memory_space<semaphore_mem>>)
      } else {
      }
      %mul3A_322 = arith.constant 2 : i32
      %mul3A_323 = arith.muli %scan3A_278, %mul3A_322 : i32
      %add3A_324 = arith.constant 1 : i32
      %add3A_325 = arith.addi %mul3A_323, %add3A_324 : i32
      %mul3A_326 = arith.constant 20000 : i32
      %mul3A_327 = arith.muli %arg1, %mul3A_326 : i32
      %mul3A_328 = arith.constant 80 : i32
      %mul3A_329 = arith.muli %add3A_325, %mul3A_328 : i32
      %add3A_330 = arith.addi %mul3A_327, %mul3A_329 : i32
      %mul3A_331 = arith.constant 4 : i32
      %mul3A_332 = arith.muli %add3A_330, %mul3A_331 : i32
      %multiple_of3A_333 = tpu.assume_multiple %mul3A_332, 8 : i32
      %dma_wait3A_334 = arith.constant 1 : i32
      %dma_wait3A_335 = arith.constant 0 : i32
      %dma_wait3A_336 = tpu.memref_slice %arg10[%dma_wait3A_334, %dma_wait3A_335] : memref<2x384xf32, #tpu.memory_space<vmem>> -> memref<1x384xf32, #tpu.memory_space<vmem>>
      %dma_wait3A_337 = tpu.memref_squeeze %dma_wait3A_336 : memref<1x384xf32, #tpu.memory_space<vmem>> -> memref<384xf32, #tpu.memory_space<vmem>>
      %dma_wait3A_338 = tpu.memref_slice %arg5[%multiple_of3A_333] : memref<1280128xf32, #tpu.memory_space<hbm>> -> memref<384xf32, #tpu.memory_space<hbm>>
      %dma_wait3A_339 = arith.constant 0 : i32
      %dma_wait3A_340 = tpu.memref_slice %arg10[%dma_wait3A_334, %dma_wait3A_339] : memref<2x384xf32, #tpu.memory_space<vmem>> -> memref<1x384xf32, #tpu.memory_space<vmem>>
      %dma_wait3A_341 = tpu.memref_squeeze %dma_wait3A_340 : memref<1x384xf32, #tpu.memory_space<vmem>> -> memref<384xf32, #tpu.memory_space<vmem>>
      %dma_wait3A_342 = tpu.memref_slice %arg5[%multiple_of3A_333] : memref<1280128xf32, #tpu.memory_space<hbm>> -> memref<384xf32, #tpu.memory_space<hbm>>
      tpu.wait_dma2 semaphore(%arg18 : memref<!tpu.dma_semaphore, #tpu.memory_space<semaphore_mem>>) src(%dma_wait3A_342 : memref<384xf32, #tpu.memory_space<hbm>>) dst(%dma_wait3A_341 : memref<384xf32, #tpu.memory_space<vmem>>)
      %dma_wait3A_343 = arith.constant 1 : i32
      %dma_wait3A_344 = arith.constant 0 : i32
      %dma_wait3A_345 = arith.constant 0 : i32
      %dma_wait3A_346 = tpu.memref_slice %arg11[%dma_wait3A_343, %dma_wait3A_344, %dma_wait3A_345] : memref<2x80x64xf32, #tpu.memory_space<vmem>> -> memref<1x80x64xf32, #tpu.memory_space<vmem>>
      %dma_wait3A_347 = tpu.memref_squeeze %dma_wait3A_346 : memref<1x80x64xf32, #tpu.memory_space<vmem>> -> memref<80x64xf32, #tpu.memory_space<vmem>>
      %dma_wait3A_348 = arith.constant 0 : i32
      %dma_wait3A_349 = tpu.memref_slice %arg8[%add3A_325, %dma_wait3A_348] : memref<250x80xi32, #tpu.memory_space<vmem>> -> memref<1x80xi32, #tpu.memory_space<vmem>>
      %dma_wait3A_350 = tpu.memref_squeeze %dma_wait3A_349 : memref<1x80xi32, #tpu.memory_space<vmem>> -> memref<80xi32, #tpu.memory_space<vmem>>
      %dma_wait3A_351 = arith.constant 0 : i32
      %dma_wait3A_352 = arith.constant 0 : i32
      %dma_wait3A_353 = tpu.memref_slice %arg2[%dma_wait3A_351, %dma_wait3A_352] : memref<20000x64xf32, #tpu.memory_space<hbm>> -> memref<20000x64xf32, #tpu.memory_space<hbm>>
      tpu.wait_indirect_dma semaphore(%arg16 : memref<!tpu.dma_semaphore, #tpu.memory_space<semaphore_mem>>) src(%dma_wait3A_353 : memref<20000x64xf32, #tpu.memory_space<hbm>>) dst(%dma_wait3A_347 : memref<80x64xf32, #tpu.memory_space<vmem>>)
      %parallel_loop3A_354 = arith.constant 0 : i32
      %parallel_loop3A_355 = arith.constant 80 : i32
      %parallel_loop3A_356 = arith.constant 1 : i32
      scf.for %parallel_loop3A_367 = %parallel_loop3A_354 to %parallel_loop3A_355 step %parallel_loop3A_356  : i32 {
        %parallel_loop3A_368 = arith.constant 4 : i32
        %parallel_loop3A_369 = arith.muli %parallel_loop3A_367, %parallel_loop3A_368 : i32
        %parallel_loop3A_370 = arith.constant 1 : i32
        %parallel_loop3A_371 = arith.index_cast %parallel_loop3A_370 : i32 to index
        %parallel_loop3A_372 = arith.index_cast %parallel_loop3A_369 : i32 to index
        %parallel_loop3A_373 = tpu.vector_load %arg10[%parallel_loop3A_371, %parallel_loop3A_372] {strides = array<i32>} : memref<2x384xf32, #tpu.memory_space<vmem>>, vector<1x16xf32>,
        %parallel_loop3A_374 = vector.shape_cast %parallel_loop3A_373 : vector<1x16xf32> to vector<16xf32>
        %parallel_loop3A_375 = arith.constant 6.553700e+04 : f32
        %parallel_loop3A_376 = vector.broadcast %parallel_loop3A_375 : f32 to vector<16xf32>
        %parallel_loop3A_377 = arith.mulf %parallel_loop3A_374, %parallel_loop3A_376 : vector<16xf32>
        %parallel_loop3A_378 = arith.subf %parallel_loop3A_377, %parallel_loop3A_374 : vector<16xf32>
        %parallel_loop3A_379 = arith.subf %parallel_loop3A_377, %parallel_loop3A_378 : vector<16xf32>
        %parallel_loop3A_380 = vector.extract_strided_slice %parallel_loop3A_379 {offsets = [0], sizes = [1], strides = [1]} : vector<16xf32> to vector<1xf32>
        %parallel_loop3A_381 = vector.extract %parallel_loop3A_380[0] : f32 from vector<1xf32>
        %parallel_loop3A_382 = vector.extract_strided_slice %parallel_loop3A_379 {offsets = [1], sizes = [1], strides = [1]} : vector<16xf32> to vector<1xf32>
        %parallel_loop3A_383 = vector.extract %parallel_loop3A_382[0] : f32 from vector<1xf32>
        %parallel_loop3A_384 = vector.extract_strided_slice %parallel_loop3A_379 {offsets = [2], sizes = [1], strides = [1]} : vector<16xf32> to vector<1xf32>
        %parallel_loop3A_385 = vector.extract %parallel_loop3A_384[0] : f32 from vector<1xf32>
        %parallel_loop3A_386 = vector.extract_strided_slice %parallel_loop3A_379 {offsets = [3], sizes = [1], strides = [1]} : vector<16xf32> to vector<1xf32>
        %parallel_loop3A_387 = vector.extract %parallel_loop3A_386[0] : f32 from vector<1xf32>
        %parallel_loop3A_388 = arith.constant 1 : i32
        %parallel_loop3A_389 = arith.index_cast %parallel_loop3A_388 : i32 to index
        %parallel_loop3A_390 = arith.index_cast %parallel_loop3A_367 : i32 to index
        %parallel_loop3A_391 = arith.constant 0 : index
        %parallel_loop3A_392 = tpu.vector_load %arg11[%parallel_loop3A_389, %parallel_loop3A_390, %parallel_loop3A_391] {strides = array<i32>} : memref<2x80x64xf32, #tpu.memory_space<vmem>>, vector<1x1x16xf32>,
        %parallel_loop3A_393 = vector.shape_cast %parallel_loop3A_392 : vector<1x1x16xf32> to vector<16xf32>
        %parallel_loop3A_394 = arith.addf %parallel_loop3A_393, %get3A_192 : vector<16xf32>
        %parallel_loop3A_395 = vector.broadcast %parallel_loop3A_381 : f32 to vector<16xf32>
        %parallel_loop3A_396 = arith.mulf %parallel_loop3A_395, %sub3A_37 : vector<16xf32>
        %parallel_loop3A_397 = arith.addf %parallel_loop3A_394, %parallel_loop3A_396 : vector<16xf32>
        %parallel_loop3A_398 = vector.broadcast %parallel_loop3A_383 : f32 to vector<16xf32>
        %parallel_loop3A_399 = arith.mulf %parallel_loop3A_398, %sub3A_77 : vector<16xf32>
        %parallel_loop3A_400 = arith.addf %parallel_loop3A_397, %parallel_loop3A_399 : vector<16xf32>
        %parallel_loop3A_401 = vector.broadcast %parallel_loop3A_385 : f32 to vector<16xf32>
        %parallel_loop3A_402 = arith.mulf %parallel_loop3A_401, %sub3A_117 : vector<16xf32>
        %parallel_loop3A_403 = arith.addf %parallel_loop3A_400, %parallel_loop3A_402 : vector<16xf32>
        %parallel_loop3A_404 = vector.broadcast %parallel_loop3A_387 : f32 to vector<16xf32>
        %parallel_loop3A_405 = arith.mulf %parallel_loop3A_404, %sub3A_157 : vector<16xf32>
        %parallel_loop3A_406 = arith.addf %parallel_loop3A_403, %parallel_loop3A_405 : vector<16xf32>
        %parallel_loop3A_407 = arith.constant 0.000000e+00 : f32
        %parallel_loop3A_408 = vector.broadcast %parallel_loop3A_407 : f32 to vector<16xf32>
        %parallel_loop3A_409 = arith.maximumf %parallel_loop3A_406, %parallel_loop3A_408 : vector<16xf32>
        %parallel_loop3A_410 = arith.constant 1 : i32
        %parallel_loop3A_411 = arith.index_cast %parallel_loop3A_410 : i32 to index
        %parallel_loop3A_412 = arith.index_cast %parallel_loop3A_367 : i32 to index
        %parallel_loop3A_413 = arith.constant 0 : index
        %parallel_loop3A_414 = tpu.vector_load %arg12[%parallel_loop3A_411, %parallel_loop3A_412, %parallel_loop3A_413] {strides = array<i32>} : memref<2x80x64xf32, #tpu.memory_space<vmem>>, vector<1x1x16xf32>,
        %parallel_loop3A_415 = vector.shape_cast %parallel_loop3A_414 : vector<1x1x16xf32> to vector<16xf32>
        %parallel_loop3A_416 = vector.shape_cast %parallel_loop3A_409 : vector<16xf32> to vector<1x1x16xf32>
        tpu.vector_store %arg12[%parallel_loop3A_411, %parallel_loop3A_412, %parallel_loop3A_413], %parallel_loop3A_416 {strides = array<i32>} : memref<2x80x64xf32, #tpu.memory_space<vmem>>, vector<1x1x16xf32>,
        %parallel_loop3A_417 = arith.constant 1 : i32
        %parallel_loop3A_418 = arith.index_cast %parallel_loop3A_417 : i32 to index
        %parallel_loop3A_419 = arith.index_cast %parallel_loop3A_367 : i32 to index
        %parallel_loop3A_420 = arith.constant 16 : index
        %parallel_loop3A_421 = tpu.vector_load %arg11[%parallel_loop3A_418, %parallel_loop3A_419, %parallel_loop3A_420] {strides = array<i32>} : memref<2x80x64xf32, #tpu.memory_space<vmem>>, vector<1x1x16xf32>,
        %parallel_loop3A_422 = vector.shape_cast %parallel_loop3A_421 : vector<1x1x16xf32> to vector<16xf32>
        %parallel_loop3A_423 = arith.addf %parallel_loop3A_422, %get3A_197 : vector<16xf32>
        %parallel_loop3A_424 = vector.broadcast %parallel_loop3A_381 : f32 to vector<16xf32>
        %parallel_loop3A_425 = arith.mulf %parallel_loop3A_424, %sub3A_47 : vector<16xf32>
        %parallel_loop3A_426 = arith.addf %parallel_loop3A_423, %parallel_loop3A_425 : vector<16xf32>
        %parallel_loop3A_427 = vector.broadcast %parallel_loop3A_383 : f32 to vector<16xf32>
        %parallel_loop3A_428 = arith.mulf %parallel_loop3A_427, %sub3A_87 : vector<16xf32>
        %parallel_loop3A_429 = arith.addf %parallel_loop3A_426, %parallel_loop3A_428 : vector<16xf32>
        %parallel_loop3A_430 = vector.broadcast %parallel_loop3A_385 : f32 to vector<16xf32>
        %parallel_loop3A_431 = arith.mulf %parallel_loop3A_430, %sub3A_127 : vector<16xf32>
        %parallel_loop3A_432 = arith.addf %parallel_loop3A_429, %parallel_loop3A_431 : vector<16xf32>
        %parallel_loop3A_433 = vector.broadcast %parallel_loop3A_387 : f32 to vector<16xf32>
        %parallel_loop3A_434 = arith.mulf %parallel_loop3A_433, %sub3A_167 : vector<16xf32>
        %parallel_loop3A_435 = arith.addf %parallel_loop3A_432, %parallel_loop3A_434 : vector<16xf32>
        %parallel_loop3A_436 = arith.constant 0.000000e+00 : f32
        %parallel_loop3A_437 = vector.broadcast %parallel_loop3A_436 : f32 to vector<16xf32>
        %parallel_loop3A_438 = arith.maximumf %parallel_loop3A_435, %parallel_loop3A_437 : vector<16xf32>
        %parallel_loop3A_439 = arith.constant 1 : i32
        %parallel_loop3A_440 = arith.index_cast %parallel_loop3A_439 : i32 to index
        %parallel_loop3A_441 = arith.index_cast %parallel_loop3A_367 : i32 to index
        %parallel_loop3A_442 = arith.constant 16 : index
        %parallel_loop3A_443 = tpu.vector_load %arg12[%parallel_loop3A_440, %parallel_loop3A_441, %parallel_loop3A_442] {strides = array<i32>} : memref<2x80x64xf32, #tpu.memory_space<vmem>>, vector<1x1x16xf32>,
        %parallel_loop3A_444 = vector.shape_cast %parallel_loop3A_443 : vector<1x1x16xf32> to vector<16xf32>
        %parallel_loop3A_445 = vector.shape_cast %parallel_loop3A_438 : vector<16xf32> to vector<1x1x16xf32>
        tpu.vector_store %arg12[%parallel_loop3A_440, %parallel_loop3A_441, %parallel_loop3A_442], %parallel_loop3A_445 {strides = array<i32>} : memref<2x80x64xf32, #tpu.memory_space<vmem>>, vector<1x1x16xf32>,
        %parallel_loop3A_446 = arith.constant 1 : i32
        %parallel_loop3A_447 = arith.index_cast %parallel_loop3A_446 : i32 to index
        %parallel_loop3A_448 = arith.index_cast %parallel_loop3A_367 : i32 to index
        %parallel_loop3A_449 = arith.constant 32 : index
        %parallel_loop3A_450 = tpu.vector_load %arg11[%parallel_loop3A_447, %parallel_loop3A_448, %parallel_loop3A_449] {strides = array<i32>} : memref<2x80x64xf32, #tpu.memory_space<vmem>>, vector<1x1x16xf32>,
        %parallel_loop3A_451 = vector.shape_cast %parallel_loop3A_450 : vector<1x1x16xf32> to vector<16xf32>
        %parallel_loop3A_452 = arith.addf %parallel_loop3A_451, %get3A_202 : vector<16xf32>
        %parallel_loop3A_453 = vector.broadcast %parallel_loop3A_381 : f32 to vector<16xf32>
        %parallel_loop3A_454 = arith.mulf %parallel_loop3A_453, %sub3A_57 : vector<16xf32>
        %parallel_loop3A_455 = arith.addf %parallel_loop3A_452, %parallel_loop3A_454 : vector<16xf32>
        %parallel_loop3A_456 = vector.broadcast %parallel_loop3A_383 : f32 to vector<16xf32>
        %parallel_loop3A_457 = arith.mulf %parallel_loop3A_456, %sub3A_97 : vector<16xf32>
        %parallel_loop3A_458 = arith.addf %parallel_loop3A_455, %parallel_loop3A_457 : vector<16xf32>
        %parallel_loop3A_459 = vector.broadcast %parallel_loop3A_385 : f32 to vector<16xf32>
        %parallel_loop3A_460 = arith.mulf %parallel_loop3A_459, %sub3A_137 : vector<16xf32>
        %parallel_loop3A_461 = arith.addf %parallel_loop3A_458, %parallel_loop3A_460 : vector<16xf32>
        %parallel_loop3A_462 = vector.broadcast %parallel_loop3A_387 : f32 to vector<16xf32>
        %parallel_loop3A_463 = arith.mulf %parallel_loop3A_462, %sub3A_177 : vector<16xf32>
        %parallel_loop3A_464 = arith.addf %parallel_loop3A_461, %parallel_loop3A_463 : vector<16xf32>
        %parallel_loop3A_465 = arith.constant 0.000000e+00 : f32
        %parallel_loop3A_466 = vector.broadcast %parallel_loop3A_465 : f32 to vector<16xf32>
        %parallel_loop3A_467 = arith.maximumf %parallel_loop3A_464, %parallel_loop3A_466 : vector<16xf32>
        %parallel_loop3A_468 = arith.constant 1 : i32
        %parallel_loop3A_469 = arith.index_cast %parallel_loop3A_468 : i32 to index
        %parallel_loop3A_470 = arith.index_cast %parallel_loop3A_367 : i32 to index
        %parallel_loop3A_471 = arith.constant 32 : index
        %parallel_loop3A_472 = tpu.vector_load %arg12[%parallel_loop3A_469, %parallel_loop3A_470, %parallel_loop3A_471] {strides = array<i32>} : memref<2x80x64xf32, #tpu.memory_space<vmem>>, vector<1x1x16xf32>,
        %parallel_loop3A_473 = vector.shape_cast %parallel_loop3A_472 : vector<1x1x16xf32> to vector<16xf32>
        %parallel_loop3A_474 = vector.shape_cast %parallel_loop3A_467 : vector<16xf32> to vector<1x1x16xf32>
        tpu.vector_store %arg12[%parallel_loop3A_469, %parallel_loop3A_470, %parallel_loop3A_471], %parallel_loop3A_474 {strides = array<i32>} : memref<2x80x64xf32, #tpu.memory_space<vmem>>, vector<1x1x16xf32>,
        %parallel_loop3A_475 = arith.constant 1 : i32
        %parallel_loop3A_476 = arith.index_cast %parallel_loop3A_475 : i32 to index
        %parallel_loop3A_477 = arith.index_cast %parallel_loop3A_367 : i32 to index
        %parallel_loop3A_478 = arith.constant 48 : index
        %parallel_loop3A_479 = tpu.vector_load %arg11[%parallel_loop3A_476, %parallel_loop3A_477, %parallel_loop3A_478] {strides = array<i32>} : memref<2x80x64xf32, #tpu.memory_space<vmem>>, vector<1x1x16xf32>,
        %parallel_loop3A_480 = vector.shape_cast %parallel_loop3A_479 : vector<1x1x16xf32> to vector<16xf32>
        %parallel_loop3A_481 = arith.addf %parallel_loop3A_480, %get3A_207 : vector<16xf32>
        %parallel_loop3A_482 = vector.broadcast %parallel_loop3A_381 : f32 to vector<16xf32>
        %parallel_loop3A_483 = arith.mulf %parallel_loop3A_482, %sub3A_67 : vector<16xf32>
        %parallel_loop3A_484 = arith.addf %parallel_loop3A_481, %parallel_loop3A_483 : vector<16xf32>
        %parallel_loop3A_485 = vector.broadcast %parallel_loop3A_383 : f32 to vector<16xf32>
        %parallel_loop3A_486 = arith.mulf %parallel_loop3A_485, %sub3A_107 : vector<16xf32>
        %parallel_loop3A_487 = arith.addf %parallel_loop3A_484, %parallel_loop3A_486 : vector<16xf32>
        %parallel_loop3A_488 = vector.broadcast %parallel_loop3A_385 : f32 to vector<16xf32>
        %parallel_loop3A_489 = arith.mulf %parallel_loop3A_488, %sub3A_147 : vector<16xf32>
        %parallel_loop3A_490 = arith.addf %parallel_loop3A_487, %parallel_loop3A_489 : vector<16xf32>
        %parallel_loop3A_491 = vector.broadcast %parallel_loop3A_387 : f32 to vector<16xf32>
        %parallel_loop3A_492 = arith.mulf %parallel_loop3A_491, %sub3A_187 : vector<16xf32>
        %parallel_loop3A_493 = arith.addf %parallel_loop3A_490, %parallel_loop3A_492 : vector<16xf32>
        %parallel_loop3A_494 = arith.constant 0.000000e+00 : f32
        %parallel_loop3A_495 = vector.broadcast %parallel_loop3A_494 : f32 to vector<16xf32>
        %parallel_loop3A_496 = arith.maximumf %parallel_loop3A_493, %parallel_loop3A_495 : vector<16xf32>
        %parallel_loop3A_497 = arith.constant 1 : i32
        %parallel_loop3A_498 = arith.index_cast %parallel_loop3A_497 : i32 to index
        %parallel_loop3A_499 = arith.index_cast %parallel_loop3A_367 : i32 to index
        %parallel_loop3A_500 = arith.constant 48 : index
        %parallel_loop3A_501 = tpu.vector_load %arg12[%parallel_loop3A_498, %parallel_loop3A_499, %parallel_loop3A_500] {strides = array<i32>} : memref<2x80x64xf32, #tpu.memory_space<vmem>>, vector<1x1x16xf32>,
        %parallel_loop3A_502 = vector.shape_cast %parallel_loop3A_501 : vector<1x1x16xf32> to vector<16xf32>
        %parallel_loop3A_503 = vector.shape_cast %parallel_loop3A_496 : vector<16xf32> to vector<1x1x16xf32>
        tpu.vector_store %arg12[%parallel_loop3A_498, %parallel_loop3A_499, %parallel_loop3A_500], %parallel_loop3A_503 {strides = array<i32>} : memref<2x80x64xf32, #tpu.memory_space<vmem>>, vector<1x1x16xf32>,
      } {sc.loop_unroll_factor = 2 : i64, sc.parallel_access}
      %run_scoped3A_357 = arith.constant 1 : i32
      "tpu.region"() ({
        %run_scoped3A_367 = tpu.sem_alloc : memref<!tpu.dma_semaphore, #tpu.memory_space<semaphore_mem>>
        %dma_start3A_368 = arith.constant 0 : i32
        %dma_start3A_369 = arith.constant 0 : i32
        %dma_start3A_370 = tpu.memref_slice %arg12[%run_scoped3A_357, %dma_start3A_368, %dma_start3A_369] : memref<2x80x64xf32, #tpu.memory_space<vmem>> -> memref<1x80x64xf32, #tpu.memory_space<vmem>>
        %dma_start3A_371 = tpu.memref_squeeze %dma_start3A_370 : memref<1x80x64xf32, #tpu.memory_space<vmem>> -> memref<80x64xf32, #tpu.memory_space<vmem>>
        %dma_start3A_372 = arith.constant 0 : i32
        %dma_start3A_373 = tpu.memref_slice %arg9[%add3A_325, %dma_start3A_372] : memref<250x80xi32, #tpu.memory_space<vmem>> -> memref<1x80xi32, #tpu.memory_space<vmem>>
        %dma_start3A_374 = tpu.memref_squeeze %dma_start3A_373 : memref<1x80xi32, #tpu.memory_space<vmem>> -> memref<80xi32, #tpu.memory_space<vmem>>
        %dma_start3A_375 = arith.constant 0 : i32
        %dma_start3A_376 = arith.constant 0 : i32
        %dma_start3A_377 = tpu.memref_slice %arg14[%dma_start3A_375, %dma_start3A_376] : memref<10000x64xf32, #tpu.memory_space<vmem_shared>> -> memref<10000x64xf32, #tpu.memory_space<vmem_shared>>
        tpu.enqueue_indirect_dma source(%dma_start3A_371 : memref<80x64xf32, #tpu.memory_space<vmem>>) target(%dma_start3A_377 : memref<10000x64xf32, #tpu.memory_space<vmem_shared>>) offsets(%dma_start3A_374 : memref<80xi32, #tpu.memory_space<vmem>>) semaphore(%run_scoped3A_367 : memref<!tpu.dma_semaphore, #tpu.memory_space<semaphore_mem>>) {add = true}
        %dma_wait3A_378 = arith.constant 0 : i32
        %dma_wait3A_379 = arith.constant 0 : i32
        %dma_wait3A_380 = tpu.memref_slice %arg12[%run_scoped3A_357, %dma_wait3A_378, %dma_wait3A_379] : memref<2x80x64xf32, #tpu.memory_space<vmem>> -> memref<1x80x64xf32, #tpu.memory_space<vmem>>
        %dma_wait3A_381 = tpu.memref_squeeze %dma_wait3A_380 : memref<1x80x64xf32, #tpu.memory_space<vmem>> -> memref<80x64xf32, #tpu.memory_space<vmem>>
        %dma_wait3A_382 = arith.constant 0 : i32
        %dma_wait3A_383 = tpu.memref_slice %arg9[%add3A_325, %dma_wait3A_382] : memref<250x80xi32, #tpu.memory_space<vmem>> -> memref<1x80xi32, #tpu.memory_space<vmem>>
        %dma_wait3A_384 = tpu.memref_squeeze %dma_wait3A_383 : memref<1x80xi32, #tpu.memory_space<vmem>> -> memref<80xi32, #tpu.memory_space<vmem>>
        %dma_wait3A_385 = arith.constant 0 : i32
        %dma_wait3A_386 = arith.constant 0 : i32
        %dma_wait3A_387 = tpu.memref_slice %arg14[%dma_wait3A_385, %dma_wait3A_386] : memref<10000x64xf32, #tpu.memory_space<vmem_shared>> -> memref<10000x64xf32, #tpu.memory_space<vmem_shared>>
        tpu.wait_indirect_dma semaphore(%run_scoped3A_367 : memref<!tpu.dma_semaphore, #tpu.memory_space<semaphore_mem>>) src(%dma_wait3A_381 : memref<80x64xf32, #tpu.memory_space<vmem>>) dst(%dma_wait3A_387 : memref<10000x64xf32, #tpu.memory_space<vmem_shared>>)
        tpu.yield
      }) : () -> ()
      %add3A_358 = arith.constant 2 : i32
      %add3A_359 = arith.addi %add3A_325, %add3A_358 : i32
      %sub3A_360 = arith.constant 1 : i32
      %sub3A_361 = arith.subi %add3A_359, %sub3A_360 : i32
      %lt3A_362 = arith.constant 250 : i32
      %lt3A_363 = arith.cmpi slt, %sub3A_361, %lt3A_362 : i32
      %convert_element_type3A_364 = arith.extui %lt3A_363 : i1 to i32
      %cond3A_365 = arith.constant 0 : i32
      %cond3A_366 = arith.cmpi ne, %convert_element_type3A_364, %cond3A_365 : i32
      scf.if %cond3A_366 {
        %add3A_367 = arith.constant 2 : i32
        %add3A_368 = arith.addi %add3A_325, %add3A_367 : i32
        %sub3A_369 = arith.constant 1 : i32
        %sub3A_370 = arith.subi %add3A_368, %sub3A_369 : i32
        %mul3A_371 = arith.constant 20000 : i32
        %mul3A_372 = arith.muli %arg1, %mul3A_371 : i32
        %mul3A_373 = arith.constant 80 : i32
        %mul3A_374 = arith.muli %sub3A_370, %mul3A_373 : i32
        %add3A_375 = arith.addi %mul3A_372, %mul3A_374 : i32
        %mul3A_376 = arith.constant 4 : i32
        %mul3A_377 = arith.muli %add3A_375, %mul3A_376 : i32
        %multiple_of3A_378 = tpu.assume_multiple %mul3A_377, 8 : i32
        %dma_start3A_379 = arith.constant 0 : i32
        %dma_start3A_380 = arith.constant 0 : i32
        %dma_start3A_381 = tpu.memref_slice %arg10[%dma_start3A_379, %dma_start3A_380] : memref<2x384xf32, #tpu.memory_space<vmem>> -> memref<1x384xf32, #tpu.memory_space<vmem>>
        %dma_start3A_382 = tpu.memref_squeeze %dma_start3A_381 : memref<1x384xf32, #tpu.memory_space<vmem>> -> memref<384xf32, #tpu.memory_space<vmem>>
        %dma_start3A_383 = tpu.memref_slice %arg5[%multiple_of3A_378] : memref<1280128xf32, #tpu.memory_space<hbm>> -> memref<384xf32, #tpu.memory_space<hbm>>
        %dma_start3A_384 = arith.constant 0 : i32
        %dma_start3A_385 = tpu.memref_slice %arg10[%dma_start3A_379, %dma_start3A_384] : memref<2x384xf32, #tpu.memory_space<vmem>> -> memref<1x384xf32, #tpu.memory_space<vmem>>
        %dma_start3A_386 = tpu.memref_squeeze %dma_start3A_385 : memref<1x384xf32, #tpu.memory_space<vmem>> -> memref<384xf32, #tpu.memory_space<vmem>>
        %dma_start3A_387 = tpu.memref_slice %arg5[%multiple_of3A_378] : memref<1280128xf32, #tpu.memory_space<hbm>> -> memref<384xf32, #tpu.memory_space<hbm>>
        tpu.enqueue_dma source(%dma_start3A_387 : memref<384xf32, #tpu.memory_space<hbm>>) target(%dma_start3A_386 : memref<384xf32, #tpu.memory_space<vmem>>) target_semaphore(%arg17 : memref<!tpu.dma_semaphore, #tpu.memory_space<semaphore_mem>>)
        %dma_start3A_388 = arith.constant 0 : i32
        %dma_start3A_389 = arith.constant 0 : i32
        %dma_start3A_390 = arith.constant 0 : i32
        %dma_start3A_391 = tpu.memref_slice %arg11[%dma_start3A_388, %dma_start3A_389, %dma_start3A_390] : memref<2x80x64xf32, #tpu.memory_space<vmem>> -> memref<1x80x64xf32, #tpu.memory_space<vmem>>
        %dma_start3A_392 = tpu.memref_squeeze %dma_start3A_391 : memref<1x80x64xf32, #tpu.memory_space<vmem>> -> memref<80x64xf32, #tpu.memory_space<vmem>>
        %dma_start3A_393 = arith.constant 0 : i32
        %dma_start3A_394 = tpu.memref_slice %arg8[%sub3A_370, %dma_start3A_393] : memref<250x80xi32, #tpu.memory_space<vmem>> -> memref<1x80xi32, #tpu.memory_space<vmem>>
        %dma_start3A_395 = tpu.memref_squeeze %dma_start3A_394 : memref<1x80xi32, #tpu.memory_space<vmem>> -> memref<80xi32, #tpu.memory_space<vmem>>
        %dma_start3A_396 = arith.constant 0 : i32
        %dma_start3A_397 = arith.constant 0 : i32
        %dma_start3A_398 = tpu.memref_slice %arg2[%dma_start3A_396, %dma_start3A_397] : memref<20000x64xf32, #tpu.memory_space<hbm>> -> memref<20000x64xf32, #tpu.memory_space<hbm>>
        tpu.enqueue_indirect_dma source(%dma_start3A_398 : memref<20000x64xf32, #tpu.memory_space<hbm>>) target(%dma_start3A_392 : memref<80x64xf32, #tpu.memory_space<vmem>>) offsets(%dma_start3A_395 : memref<80xi32, #tpu.memory_space<vmem>>) semaphore(%arg15 : memref<!tpu.dma_semaphore, #tpu.memory_space<semaphore_mem>>)
      } else {
      }
    }
    %scan3A_239 = arith.constant 125 : i32
    %barrier3A_240 = arith.constant 0 : index
    tpu.barrier barrier_id(%barrier3A_240)
    %add3A_241 = arith.constant 0 : i32
    %add3A_242 = arith.addi %multiple_of3A, %add3A_241 : i32
    %add3A_243 = arith.constant 0 : i32
    %add3A_244 = arith.addi %multiple_of3A, %add3A_243 : i32
    "tpu.region"() ({
      %run_scoped3A_278 = tpu.sem_alloc : memref<!tpu.dma_semaphore, #tpu.memory_space<semaphore_mem>>
      %dma_start3A_279 = arith.constant 0 : i32
      %dma_start3A_280 = tpu.memref_slice %arg7[%arg0, %add3A_244, %dma_start3A_279] : memref<2x10000x64xf32, #tpu.memory_space<hbm>> -> memref<1x80x64xf32, #tpu.memory_space<hbm>>
      %dma_start3A_281 = tpu.memref_squeeze %dma_start3A_280 : memref<1x80x64xf32, #tpu.memory_space<hbm>> -> memref<80x64xf32, #tpu.memory_space<hbm>>
      %dma_start3A_282 = arith.constant 0 : i32
      %dma_start3A_283 = tpu.memref_slice %arg14[%add3A_242, %dma_start3A_282] : memref<10000x64xf32, #tpu.memory_space<vmem_shared>> -> memref<80x64xf32, #tpu.memory_space<vmem_shared>>
      tpu.enqueue_dma source(%dma_start3A_283 : memref<80x64xf32, #tpu.memory_space<vmem_shared>>) target(%dma_start3A_281 : memref<80x64xf32, #tpu.memory_space<hbm>>) target_semaphore(%run_scoped3A_278 : memref<!tpu.dma_semaphore, #tpu.memory_space<semaphore_mem>>)
      %dma_wait3A = arith.constant 0 : i32
      %dma_wait3A_284 = tpu.memref_slice %arg7[%arg0, %add3A_244, %dma_wait3A] : memref<2x10000x64xf32, #tpu.memory_space<hbm>> -> memref<1x80x64xf32, #tpu.memory_space<hbm>>
      %dma_wait3A_285 = tpu.memref_squeeze %dma_wait3A_284 : memref<1x80x64xf32, #tpu.memory_space<hbm>> -> memref<80x64xf32, #tpu.memory_space<hbm>>
      %dma_wait3A_286 = arith.constant 0 : i32
      %dma_wait3A_287 = tpu.memref_slice %arg14[%add3A_242, %dma_wait3A_286] : memref<10000x64xf32, #tpu.memory_space<vmem_shared>> -> memref<80x64xf32, #tpu.memory_space<vmem_shared>>
      tpu.wait_dma2 semaphore(%run_scoped3A_278 : memref<!tpu.dma_semaphore, #tpu.memory_space<semaphore_mem>>) src(%dma_wait3A_287 : memref<80x64xf32, #tpu.memory_space<vmem_shared>>) dst(%dma_wait3A_285 : memref<80x64xf32, #tpu.memory_space<hbm>>)
      tpu.yield
    }) : () -> ()
    %add3A_245 = arith.constant 80 : i32
    %add3A_246 = arith.addi %multiple_of3A, %add3A_245 : i32
    %add3A_247 = arith.constant 80 : i32
    %add3A_248 = arith.addi %multiple_of3A, %add3A_247 : i32
    "tpu.region"() ({
      %run_scoped3A_278 = tpu.sem_alloc : memref<!tpu.dma_semaphore, #tpu.memory_space<semaphore_mem>>
      %dma_start3A_279 = arith.constant 0 : i32
      %dma_start3A_280 = tpu.memref_slice %arg7[%arg0, %add3A_248, %dma_start3A_279] : memref<2x10000x64xf32, #tpu.memory_space<hbm>> -> memref<1x80x64xf32, #tpu.memory_space<hbm>>
      %dma_start3A_281 = tpu.memref_squeeze %dma_start3A_280 : memref<1x80x64xf32, #tpu.memory_space<hbm>> -> memref<80x64xf32, #tpu.memory_space<hbm>>
      %dma_start3A_282 = arith.constant 0 : i32
      %dma_start3A_283 = tpu.memref_slice %arg14[%add3A_246, %dma_start3A_282] : memref<10000x64xf32, #tpu.memory_space<vmem_shared>> -> memref<80x64xf32, #tpu.memory_space<vmem_shared>>
      tpu.enqueue_dma source(%dma_start3A_283 : memref<80x64xf32, #tpu.memory_space<vmem_shared>>) target(%dma_start3A_281 : memref<80x64xf32, #tpu.memory_space<hbm>>) target_semaphore(%run_scoped3A_278 : memref<!tpu.dma_semaphore, #tpu.memory_space<semaphore_mem>>)
      %dma_wait3A = arith.constant 0 : i32
      %dma_wait3A_284 = tpu.memref_slice %arg7[%arg0, %add3A_248, %dma_wait3A] : memref<2x10000x64xf32, #tpu.memory_space<hbm>> -> memref<1x80x64xf32, #tpu.memory_space<hbm>>
      %dma_wait3A_285 = tpu.memref_squeeze %dma_wait3A_284 : memref<1x80x64xf32, #tpu.memory_space<hbm>> -> memref<80x64xf32, #tpu.memory_space<hbm>>
      %dma_wait3A_286 = arith.constant 0 : i32
      %dma_wait3A_287 = tpu.memref_slice %arg14[%add3A_246, %dma_wait3A_286] : memref<10000x64xf32, #tpu.memory_space<vmem_shared>> -> memref<80x64xf32, #tpu.memory_space<vmem_shared>>
      tpu.wait_dma2 semaphore(%run_scoped3A_278 : memref<!tpu.dma_semaphore, #tpu.memory_space<semaphore_mem>>) src(%dma_wait3A_287 : memref<80x64xf32, #tpu.memory_space<vmem_shared>>) dst(%dma_wait3A_285 : memref<80x64xf32, #tpu.memory_space<hbm>>)
      tpu.yield
    }) : () -> ()
    %add3A_249 = arith.constant 160 : i32
    %add3A_250 = arith.addi %multiple_of3A, %add3A_249 : i32
    %add3A_251 = arith.constant 160 : i32
    %add3A_252 = arith.addi %multiple_of3A, %add3A_251 : i32
    "tpu.region"() ({
      %run_scoped3A_278 = tpu.sem_alloc : memref<!tpu.dma_semaphore, #tpu.memory_space<semaphore_mem>>
      %dma_start3A_279 = arith.constant 0 : i32
      %dma_start3A_280 = tpu.memref_slice %arg7[%arg0, %add3A_252, %dma_start3A_279] : memref<2x10000x64xf32, #tpu.memory_space<hbm>> -> memref<1x80x64xf32, #tpu.memory_space<hbm>>
      %dma_start3A_281 = tpu.memref_squeeze %dma_start3A_280 : memref<1x80x64xf32, #tpu.memory_space<hbm>> -> memref<80x64xf32, #tpu.memory_space<hbm>>
      %dma_start3A_282 = arith.constant 0 : i32
      %dma_start3A_283 = tpu.memref_slice %arg14[%add3A_250, %dma_start3A_282] : memref<10000x64xf32, #tpu.memory_space<vmem_shared>> -> memref<80x64xf32, #tpu.memory_space<vmem_shared>>
      tpu.enqueue_dma source(%dma_start3A_283 : memref<80x64xf32, #tpu.memory_space<vmem_shared>>) target(%dma_start3A_281 : memref<80x64xf32, #tpu.memory_space<hbm>>) target_semaphore(%run_scoped3A_278 : memref<!tpu.dma_semaphore, #tpu.memory_space<semaphore_mem>>)
      %dma_wait3A = arith.constant 0 : i32
      %dma_wait3A_284 = tpu.memref_slice %arg7[%arg0, %add3A_252, %dma_wait3A] : memref<2x10000x64xf32, #tpu.memory_space<hbm>> -> memref<1x80x64xf32, #tpu.memory_space<hbm>>
      %dma_wait3A_285 = tpu.memref_squeeze %dma_wait3A_284 : memref<1x80x64xf32, #tpu.memory_space<hbm>> -> memref<80x64xf32, #tpu.memory_space<hbm>>
      %dma_wait3A_286 = arith.constant 0 : i32
      %dma_wait3A_287 = tpu.memref_slice %arg14[%add3A_250, %dma_wait3A_286] : memref<10000x64xf32, #tpu.memory_space<vmem_shared>> -> memref<80x64xf32, #tpu.memory_space<vmem_shared>>
      tpu.wait_dma2 semaphore(%run_scoped3A_278 : memref<!tpu.dma_semaphore, #tpu.memory_space<semaphore_mem>>) src(%dma_wait3A_287 : memref<80x64xf32, #tpu.memory_space<vmem_shared>>) dst(%dma_wait3A_285 : memref<80x64xf32, #tpu.memory_space<hbm>>)
      tpu.yield
    }) : () -> ()
    %add3A_253 = arith.constant 240 : i32
    %add3A_254 = arith.addi %multiple_of3A, %add3A_253 : i32
    %add3A_255 = arith.constant 240 : i32
    %add3A_256 = arith.addi %multiple_of3A, %add3A_255 : i32
    "tpu.region"() ({
      %run_scoped3A_278 = tpu.sem_alloc : memref<!tpu.dma_semaphore, #tpu.memory_space<semaphore_mem>>
      %dma_start3A_279 = arith.constant 0 : i32
      %dma_start3A_280 = tpu.memref_slice %arg7[%arg0, %add3A_256, %dma_start3A_279] : memref<2x10000x64xf32, #tpu.memory_space<hbm>> -> memref<1x80x64xf32, #tpu.memory_space<hbm>>
      %dma_start3A_281 = tpu.memref_squeeze %dma_start3A_280 : memref<1x80x64xf32, #tpu.memory_space<hbm>> -> memref<80x64xf32, #tpu.memory_space<hbm>>
      %dma_start3A_282 = arith.constant 0 : i32
      %dma_start3A_283 = tpu.memref_slice %arg14[%add3A_254, %dma_start3A_282] : memref<10000x64xf32, #tpu.memory_space<vmem_shared>> -> memref<80x64xf32, #tpu.memory_space<vmem_shared>>
      tpu.enqueue_dma source(%dma_start3A_283 : memref<80x64xf32, #tpu.memory_space<vmem_shared>>) target(%dma_start3A_281 : memref<80x64xf32, #tpu.memory_space<hbm>>) target_semaphore(%run_scoped3A_278 : memref<!tpu.dma_semaphore, #tpu.memory_space<semaphore_mem>>)
      %dma_wait3A = arith.constant 0 : i32
      %dma_wait3A_284 = tpu.memref_slice %arg7[%arg0, %add3A_256, %dma_wait3A] : memref<2x10000x64xf32, #tpu.memory_space<hbm>> -> memref<1x80x64xf32, #tpu.memory_space<hbm>>
      %dma_wait3A_285 = tpu.memref_squeeze %dma_wait3A_284 : memref<1x80x64xf32, #tpu.memory_space<hbm>> -> memref<80x64xf32, #tpu.memory_space<hbm>>
      %dma_wait3A_286 = arith.constant 0 : i32
      %dma_wait3A_287 = tpu.memref_slice %arg14[%add3A_254, %dma_wait3A_286] : memref<10000x64xf32, #tpu.memory_space<vmem_shared>> -> memref<80x64xf32, #tpu.memory_space<vmem_shared>>
      tpu.wait_dma2 semaphore(%run_scoped3A_278 : memref<!tpu.dma_semaphore, #tpu.memory_space<semaphore_mem>>) src(%dma_wait3A_287 : memref<80x64xf32, #tpu.memory_space<vmem_shared>>) dst(%dma_wait3A_285 : memref<80x64xf32, #tpu.memory_space<hbm>>)
      tpu.yield
    }) : () -> ()
    %add3A_257 = arith.constant 320 : i32
    %add3A_258 = arith.addi %multiple_of3A, %add3A_257 : i32
    %add3A_259 = arith.constant 320 : i32
    %add3A_260 = arith.addi %multiple_of3A, %add3A_259 : i32
    "tpu.region"() ({
      %run_scoped3A_278 = tpu.sem_alloc : memref<!tpu.dma_semaphore, #tpu.memory_space<semaphore_mem>>
      %dma_start3A_279 = arith.constant 0 : i32
      %dma_start3A_280 = tpu.memref_slice %arg7[%arg0, %add3A_260, %dma_start3A_279] : memref<2x10000x64xf32, #tpu.memory_space<hbm>> -> memref<1x80x64xf32, #tpu.memory_space<hbm>>
      %dma_start3A_281 = tpu.memref_squeeze %dma_start3A_280 : memref<1x80x64xf32, #tpu.memory_space<hbm>> -> memref<80x64xf32, #tpu.memory_space<hbm>>
      %dma_start3A_282 = arith.constant 0 : i32
      %dma_start3A_283 = tpu.memref_slice %arg14[%add3A_258, %dma_start3A_282] : memref<10000x64xf32, #tpu.memory_space<vmem_shared>> -> memref<80x64xf32, #tpu.memory_space<vmem_shared>>
      tpu.enqueue_dma source(%dma_start3A_283 : memref<80x64xf32, #tpu.memory_space<vmem_shared>>) target(%dma_start3A_281 : memref<80x64xf32, #tpu.memory_space<hbm>>) target_semaphore(%run_scoped3A_278 : memref<!tpu.dma_semaphore, #tpu.memory_space<semaphore_mem>>)
      %dma_wait3A = arith.constant 0 : i32
      %dma_wait3A_284 = tpu.memref_slice %arg7[%arg0, %add3A_260, %dma_wait3A] : memref<2x10000x64xf32, #tpu.memory_space<hbm>> -> memref<1x80x64xf32, #tpu.memory_space<hbm>>
      %dma_wait3A_285 = tpu.memref_squeeze %dma_wait3A_284 : memref<1x80x64xf32, #tpu.memory_space<hbm>> -> memref<80x64xf32, #tpu.memory_space<hbm>>
      %dma_wait3A_286 = arith.constant 0 : i32
      %dma_wait3A_287 = tpu.memref_slice %arg14[%add3A_258, %dma_wait3A_286] : memref<10000x64xf32, #tpu.memory_space<vmem_shared>> -> memref<80x64xf32, #tpu.memory_space<vmem_shared>>
      tpu.wait_dma2 semaphore(%run_scoped3A_278 : memref<!tpu.dma_semaphore, #tpu.memory_space<semaphore_mem>>) src(%dma_wait3A_287 : memref<80x64xf32, #tpu.memory_space<vmem_shared>>) dst(%dma_wait3A_285 : memref<80x64xf32, #tpu.memory_space<hbm>>)
      tpu.yield
    }) : () -> ()
    %add3A_261 = arith.constant 400 : i32
    %add3A_262 = arith.addi %multiple_of3A, %add3A_261 : i32
    %add3A_263 = arith.constant 400 : i32
    %add3A_264 = arith.addi %multiple_of3A, %add3A_263 : i32
    "tpu.region"() ({
      %run_scoped3A_278 = tpu.sem_alloc : memref<!tpu.dma_semaphore, #tpu.memory_space<semaphore_mem>>
      %dma_start3A_279 = arith.constant 0 : i32
      %dma_start3A_280 = tpu.memref_slice %arg7[%arg0, %add3A_264, %dma_start3A_279] : memref<2x10000x64xf32, #tpu.memory_space<hbm>> -> memref<1x80x64xf32, #tpu.memory_space<hbm>>
      %dma_start3A_281 = tpu.memref_squeeze %dma_start3A_280 : memref<1x80x64xf32, #tpu.memory_space<hbm>> -> memref<80x64xf32, #tpu.memory_space<hbm>>
      %dma_start3A_282 = arith.constant 0 : i32
      %dma_start3A_283 = tpu.memref_slice %arg14[%add3A_262, %dma_start3A_282] : memref<10000x64xf32, #tpu.memory_space<vmem_shared>> -> memref<80x64xf32, #tpu.memory_space<vmem_shared>>
      tpu.enqueue_dma source(%dma_start3A_283 : memref<80x64xf32, #tpu.memory_space<vmem_shared>>) target(%dma_start3A_281 : memref<80x64xf32, #tpu.memory_space<hbm>>) target_semaphore(%run_scoped3A_278 : memref<!tpu.dma_semaphore, #tpu.memory_space<semaphore_mem>>)
      %dma_wait3A = arith.constant 0 : i32
      %dma_wait3A_284 = tpu.memref_slice %arg7[%arg0, %add3A_264, %dma_wait3A] : memref<2x10000x64xf32, #tpu.memory_space<hbm>> -> memref<1x80x64xf32, #tpu.memory_space<hbm>>
      %dma_wait3A_285 = tpu.memref_squeeze %dma_wait3A_284 : memref<1x80x64xf32, #tpu.memory_space<hbm>> -> memref<80x64xf32, #tpu.memory_space<hbm>>
      %dma_wait3A_286 = arith.constant 0 : i32
      %dma_wait3A_287 = tpu.memref_slice %arg14[%add3A_262, %dma_wait3A_286] : memref<10000x64xf32, #tpu.memory_space<vmem_shared>> -> memref<80x64xf32, #tpu.memory_space<vmem_shared>>
      tpu.wait_dma2 semaphore(%run_scoped3A_278 : memref<!tpu.dma_semaphore, #tpu.memory_space<semaphore_mem>>) src(%dma_wait3A_287 : memref<80x64xf32, #tpu.memory_space<vmem_shared>>) dst(%dma_wait3A_285 : memref<80x64xf32, #tpu.memory_space<hbm>>)
      tpu.yield
    }) : () -> ()
    %add3A_265 = arith.constant 480 : i32
    %add3A_266 = arith.addi %multiple_of3A, %add3A_265 : i32
    %add3A_267 = arith.constant 480 : i32
    %add3A_268 = arith.addi %multiple_of3A, %add3A_267 : i32
    "tpu.region"() ({
      %run_scoped3A_278 = tpu.sem_alloc : memref<!tpu.dma_semaphore, #tpu.memory_space<semaphore_mem>>
      %dma_start3A_279 = arith.constant 0 : i32
      %dma_start3A_280 = tpu.memref_slice %arg7[%arg0, %add3A_268, %dma_start3A_279] : memref<2x10000x64xf32, #tpu.memory_space<hbm>> -> memref<1x80x64xf32, #tpu.memory_space<hbm>>
      %dma_start3A_281 = tpu.memref_squeeze %dma_start3A_280 : memref<1x80x64xf32, #tpu.memory_space<hbm>> -> memref<80x64xf32, #tpu.memory_space<hbm>>
      %dma_start3A_282 = arith.constant 0 : i32
      %dma_start3A_283 = tpu.memref_slice %arg14[%add3A_266, %dma_start3A_282] : memref<10000x64xf32, #tpu.memory_space<vmem_shared>> -> memref<80x64xf32, #tpu.memory_space<vmem_shared>>
      tpu.enqueue_dma source(%dma_start3A_283 : memref<80x64xf32, #tpu.memory_space<vmem_shared>>) target(%dma_start3A_281 : memref<80x64xf32, #tpu.memory_space<hbm>>) target_semaphore(%run_scoped3A_278 : memref<!tpu.dma_semaphore, #tpu.memory_space<semaphore_mem>>)
      %dma_wait3A = arith.constant 0 : i32
      %dma_wait3A_284 = tpu.memref_slice %arg7[%arg0, %add3A_268, %dma_wait3A] : memref<2x10000x64xf32, #tpu.memory_space<hbm>> -> memref<1x80x64xf32, #tpu.memory_space<hbm>>
      %dma_wait3A_285 = tpu.memref_squeeze %dma_wait3A_284 : memref<1x80x64xf32, #tpu.memory_space<hbm>> -> memref<80x64xf32, #tpu.memory_space<hbm>>
      %dma_wait3A_286 = arith.constant 0 : i32
      %dma_wait3A_287 = tpu.memref_slice %arg14[%add3A_266, %dma_wait3A_286] : memref<10000x64xf32, #tpu.memory_space<vmem_shared>> -> memref<80x64xf32, #tpu.memory_space<vmem_shared>>
      tpu.wait_dma2 semaphore(%run_scoped3A_278 : memref<!tpu.dma_semaphore, #tpu.memory_space<semaphore_mem>>) src(%dma_wait3A_287 : memref<80x64xf32, #tpu.memory_space<vmem_shared>>) dst(%dma_wait3A_285 : memref<80x64xf32, #tpu.memory_space<hbm>>)
      tpu.yield
    }) : () -> ()
    %add3A_269 = arith.constant 560 : i32
    %add3A_270 = arith.addi %multiple_of3A, %add3A_269 : i32
    %add3A_271 = arith.constant 560 : i32
    %add3A_272 = arith.addi %multiple_of3A, %add3A_271 : i32
    "tpu.region"() ({
      %run_scoped3A_278 = tpu.sem_alloc : memref<!tpu.dma_semaphore, #tpu.memory_space<semaphore_mem>>
      %dma_start3A_279 = arith.constant 0 : i32
      %dma_start3A_280 = tpu.memref_slice %arg7[%arg0, %add3A_272, %dma_start3A_279] : memref<2x10000x64xf32, #tpu.memory_space<hbm>> -> memref<1x64x64xf32, #tpu.memory_space<hbm>>
      %dma_start3A_281 = tpu.memref_squeeze %dma_start3A_280 : memref<1x64x64xf32, #tpu.memory_space<hbm>> -> memref<64x64xf32, #tpu.memory_space<hbm>>
      %dma_start3A_282 = arith.constant 0 : i32
      %dma_start3A_283 = tpu.memref_slice %arg14[%add3A_270, %dma_start3A_282] : memref<10000x64xf32, #tpu.memory_space<vmem_shared>> -> memref<64x64xf32, #tpu.memory_space<vmem_shared>>
      tpu.enqueue_dma source(%dma_start3A_283 : memref<64x64xf32, #tpu.memory_space<vmem_shared>>) target(%dma_start3A_281 : memref<64x64xf32, #tpu.memory_space<hbm>>) target_semaphore(%run_scoped3A_278 : memref<!tpu.dma_semaphore, #tpu.memory_space<semaphore_mem>>)
      %dma_wait3A = arith.constant 0 : i32
      %dma_wait3A_284 = tpu.memref_slice %arg7[%arg0, %add3A_272, %dma_wait3A] : memref<2x10000x64xf32, #tpu.memory_space<hbm>> -> memref<1x64x64xf32, #tpu.memory_space<hbm>>
      %dma_wait3A_285 = tpu.memref_squeeze %dma_wait3A_284 : memref<1x64x64xf32, #tpu.memory_space<hbm>> -> memref<64x64xf32, #tpu.memory_space<hbm>>
      %dma_wait3A_286 = arith.constant 0 : i32
      %dma_wait3A_287 = tpu.memref_slice %arg14[%add3A_270, %dma_wait3A_286] : memref<10000x64xf32, #tpu.memory_space<vmem_shared>> -> memref<64x64xf32, #tpu.memory_space<vmem_shared>>
      tpu.wait_dma2 semaphore(%run_scoped3A_278 : memref<!tpu.dma_semaphore, #tpu.memory_space<semaphore_mem>>) src(%dma_wait3A_287 : memref<64x64xf32, #tpu.memory_space<vmem_shared>>) dst(%dma_wait3A_285 : memref<64x64xf32, #tpu.memory_space<hbm>>)
      tpu.yield
    }) : () -> ()
    %eq3A_273 = arith.constant 15 : i32
    %eq3A_274 = arith.cmpi eq, %arg1, %eq3A_273 : i32
    %convert_element_type3A_275 = arith.extui %eq3A_274 : i1 to i32
    %cond3A_276 = arith.constant 0 : i32
    %cond3A_277 = arith.cmpi ne, %convert_element_type3A_275, %cond3A_276 : i32
    scf.if %cond3A_277 {
      "tpu.region"() ({
        %run_scoped3A_278 = tpu.sem_alloc : memref<!tpu.dma_semaphore, #tpu.memory_space<semaphore_mem>>
        %dma_start3A_279 = arith.constant 9984 : i32
        %dma_start3A_280 = arith.constant 0 : i32
        %dma_start3A_281 = tpu.memref_slice %arg7[%arg0, %dma_start3A_279, %dma_start3A_280] : memref<2x10000x64xf32, #tpu.memory_space<hbm>> -> memref<1x16x64xf32, #tpu.memory_space<hbm>>
        %dma_start3A_282 = tpu.memref_squeeze %dma_start3A_281 : memref<1x16x64xf32, #tpu.memory_space<hbm>> -> memref<16x64xf32, #tpu.memory_space<hbm>>
        %dma_start3A_283 = arith.constant 9984 : i32
        %dma_start3A_284 = arith.constant 0 : i32
        %dma_start3A_285 = tpu.memref_slice %arg14[%dma_start3A_283, %dma_start3A_284] : memref<10000x64xf32, #tpu.memory_space<vmem_shared>> -> memref<16x64xf32, #tpu.memory_space<vmem_shared>>
        tpu.enqueue_dma source(%dma_start3A_285 : memref<16x64xf32, #tpu.memory_space<vmem_shared>>) target(%dma_start3A_282 : memref<16x64xf32, #tpu.memory_space<hbm>>) target_semaphore(%run_scoped3A_278 : memref<!tpu.dma_semaphore, #tpu.memory_space<semaphore_mem>>)
        %dma_wait3A = arith.constant 9984 : i32
        %dma_wait3A_286 = arith.constant 0 : i32
        %dma_wait3A_287 = tpu.memref_slice %arg7[%arg0, %dma_wait3A, %dma_wait3A_286] : memref<2x10000x64xf32, #tpu.memory_space<hbm>> -> memref<1x16x64xf32, #tpu.memory_space<hbm>>
        %dma_wait3A_288 = tpu.memref_squeeze %dma_wait3A_287 : memref<1x16x64xf32, #tpu.memory_space<hbm>> -> memref<16x64xf32, #tpu.memory_space<hbm>>
        %dma_wait3A_289 = arith.constant 9984 : i32
        %dma_wait3A_290 = arith.constant 0 : i32
        %dma_wait3A_291 = tpu.memref_slice %arg14[%dma_wait3A_289, %dma_wait3A_290] : memref<10000x64xf32, #tpu.memory_space<vmem_shared>> -> memref<16x64xf32, #tpu.memory_space<vmem_shared>>
        tpu.wait_dma2 semaphore(%run_scoped3A_278 : memref<!tpu.dma_semaphore, #tpu.memory_space<semaphore_mem>>) src(%dma_wait3A_291 : memref<16x64xf32, #tpu.memory_space<vmem_shared>>) dst(%dma_wait3A_288 : memref<16x64xf32, #tpu.memory_space<hbm>>)
        tpu.yield
      }) : () -> ()
    } else {
    }
    return
  }
}

</mosaic_0001>

<sc_bundles>
// kernel: _sc_edge.3.cloned.1.call-start
scs
__scs_entry_jumppad:
0x0: {  	(pc) =	sbr.rel $0x88, $3  }
0x1: {  	(tag) =	ssettag $0x0;
	lr =	simm.s32 $0x1  }
0x2: {  	[smem:$0x3F9C] =	sst lr;
	_ =	strace $0xD0000000  }
0x3: {  	_ = 	snop  }
0x4: {  	_ = 	snop  }
0x5: {  	_ = 	snop  }
0x6: {  	_ = 	snop  }
0x7: {  	_ = 	snop  }
__scs_overlays_trampoline_lowered:
0x8: {  	[smem:$0x3FAB] =	sst s0  }
0x9: {  	[smem:$0x3FAC] =	sst s1  }
0xa: {  	[smem:$0x3FAD] =	sst s2  }
0xb: {  	[smem:$0x3FAE] =	sst s3  }
0xc: {  	[smem:$0x3FAF] =	sst s4  }
0xd: {  	[smem:$0x3FB0] =	sst s5  }
0xe: {  	[smem:$0x3FB1] =	sst s6  }
0xf: {  	[smem:$0x3FB2] =	sst s7  }
0x10: {  	[smem:$0x3FB3] =	sst s8  }
0x11: {  	[smem:$0x3FB4] =	sst s9;
	s0 =	simm.s32 @!p0 $0x0  }
0x12: {  	s1 =	sld [smem:$0x3F9A];
	s0 =	simm.s32 @p0 $0x1  }
0x13: {  	[smem:$0x3FB5] =	sst s0;
	s0 =	simm.s32 @!p1 $0x0  }
0x14: {  	s2 =	sld [smem:$0x3F99];
	s0 =	simm.s32 @p1 $0x1  }
0x15: {  	[smem:$0x3FB6] =	sst s0;
	s0 =	simm.s32 @!p2 $0x0  }
0x16: {  	s3 =	sld [smem:$0x3FDB];
	s0 =	simm.s32 @p2 $0x1  }
0x17: {  	s4 =	simm.s32 $0x1BF5;
	[smem:$0x3FB8] =	sst s0  }
0x18: {  	s0 =	sld [smem:$0x3F9B];
	_ =	swait.ge [sflag:s4], $0x0  }
0x19: {  	s7 =	sld [smem:$0x3F9C]  }
0x1a: {  	s8 =	sadd.s32 $0xFFFFE003, lr  }
0x1b: {  	s9 =	sadd.s32 $0xFFFFFEF7, lr;
	s5 =	simm.s32 $0xFFFFFFFF;
	p2 =	slt.u32 s8, $0xFFFFF086  }
0x1c: {  	p1 =	slt.u32 s9, $0xF7A;
	s5 =	simm.s32 @!p2 $0x0  }
0x1d: {  	s5 =	simm.s32 @p1 $0x1;
	p0 =	seq.s32 s7, s2  }
0x1e: {  	s7 =	smul.u32 @!p0 $0xF7A, s2;
	p2 =	seq.s32 @!p0 s5, $0x0  }
0x1f: {  	s9 =	smul.u32 $0xF7A, s1;
	s8 =	simm.s32 @!p0 $0x1BF5;
	p2 =	por !p2, p0  }
0x20: {  	[sflag:s8] =	ssyncset.s32 @!p0 $0xFFFFF086;
	s6 =	sadd.s32 @!p0 s3, s7;
	s7 =	simm.s32 @!p0 $0x108  }
0x21: {  	s3 =	sadd.s32 s3, s9;
	s6 =	sadd.s32 @!p0 $0x88, s6;
	s7 =	simm.s32 @p2 $0x1082  }
0x22: {  	[simem:s7], [sflag:s8] =	dma.local @!p0 [hbm:s6], $0xF7A  }
0x23: {  	s9 =	sor.u32 $0xD0000000, s2;
	s6 =	simm.s32 $0x108;
	_ =	swait.ge @!p0 [sflag:s8], $0x0  }
0x24: {  	s3 =	sadd.s32 $0x88, s3;
	s6 =	simm.s32 @!p1 $0x1082;
	[sflag:s4] =	ssyncset.s32 $0xFFFFF086  }
0x25: {  	[simem:s6], [sflag:s4] =	dma.local [hbm:s3], $0xF7A  }
0x26: {  	[smem:$0x3F9C] =	sst s1;
	(tag) =	ssettag s2;
	_ =	strace s9  }
0x27: {  	s1 =	sld [smem:$0x3FAC]  }
0x28: {  	s2 =	sld [smem:$0x3FAD]  }
0x29: {  	s4 =	sld [smem:$0x3FAF]  }
0x2a: {  	p0 =	seq.s32 s5, $0x0;
	s5 =	sld [smem:$0x3FB0]  }
0x2b: {  	s6 =	sld [smem:$0x3FB1]  }
0x2c: {  	s7 =	sld [smem:$0x3FB2]  }
0x2d: {  	s3 =	simm.s32 $0x108;
	s8 =	sld [smem:$0x3FB3]  }
0x2e: {  	s3 =	simm.s32 @!p0 $0x1082;
	s9 =	sld [smem:$0x3FB4]  }
0x2f: {  	lr =	sadd.s32 s0, s3;
	s0 =	sld [smem:$0x3FAB]  }
0x30: {  	s3 =	sld [smem:$0x3FAE]  }
0x31: {  	[smem:$0x3FB7] =	sst s10  }
0x32: {  	s10 =	sld [smem:$0x3FB5];
	_ =	sdelay $0x3  }
0x33: {  	p0 =	seq.s32 s10, $0x1;
	s10 =	sld [smem:$0x3FB7];
	_ =	sdelay $0x3  }
0x34: {  	[smem:$0x3FB7] =	sst s10  }
0x35: {  	s10 =	sld [smem:$0x3FB6];
	_ =	sdelay $0x3  }
0x36: {  	p1 =	seq.s32 s10, $0x1;
	s10 =	sld [smem:$0x3FB7];
	_ =	sdelay $0x3  }
0x37: {  	[smem:$0x3FB7] =	sst s10  }
0x38: {  	s10 =	sld [smem:$0x3FB8]  }
0x39: {  	_ = 	snop;
	(pc) =	sbr.ind lr, $3  }
0x3a: {  	_ = 	snop  }
0x3b: {  	_ = 	snop  }
0x3c: {  	p2 =	seq.s32 s10, $0x1;
	s10 =	sld [smem:$0x3FB7]  }
0x3d: {  	_ =	shalt  }
0x3e: {  	_ =	shalt  }
0x3f: {  	_ =	shalt  }
0x40: {  	_ =	shalt  }
0x41: {  	_ =	shalt  }
0x42: {  	_ =	shalt  }
0x43: {  	_ =	shalt  }
0x44: {  	_ =	shalt  }
0x45: {  	_ =	shalt  }
0x46: {  	_ =	shalt  }
0x47: {  	_ =	shalt  }
0x48: {  	_ =	shalt  }
0x49: {  	_ =	shalt  }
0x4a: {  	_ =	shalt  }
0x4b: {  	_ =	shalt  }
0x4c: {  	_ =	shalt  }
0x4d: {  	_ =	shalt  }
0x4e: {  	_ =	shalt  }
0x4f: {  	_ =	shalt  }
0x50: {  	_ =	shalt  }
0x51: {  	_ =	shalt  }
0x52: {  	_ =	shalt  }
0x53: {  	_ =	shalt  }
0x54: {  	_ =	shalt  }
0x55: {  	_ =	shalt  }
0x56: {  	_ =	shalt  }
0x57: {  	_ =	shalt  }
0x58: {  	_ =	shalt  }
0x59: {  	_ =	shalt  }
0x5a: {  	_ =	shalt  }
0x5b: {  	_ =	shalt  }
0x5c: {  	_ =	shalt  }
0x5d: {  	_ =	shalt  }
0x5e: {  	_ =	shalt  }
0x5f: {  	_ =	shalt  }
0x60: {  	_ =	shalt  }
0x61: {  	_ =	shalt  }
0x62: {  	_ =	shalt  }
0x63: {  	_ =	shalt  }
0x64: {  	_ =	shalt  }
0x65: {  	_ =	shalt  }
0x66: {  	_ =	shalt  }
0x67: {  	_ =	shalt  }
0x68: {  	_ =	shalt  }
0x69: {  	_ =	shalt  }
0x6a: {  	_ =	shalt  }
0x6b: {  	_ =	shalt  }
0x6c: {  	_ =	shalt  }
0x6d: {  	_ =	shalt  }
0x6e: {  	_ =	shalt  }
0x6f: {  	_ =	shalt  }
0x70: {  	_ =	shalt  }
0x71: {  	_ =	shalt  }
0x72: {  	_ =	shalt  }
0x73: {  	_ =	shalt  }
0x74: {  	_ =	shalt  }
0x75: {  	_ =	shalt  }
0x76: {  	_ =	shalt  }
0x77: {  	_ =	shalt  }
0x78: {  	_ =	shalt  }
0x79: {  	_ =	shalt  }
0x7a: {  	_ =	shalt  }
0x7b: {  	_ =	shalt  }
0x7c: {  	_ =	shalt  }
0x7d: {  	_ =	shalt  }
0x7e: {  	_ =	shalt  }
0x7f: {  	_ =	shalt  }
0x80: {  	_ =	shalt  }
0x81: {  	_ =	shalt  }
0x82: {  	_ =	shalt  }
0x83: {  	_ =	shalt  }
0x84: {  	_ =	shalt  }
0x85: {  	_ =	shalt  }
0x86: {  	_ =	shalt  }
0x87: {  	_ =	shalt  }
.Lfunc_end0:
.L_simem_size_0:
called_computation_lowered:
.L_overlay_start_0:
0x88: {  	s2 =	sld [smem:$0x3FD9]  }
0x89: {  	s3 =	sld [smem:$0x3FFE];
	_ =	sdelay $0x1  }
0x8a: {  	s1 =	srdreg.scid  }
0x8b: {  	s0 =	sand.u32 $0x1, s1  }
0x8c: {  	s17 =	sshll.u32 s0, $0xA;
	s2 =	sadd.s32 s3, s2  }
0x8d: {  	s2 =	sadd.s32 s2, s17  }
0x8e: {  	[smem:$0x3FC3] =	sst s2  }
0x8f: {  	_ = 	snop  }
0x90: {  	s2 =	sld [smem:$0x3FC6]  }
0x91: {  	s18 =	sld [smem:$0x3FD0];
	(tm) =	ssettm $0x1  }
0x92: {  	s4 =	sld [smem:$0x3FFB];
	_ =	sdelay $0x3  }
0x93: {  	_ =	strace s4  }
0x94: {  	s4 =	sld [smem:$0x3FFC];
	_ =	sdelay $0x3  }
0x95: {  	_ =	strace s4  }
0x96: {  	s4 =	sld [smem:$0x3FFD];
	_ =	sdelay $0x3  }
0x97: {  	_ =	strace s4  }
0x98: {  	_ =	strace $0x8FFFFFFF  }
0x99: {  	s19 =	sld [smem:$0x3FDB];
	_ =	sdelay $0x1  }
0x9a: {  	s5 =	simm.s32 $_scs_section_size  }
0x9b: {  	s6 =	simm.s32 $_size__tile_overlayer_lowered;
	s7 =	simm.s32 $_tile_overlayer_lowered  }
0x9c: {  	s22 =	simm.s32 $0x1BFF;
	s21 =	sshll.u32 s7, $0x1;
	s4 =	sadd.s32 s5, s19  }
0x9d: {  	s8 =	simm.s32 $0x0;
	s20 =	sshll.u32 s6, $0x1;
	s6 =	sadd.s32 s21, s4  }
0x9e: {  	[timem:s8], [sflag:s22] =	dma.local [hbm:s6], s20  }
0x9f: {  	_ =	swait.ge [sflag:s22], s20  }
0xa0: {  	s5 =	ssub.s32 $0x0, s20;
	[sflag:s22] =	ssyncset.done $0x0  }
0xa1: {  	[sflag:s22] =	ssyncadd.s32 s5;
	_ =	sdelay $0x1  }
0xa2: {  	s23 =	simm.s32 $0x1B8B  }
0xa3: {  	_ =	swait.ge [sflag:s23], $0x1  }
0xa4: {  	[sflag:s23] =	ssyncset.done $0x0  }
0xa5: {  	s25 =	simm.s32 $0x1B8E;
	s24 =	sld [smem:$0x3FFE];
	[sflag:s23] =	ssyncadd.s32 $0xFFFFFFFF  }
0xa6: {  	s26 =	simm.s32 $execute0_lowered;
	[smem:$0x3FD2] =	sst s25  }
0xa7: {  	s6 =	sshll.u32 s26, $0x1;
	_ =	strace $0x80000046;
	[dreg:$0x1] =	wrdreg $0xFFFFFFFF  }
0xa8: {  	s28 =	simm.s32 $_size_execute0_lowered;
	s4 =	sadd.s32 s4, s6;
	[dreg:$0x0] =	wrdreg $0x0  }
0xa9: {  	s6 =	sshll.u32 s28, $0x1;
	[dreg:$0x2] =	wrdreg s4  }
0xaa: {  	[dreg:$0x3] =	wrdreg s6  }
0xab: {  	[dreg:$0x4] =	wrdreg $0xC0  }
0xac: {  	_ =	task [dreg:s8], $0x5FFFF  }
0xad: {  	[dreg:$0x1] =	wrdreg $0xFFFFFFFF  }
0xae: {  	[dreg:$0x0] =	wrdreg $0x60  }
0xaf: {  	[dreg:$0x2] =	wrdreg s18  }
0xb0: {  	[dreg:$0x3] =	wrdreg s24  }
0xb1: {  	[dreg:$0x4] =	wrdreg s2  }
0xb2: {  	[dreg:$0x5] =	wrdreg $0xF0800  }
0xb3: {  	[dreg:$0x6] =	wrdreg $0x9  }
0xb4: {  	_ =	task.clear_ibuf [dreg:s8], $0x7FFFF;
	_ =	strace $0x90000046  }
0xb5: {  	s29 =	simm.s32 $0x9;
	_ =	strace $0x80000048  }
0xb6: {  	_ =	swait.ge [sflag:s29], $0x1  }
0xb7: {  	[sflag:s29] =	ssyncadd.s32 $0xFFFFFFFF  }
0xb8: {  	_ =	strace $0x90000048  }
0xb9: {  	_ =	sfence  }
0xba: {  	s30 =	sld [smem:$0x0];
	_ =	sdelay $0x2  }
0xbb: {  	s31 =	sshll.u32 s1, $0xD;
	s1 =	sshrl.u32 s1, $0x2  }
0xbc: {  	s3 =	sand.u32 $0x4000, s31;
	s1 =	sadd.s32 s1, s30  }
0xbd: {  	s0 =	sor.u32 s3, s0;
	s1 =	sshll.u32 s1, $0x11  }
0xbe: {  	s0 =	sor.u32 s1, s0  }
0xbf: {  	s0 =	sadd.s32 $0x8F2B, s0  }
0xc0: {  	[sflag:s0] =	ssyncadd.remote.s32 $0x1  }
0xc1: {  	_ =	sfence.sel $0xFFFF  }
0xc2: {  	[dreg:$0x0] =	wrdreg $0xFFFFFFFF;
	(pc) =	sbr.abs _section_cstart, $3  }
0xc3: {  	[dreg:$0x1] =	wrdreg $0xFFFFFFFF  }
0xc4: {  	_ =	task.clear_ibuf [dreg:s8], $0x2FFFF;
	_ =	strace $0x9FFFFFFF  }
0xc5: {  	(tm) =	ssettm $0x7FFFFFFF  }
tec
execute0_lowered:
.L_overlay_start_1:
0x0: {  	(tag) =	ssettag $0x1  }
0x1: {  	s0 =	rddreg [dreg:$0x1]  }
0x2: {  	s1 =	stileid.u32;
	s3 =	srdreg.scid  }
0x3: {  	s2 =	rddreg [dreg:$0x2];
	s4 =	smul.u32 $0x4E20, s1  }
0x4: {  	s23 =	simm.s32 $0x0;
	s14 =	sand.u32 $0x1, s3;
	s7 =	smul.u32 $0x9C00, s1  }
0x5: {  	[smem:$0x7FF] =	sst s23;
	s5 =	smul.u32 $0x28, s14  }
0x6: {  	s6 =	ssub.s32 $0x2, s14;
	s9 =	smul.u32 $0x9C400, s14;
	s30 =	sshrl.u32 s4, $0x3  }
0x7: {  	s8 =	sshrl.u32 s6, $0x1;
	s10 =	sadd.s32 $0x2800, s7;
	s11 =	sadd.s32 $0x3C00, s7  }
0x8: {  	s12 =	sadd.s32 $0x5000, s7;
	s15 =	sadd.s32 $0x6400, s7;
	s16 =	sadd.s32 $0x7800, s7  }
0x9: {  	s17 =	sadd.s32 $0x8C00, s7;
	s3 =	sadd.s32 s30, s0;
	s5 =	sadd.s32 s5, s0  }
0xa: {  	s0 =	sadd.s32 $0x14400, s0;
	s6 =	ssub.s32 s6, s8;
	s8 =	sadd.s32 $0x1400, s7  }
0xb: {  	s13 =	sadd.s32 s7, s9;
	s18 =	sadd.s32 s9, s10;
	s19 =	sadd.s32 s9, s11  }
0xc: {  	s21 =	sadd.s32 s9, s12;
	s22 =	sadd.s32 s9, s15;
	s13 =	sshrl.u32 s13, $0x3  }
0xd: {  	s24 =	sadd.s32 s9, s16;
	s19 =	sshrl.u32 s19, $0x3;
	s13 =	sadd.s32 s0, s13  }
0xe: {  	s26 =	sshrl.u32 s24, $0x3;
	s20 =	sadd.s32 s0, s19;
	[dreg:$0x6] =	wrdreg s13  }
0xf: {  	s31 =	sadd.s32 s9, s8;
	s28 =	sadd.s32 s0, s26;
	[dreg:$0x9] =	wrdreg s20  }
0x10: {  	s29 =	sadd.s32 s9, s17;
	s13 =	sshrl.u32 s31, $0x3;
	[dreg:$0xc] =	wrdreg s28  }
0x11: {  	s18 =	sshrl.u32 s18, $0x3;
	s31 =	rddreg [dreg:$0x3];
	s13 =	sadd.s32 s0, s13  }
0x12: {  	s30 =	sshrl.u32 s29, $0x3;
	[dreg:$0x7] =	wrdreg s13;
	s13 =	sadd.s32 s0, s18  }
0x13: {  	s18 =	sadd.s32 s0, s30;
	[dreg:$0x8] =	wrdreg s13;
	s13 =	sshrl.u32 s21, $0x3  }
0x14: {  	s25 =	sshrl.u32 s22, $0x3;
	[dreg:$0xd] =	wrdreg s18;
	s13 =	sadd.s32 s0, s13  }
0x15: {  	[dreg:$0xa] =	wrdreg s13;
	s13 =	sadd.s32 s0, s25  }
0x16: {  	s24 =	smul.u32 $0x2710, s1;
	s19 =	sadd.s32 $0xA400, s3;
	[dreg:$0xb] =	wrdreg s13  }
0x17: {  	s3 =	sadd.s32 $0x600, s3;
	_ =	strace $0x80000047;
	[dreg:$0xe] =	wrdreg s19  }
0x18: {  	s9 =	sshrl.u32 s9, $0x3;
	s20 =	sadd.s32 $0x14200, s5;
	[dreg:$0xf] =	wrdreg s3  }
0x19: {  	s2 =	sadd.s32 s2, s24;
	s0 =	sadd.s32 s0, s9;
	[dreg:$0x10] =	wrdreg s20  }
0x1a: {  	s0 =	sadd.s32 $0x13800, s0;
	[dreg:$0x19] =	wrdreg s2  }
0x1b: {  	s30 =	smax.u32 s6, $0x1;
	[dreg:$0x1a] =	wrdreg s0  }
0x1c: {  	[dreg:$0x1b] =	wrdreg s30  }
0x1d: {  	s7 =	sadd.s32 s7, s31;
	[dreg:$0x5] =	wrdreg s4  }
0x1e: {  	s8 =	sadd.s32 s8, s31;
	[dreg:$0x11] =	wrdreg s7  }
0x1f: {  	s21 =	sadd.s32 s10, s31;
	[dreg:$0x12] =	wrdreg s8  }
0x20: {  	s22 =	sadd.s32 s11, s31;
	[dreg:$0x13] =	wrdreg s21  }
0x21: {  	s25 =	sadd.s32 s12, s31;
	[dreg:$0x14] =	wrdreg s22  }
.Ltmp0:
0x22: {  	s26 =	sadd.s32 s15, s31;
	[dreg:$0x15] =	wrdreg s25;
	(pc) =	sbr.rel .LBB2_1-.Ltmp0, $4  }
0x23: {  	s28 =	sadd.s32 s16, s31;
	[dreg:$0x16] =	wrdreg s26  }
0x24: {  	s29 =	sadd.s32 s17, s31;
	[dreg:$0x17] =	wrdreg s28  }
0x25: {  	p0 =	sne.s32 s1, $0xF;
	s31 =	sadd.s32 $0x9C000, s31;
	[dreg:$0x18] =	wrdreg s29  }
0x26: {  	v1 =	vimm.f32 $0.0e+00;
	v0 =	vmov s14;
	s13 =	simm.s32 $0x5;
	s2 =	simm.s32 $0x0;
	[dreg:$0x1c] =	wrdreg s31  }
.LBB2_14:
0x27: {  	s0 =	stileid.u32  }
0x28: {  	[bflag:$0x0] =	sbarrier.arrive $0xFFFF;
	s0 =	sshll.u32 s0, $0x6  }
0x29: {  	s1 =	sshrl.u32 s7, $0x3;
	s2 =	rddreg [dreg:$0x6];
	s0 =	sor.u32 $0x1C05, s0  }
0x2a: {  	[hbm:s2], [sflag:s0] =	dma.local [spmem:s1], $0x280  }
0x2b: {  	_ =	swait.ge [sflag:s13], $0x280  }
0x2c: {  	[sflag:s13] =	ssyncset.done $0x0  }
0x2d: {  	s7 =	sshrl.u32 s8, $0x3;
	s8 =	rddreg [dreg:$0x7];
	[sflag:s13] =	ssyncadd.s32 $0xFFFFFD80  }
0x2e: {  	[hbm:s8], [sflag:s0] =	dma.local [spmem:s7], $0x280  }
0x2f: {  	_ =	swait.ge [sflag:s13], $0x280  }
0x30: {  	[sflag:s13] =	ssyncset.done $0x0  }
0x31: {  	s14 =	sshrl.u32 s9, $0x3;
	s17 =	rddreg [dreg:$0x8];
	[sflag:s13] =	ssyncadd.s32 $0xFFFFFD80  }
0x32: {  	[hbm:s17], [sflag:s0] =	dma.local [spmem:s14], $0x280  }
0x33: {  	_ =	swait.ge [sflag:s13], $0x280  }
0x34: {  	[sflag:s13] =	ssyncset.done $0x0  }
0x35: {  	s18 =	sshrl.u32 s10, $0x3;
	s19 =	rddreg [dreg:$0x9];
	[sflag:s13] =	ssyncadd.s32 $0xFFFFFD80  }
0x36: {  	[hbm:s19], [sflag:s0] =	dma.local [spmem:s18], $0x280  }
0x37: {  	_ =	swait.ge [sflag:s13], $0x280  }
0x38: {  	[sflag:s13] =	ssyncset.done $0x0  }
0x39: {  	s20 =	sshrl.u32 s11, $0x3;
	s21 =	rddreg [dreg:$0xa];
	[sflag:s13] =	ssyncadd.s32 $0xFFFFFD80  }
0x3a: {  	[hbm:s21], [sflag:s0] =	dma.local [spmem:s20], $0x280  }
0x3b: {  	_ =	swait.ge [sflag:s13], $0x280  }
0x3c: {  	[sflag:s13] =	ssyncset.done $0x0  }
0x3d: {  	s22 =	sshrl.u32 s12, $0x3;
	s24 =	rddreg [dreg:$0xb];
	[sflag:s13] =	ssyncadd.s32 $0xFFFFFD80  }
0x3e: {  	[hbm:s24], [sflag:s0] =	dma.local [spmem:s22], $0x280  }
0x3f: {  	_ =	swait.ge [sflag:s13], $0x280  }
0x40: {  	[sflag:s13] =	ssyncset.done $0x0  }
0x41: {  	s25 =	sshrl.u32 s15, $0x3;
	s26 =	rddreg [dreg:$0xc];
	[sflag:s13] =	ssyncadd.s32 $0xFFFFFD80  }
0x42: {  	[hbm:s26], [sflag:s0] =	dma.local [spmem:s25], $0x280  }
0x43: {  	_ =	swait.ge [sflag:s13], $0x280  }
0x44: {  	[sflag:s13] =	ssyncset.done $0x0  }
0x45: {  	s28 =	sshrl.u32 s16, $0x3;
	s29 =	rddreg [dreg:$0xd];
	[sflag:s13] =	ssyncadd.s32 $0xFFFFFD80  }
0x46: {  	[hbm:s29], [sflag:s0] =	dma.local [spmem:s28], $0x200  }
0x47: {  	_ =	swait.ge [sflag:s13], $0x200  }
0x48: {  	[sflag:s13] =	ssyncset.done $0x0  }
0x49: {  	s1 =	sshrl.u32 @!p0 s6, $0x3;
	s2 =	rddreg [dreg:$0x1a];
	[sflag:s13] =	ssyncadd.s32 $0xFFFFFE00  }
0x4a: {  	[hbm:s2], [sflag:s0] =	dma.local @!p0 [spmem:s1], $0x80  }
0x4b: {  	s0 =	simm.s32 @!p0 $0x5  }
0x4c: {  	_ =	swait.ge @!p0 [sflag:s0], $0x80  }
0x4d: {  	s30 =	rddreg [dreg:$0x1d]  }
0x4e: {  	s31 =	rddreg [dreg:$0x1b];
	s2 =	sadd.s32 $0x1, s30  }
0x4f: {  	p1 =	sne.s32 s2, s31  }
.Ltmp1:
0x50: {  	_ = 	snop;
	(pc) =	sbr.rel @!p1 .LBB2_15-.Ltmp1, $3  }
0x51: {  	_ =	sdelay $0x1  }
0x52: {  	[sflag:s0] =	ssyncset.done @!p0 $0x0  }
0x53: {  	[sflag:s0] =	ssyncadd.s32 @!p0 $0xFFFFFF80  }
.LBB2_1:
0x54: {  	[dreg:$0x1d] =	wrdreg s2  }
0x55: {  	s0 =	rddreg [dreg:$0xe]  }
0x56: {  	[tilespmem:s23], [sflag:$0x5] =	stream.linear.gather [hbm4b:s0+s23], $0x4E20, $0x38;
	[tilespmem:$0x18CC0] =	vst v63  }
0x57: {  	_ =	swait.ge [sflag:s13], $0x4E20  }
0x58: {  	[sflag:s13] =	ssyncset.done $0x0  }
0x59: {  	s1 =	simm.s32 $0x4E20;
	s29 =	rddreg [dreg:$0xf];
	[sflag:s13] =	ssyncadd.s32 $0xFFFFB1E0  }
0x5a: {  	[tilespmem:s1], [sflag:$0x5] =	stream.linear.gather [hbm4b:s29+s23], $0x4E20, $0x38;
	[tilespmem:$0x18CC0] =	vst v63  }
0x5b: {  	_ =	swait.ge [sflag:s13], $0x4E20  }
0x5c: {  	[sflag:s13] =	ssyncset.done $0x0  }
0x5d: {  	s31 =	simm.s32 $0xEF40;
	s30 =	rddreg [dreg:$0x10];
	[sflag:s13] =	ssyncadd.s32 $0xFFFFB1E0  }
0x5e: {  	[tilespmem:s31], [sflag:$0x5] =	stream.linear.gather [hbm4b:s30+s23], $0x140, $0x38;
	[tilespmem:$0x18CC0] =	vst v63  }
0x5f: {  	_ =	swait.ge [sflag:s13], $0x140  }
0x60: {  	[sflag:s13] =	ssyncset.done $0x0  }
0x61: {  	s19 =	simm.s32 $0xC7C0;
	[sflag:s13] =	ssyncadd.s32 $0xFFFFFEC0  }
0x62: {  	[tilespmem:s19+$0xFFFFFF80] =	vst v1  }
0x63: {  	[tilespmem:s19+$0x70] =	vst v1  }
0x64: {  	[tilespmem:s19+$0x60] =	vst v1  }
0x65: {  	[tilespmem:s19+$0x50] =	vst v1  }
0x66: {  	[tilespmem:s19+$0x40] =	vst v1  }
0x67: {  	[tilespmem:s19+$0x30] =	vst v1  }
0x68: {  	[tilespmem:s19+$0x20] =	vst v1  }
0x69: {  	[tilespmem:s19+$0x10] =	vst v1  }
0x6a: {  	[tilespmem:s19+$0x0] =	vst v1  }
0x6b: {  	[tilespmem:s19+$0xFFFFFFF0] =	vst v1  }
0x6c: {  	[tilespmem:s19+$0xFFFFFFE0] =	vst v1  }
0x6d: {  	[tilespmem:s19+$0xFFFFFFD0] =	vst v1  }
0x6e: {  	[tilespmem:s19+$0xFFFFFFC0] =	vst v1  }
0x6f: {  	[tilespmem:s19+$0xFFFFFFB0] =	vst v1  }
0x70: {  	s0 =	simm.s32 $0x0;
	[tilespmem:s19+$0xFFFFFFA0] =	vst v1  }
.LBB2_2:
0x71: {  	s0 =	sadd.s32 $0x4, s0;
	[tilespmem:s19+$0xFFFFFF90] =	vst v1;
	s19 =	sadd.s32 $0x100, s19  }
0x72: {  	[tilespmem:s19+$0xFFFFFF80] =	vst v1;
	p1 =	slt.u32 s0, $0x4C  }
0x73: {  	[tilespmem:s19+$0x70] =	vst v1  }
0x74: {  	[tilespmem:s19+$0x60] =	vst v1  }
0x75: {  	[tilespmem:s19+$0x50] =	vst v1  }
0x76: {  	[tilespmem:s19+$0x40] =	vst v1  }
0x77: {  	[tilespmem:s19+$0x30] =	vst v1  }
0x78: {  	[tilespmem:s19+$0x20] =	vst v1  }
0x79: {  	[tilespmem:s19+$0x10] =	vst v1  }
0x7a: {  	[tilespmem:s19+$0x0] =	vst v1  }
0x7b: {  	[tilespmem:s19+$0xFFFFFFF0] =	vst v1  }
.Ltmp2:
0x7c: {  	[tilespmem:s19+$0xFFFFFFE0] =	vst v1;
	(pc) =	sbr.rel @p1 .LBB2_2-.Ltmp2, $4  }
0x7d: {  	[tilespmem:s19+$0xFFFFFFD0] =	vst v1  }
0x7e: {  	[tilespmem:s19+$0xFFFFFFC0] =	vst v1  }
0x7f: {  	[tilespmem:s19+$0xFFFFFFB0] =	vst v1  }
0x80: {  	[tilespmem:s19+$0xFFFFFFA0] =	vst v1  }
0x81: {  	s18 =	simm.s32 $0x0  }
0x82: {  	s0 =	sor.u32 $0x7, s18  }
0x83: {  	s6 =	sor.u32 $0x1, s18;
	s4 =	smul.u32 $0xCCCD, s18;
	s3 =	sand.u32 $0xFFFF, s0  }
0x84: {  	s9 =	sor.u32 $0x2, s18;
	s12 =	sand.u32 $0xFFFF, s6;
	s3 =	smul.u32 $0xCCCD, s3  }
0x85: {  	s10 =	sor.u32 $0x3, s18;
	s17 =	sand.u32 $0xFFFF, s9;
	s12 =	smul.u32 $0xCCCD, s12  }
0x86: {  	s16 =	sor.u32 $0x4, s18;
	s22 =	sand.u32 $0xFFFF, s10;
	s17 =	smul.u32 $0xCCCD, s17  }
0x87: {  	s20 =	sor.u32 $0x5, s18;
	s23 =	sand.u32 $0xFFFF, s16;
	s22 =	smul.u32 $0xCCCD, s22  }
0x88: {  	s21 =	sor.u32 $0x6, s18;
	s24 =	sand.u32 $0xFFFF, s20;
	s31 =	smul.u32 $0xCCCD, s23  }
0x89: {  	s25 =	sand.u32 $0xFFFF, s21;
	s1 =	smul.u32 $0xCCCD, s24  }
0x8a: {  	s2 =	smul.u32 $0xCCCD, s25;
	s3 =	sshrl.u32 s3, $0x12  }
0x8b: {  	s15 =	smul.u32 $0x5, s3  }
0x8c: {  	s12 =	sshrl.u32 s12, $0x12;
	s3 =	smul.u32 $0x140, s3  }
0x8d: {  	s24 =	sshrl.u32 s17, $0x12;
	s5 =	smul.u32 $0x5, s12  }
0x8e: {  	s29 =	sshrl.u32 s2, $0x12;
	s7 =	smul.u32 $0x5, s24  }
0x8f: {  	s17 =	simm.s32 $0x4E0;
	s12 =	smul.u32 $0x140, s12;
	s0 =	ssub.s32 s0, s15  }
0x90: {  	s15 =	sshrl.u32 s31, $0x12;
	s6 =	ssub.s32 s6, s5;
	s31 =	smul.u32 $0x5, s29  }
0x91: {  	s3 =	sshrl.u32 s3, $0x2;
	s0 =	sand.u32 $0xFFFF, s0;
	s6 =	sand.u32 $0xFFFF, s6  }
0x92: {  	s11 =	smul.u32 $0x5, s15;
	s0 =	sshll.u32 s0, $0x4;
	s5 =	ssub.s32 s21, s31  }
0x93: {  	s31 =	smul.u32 $0x140, s15;
	s26 =	sadd.s32 s0, s3;
	s3 =	sshrl.u32 s22, $0x12  }
0x94: {  	s22 =	sshrl.u32 s1, $0x12;
	s1 =	sshrl.u32 s4, $0x12;
	s8 =	smul.u32 $0x5, s3  }
0x95: {  	s0 =	ssub.s32 s9, s7;
	s16 =	ssub.s32 s16, s11;
	s14 =	smul.u32 $0x5, s22  }
0x96: {  	[tilespmem:s19+$0xFFFFFF90] =	vst v1;
	s11 =	sand.u32 $0xFFFF, s5;
	s25 =	sand.u32 $0xFFFF, s0;
	s2 =	smul.u32 $0x5, s1  }
0x97: {  	s4 =	sand.u32 $0xFFFF, s16;
	v2 =	vld [tilespmem:s26+$0x0];
	s0 =	sshll.u32 s6, $0x4;
	s16 =	sshll.u32 s25, $0x4  }
0x98: {  	s25 =	sshll.u32 s4, $0x4;
	s13 =	ssub.s32 s10, s8;
	s8 =	smul.u32 $0x140, s24  }
0x99: {  	s10 =	ssub.s32 s20, s14;
	s7 =	ssub.s32 $0x0, s2;
	s14 =	smul.u32 $0x140, s3  }
0x9a: {  	s20 =	smul.u32 $0x140, s29;
	s3 =	sshrl.u32 s12, $0x2;
	s23 =	sand.u32 $0xFFFF, s13  }
0x9b: {  	s10 =	sand.u32 $0xFFFF, s10;
	s9 =	sand.u32 $0xFFFF, s7;
	s13 =	smul.u32 $0x140, s22  }
0x9c: {  	s22 =	sshll.u32 s11, $0x4;
	s30 =	sshll.u32 s23, $0x4;
	s28 =	sshll.u32 s10, $0x4;
	v2 =	vshll.u32 v2, $0x1  }
0x9d: {  	s19 =	sshll.u32 s9, $0x4;
	s9 =	smul.u32 $0x140, s1;
	s15 =	sshrl.u32 s8, $0x2;
	v2 =	vor.u32 v0, v2  }
0x9e: {  	s12 =	sshrl.u32 s14, $0x2;
	s10 =	sshrl.u32 s31, $0x2;
	s6 =	sshrl.u32 s13, $0x2;
	[tilespmem:s26+$0x0] =	vst v2  }
.LBB2_4:
0x9f: {  	s18 =	sadd.s32 $0x8, s18;
	s9 =	sshrl.u32 s9, $0x2;
	s1 =	sshrl.u32 s20, $0x2  }
0xa0: {  	s0 =	sadd.s32 s0, s3;
	s12 =	sadd.s32 s30, s12;
	s24 =	sor.u32 $0x1, s18  }
0xa1: {  	s23 =	sor.u32 $0x2, s18;
	s13 =	sor.u32 $0x7, s18;
	s29 =	sor.u32 $0x3, s18  }
0xa2: {  	s26 =	sor.u32 $0x4, s18;
	s21 =	sor.u32 $0x5, s18;
	s4 =	sand.u32 $0xFFFF, s13  }
0xa3: {  	s20 =	sor.u32 $0x6, s18;
	s7 =	sand.u32 $0xFFFF, s24;
	s4 =	smul.u32 $0xCCCD, s4  }
0xa4: {  	s8 =	sand.u32 $0xFFFF, s23;
	s11 =	sand.u32 $0xFFFF, s29;
	s14 =	sand.u32 $0xFFFF, s26  }
0xa5: {  	s2 =	sand.u32 $0xFFFF, s21;
	s3 =	smul.u32 $0xCCCD, s7;
	s4 =	sshrl.u32 s4, $0x12  }
0xa6: {  	s10 =	sadd.s32 s25, s10;
	s5 =	sand.u32 $0xFFFF, s20;
	s31 =	smul.u32 $0x5, s4  }
0xa7: {  	s7 =	sadd.s32 s16, s15;
	s25 =	sshrl.u32 s3, $0x12;
	s3 =	smul.u32 $0xCCCD, s8;
	v2 =	vld [tilespmem:s0+$0x0]  }
0xa8: {  	s4 =	smul.u32 $0x140, s4;
	s13 =	ssub.s32 s13, s31;
	v3 =	vld [tilespmem:s7+$0x0]  }
0xa9: {  	s11 =	smul.u32 $0xCCCD, s11;
	s16 =	sshrl.u32 s3, $0x12;
	s8 =	sand.u32 $0xFFFF, s13;
	v4 =	vld [tilespmem:s12+$0x0]  }
0xaa: {  	s3 =	smul.u32 $0xCCCD, s14;
	s4 =	sshrl.u32 s4, $0x2;
	s8 =	sshll.u32 s8, $0x4;
	v5 =	vld [tilespmem:s10+$0x0]  }
0xab: {  	s2 =	smul.u32 $0xCCCD, s2;
	s30 =	sshrl.u32 s11, $0x12;
	s4 =	sadd.s32 s8, s4  }
0xac: {  	s8 =	sadd.s32 s28, s6;
	s28 =	sshrl.u32 s3, $0x12;
	s3 =	smul.u32 $0xCCCD, s5;
	v6 =	vld [tilespmem:s4+$0x0];
	v2 =	vshll.u32 v2, $0x1  }
0xad: {  	s1 =	sadd.s32 s22, s1;
	s5 =	smul.u32 $0xCCCD, s18;
	s6 =	sshrl.u32 s2, $0x12;
	v2 =	vor.u32 v0, v2;
	v3 =	vshll.u32 v3, $0x1;
	v7 =	vld [tilespmem:s8+$0x0]  }
0xae: {  	s2 =	sadd.s32 s19, s9;
	s11 =	smul.u32 $0x5, s6;
	[tilespmem:s0+$0x0] =	vst v2;
	v2 =	vor.u32 v0, v3;
	v3 =	vshll.u32 v4, $0x1;
	v4 =	vld [tilespmem:s1+$0x0]  }
0xaf: {  	p1 =	slt.u32 s18, $0x4D8;
	s9 =	sshrl.u32 s3, $0x12;
	s0 =	smul.u32 $0x5, s25;
	v8 =	vld [tilespmem:s2+$0x0];
	[tilespmem:s7+$0x0] =	vst v2;
	v2 =	vor.u32 v0, v3;
	v3 =	vshll.u32 v5, $0x1  }
0xb0: {  	s3 =	sshrl.u32 s5, $0x12;
	s5 =	smul.u32 $0x5, s16;
	[tilespmem:s12+$0x0] =	vst v2;
	v2 =	vor.u32 v0, v3  }
0xb1: {  	s11 =	ssub.s32 s21, s11;
	s7 =	smul.u32 $0x5, s30;
	s0 =	ssub.s32 s24, s0;
	v3 =	vshll.u32 v6, $0x1;
	[tilespmem:s10+$0x0] =	vst v2  }
0xb2: {  	s5 =	ssub.s32 s23, s5;
	s0 =	sand.u32 $0xFFFF, s0;
	s10 =	smul.u32 $0x5, s28;
	v2 =	vor.u32 v0, v3;
	v3 =	vshll.u32 v7, $0x1  }
0xb3: {  	s5 =	sand.u32 $0xFFFF, s5;
	s12 =	smul.u32 $0x140, s30;
	s7 =	ssub.s32 s29, s7;
	[tilespmem:s4+$0x0] =	vst v2;
	v2 =	vor.u32 v0, v3;
	v3 =	vshll.u32 v4, $0x1  }
0xb4: {  	s4 =	sand.u32 $0xFFFF, s7;
	s7 =	ssub.s32 s26, s10;
	s10 =	smul.u32 $0x5, s9;
	v4 =	vshll.u32 v8, $0x1;
	[tilespmem:s8+$0x0] =	vst v2;
	v2 =	vor.u32 v0, v3  }
0xb5: {  	s11 =	sand.u32 $0xFFFF, s11;
	s8 =	smul.u32 $0x5, s3;
	s7 =	sand.u32 $0xFFFF, s7;
	v3 =	vor.u32 v0, v4;
	[tilespmem:s1+$0x0] =	vst v2  }
0xb6: {  	s0 =	sshll.u32 s0, $0x4;
	s1 =	smul.u32 $0x140, s25;
	s10 =	ssub.s32 s20, s10;
	[tilespmem:s2+$0x0] =	vst v3  }
0xb7: {  	s2 =	ssub.s32 s18, s8;
	s8 =	smul.u32 $0x140, s16;
	s10 =	sand.u32 $0xFFFF, s10  }
0xb8: {  	s30 =	sshll.u32 s4, $0x4;
	s4 =	smul.u32 $0x140, s28;
	s2 =	sand.u32 $0xFFFF, s2  }
.Ltmp3:
0xb9: {  	s16 =	sshll.u32 s5, $0x4;
	(pc) =	sbr.rel @p1 .LBB2_4-.Ltmp3, $4  }
0xba: {  	s28 =	sshll.u32 s11, $0x4;
	s25 =	sshll.u32 s7, $0x4;
	s5 =	smul.u32 $0x140, s6  }
0xbb: {  	s20 =	smul.u32 $0x140, s9;
	s22 =	sshll.u32 s10, $0x4;
	s19 =	sshll.u32 s2, $0x4  }
0xbc: {  	s9 =	smul.u32 $0x140, s3;
	s3 =	sshrl.u32 s1, $0x2;
	s15 =	sshrl.u32 s8, $0x2  }
0xbd: {  	s12 =	sshrl.u32 s12, $0x2;
	s10 =	sshrl.u32 s4, $0x2;
	s6 =	sshrl.u32 s5, $0x2  }
0xbe: {  	s0 =	sadd.s32 s0, s3  }
0xbf: {  	s1 =	sadd.s32 s16, s15;
	v2 =	vld [tilespmem:s0+$0x0]  }
0xc0: {  	s2 =	sadd.s32 s30, s12;
	v3 =	vld [tilespmem:s1+$0x0]  }
0xc1: {  	s30 =	sadd.s32 s25, s10;
	v4 =	vld [tilespmem:s2+$0x0]  }
0xc2: {  	s4 =	sshrl.u32 s20, $0x2;
	s5 =	sadd.s32 s28, s6;
	v5 =	vld [tilespmem:s30+$0x0]  }
0xc3: {  	s31 =	sshrl.u32 s9, $0x2;
	v6 =	vld [tilespmem:s5+$0x0];
	s4 =	sadd.s32 s22, s4  }
0xc4: {  	s6 =	sadd.s32 s19, s31;
	v7 =	vld [tilespmem:s4+$0x0];
	v2 =	vshll.u32 v2, $0x1  }
0xc5: {  	v8 =	vld [tilespmem:s6+$0x0];
	v3 =	vshll.u32 v3, $0x1;
	v2 =	vor.u32 v0, v2  }
0xc6: {  	[tilespmem:s0+$0x0] =	vst v2;
	v2 =	vor.u32 v0, v3;
	v3 =	vshll.u32 v4, $0x1  }
0xc7: {  	[tilespmem:s1+$0x0] =	vst v2;
	v2 =	vor.u32 v0, v3;
	v3 =	vshll.u32 v5, $0x1  }
0xc8: {  	[tilespmem:s2+$0x0] =	vst v2;
	v2 =	vor.u32 v0, v3;
	v3 =	vshll.u32 v6, $0x1  }
0xc9: {  	[tilespmem:s30+$0x0] =	vst v2;
	v2 =	vor.u32 v0, v3;
	v3 =	vshll.u32 v7, $0x1  }
0xca: {  	v63 =	vshll.u32 v8, $0x1;
	[tilespmem:s5+$0x0] =	vst v2;
	v2 =	vor.u32 v0, v3  }
0xcb: {  	v3 =	vor.u32 v0, v63;
	[tilespmem:s4+$0x0] =	vst v2  }
0xcc: {  	s3 =	rddreg [dreg:$0x2];
	s13 =	simm.s32 $0x5;
	[tilespmem:s6+$0x0] =	vst v3  }
.LBB2_6:
0xcd: {  	s0 =	smul.u32 $0xCCCD, s17;
	_ =	sdelay $0x1  }
0xce: {  	s0 =	sshrl.u32 s0, $0x12  }
0xcf: {  	s0 =	smul.u32 $0x5, s0;
	_ =	sdelay $0x1  }
0xd0: {  	s0 =	ssub.s32 s17, s0  }
0xd1: {  	s0 =	sand.u32 $0xFFFF, s0  }
0xd2: {  	s0 =	sshll.u32 s0, $0x4  }
0xd3: {  	v2 =	vld [tilespmem:s0+$0x4DD0];
	_ =	sdelay $0x1  }
0xd4: {  	p1 =	sne.s32 s17, $0x4E1  }
.Ltmp4:
0xd5: {  	_ = 	snop;
	(pc) =	sbr.rel @p1 .LBB2_6-.Ltmp4, $4  }
0xd6: {  	_ = 	snop  }
0xd7: {  	v2 =	vshll.u32 v2, $0x1  }
0xd8: {  	v2 =	vor.u32 v0, v2  }
0xd9: {  	s17 =	sadd.s32 $0x1, s17;
	[tilespmem:s0+$0x4DD0] =	vst v2  }
0xda: {  	s7 =	rddreg [dreg:$0x11];
	s14 =	simm.s32 $0xC740  }
0xdb: {  	[spmem:s7] =	stream.linear.scatter [tilespmem:s14], [sflag:$0x5], $0x1400, $0x38;
	[tilespmem:$0x18CC0] =	vst v63  }
0xdc: {  	_ =	swait.ge [sflag:s13], $0x1400  }
0xdd: {  	[sflag:s13] =	ssyncset.done $0x0  }
0xde: {  	s8 =	rddreg [dreg:$0x12];
	[sflag:s13] =	ssyncadd.s32 $0xFFFFEC00  }
0xdf: {  	[spmem:s8] =	stream.linear.scatter [tilespmem:s14], [sflag:$0x5], $0x1400, $0x38;
	[tilespmem:$0x18CC0] =	vst v63  }
0xe0: {  	_ =	swait.ge [sflag:s13], $0x1400  }
0xe1: {  	[sflag:s13] =	ssyncset.done $0x0  }
0xe2: {  	s9 =	rddreg [dreg:$0x13];
	[sflag:s13] =	ssyncadd.s32 $0xFFFFEC00  }
0xe3: {  	[spmem:s9] =	stream.linear.scatter [tilespmem:s14], [sflag:$0x5], $0x1400, $0x38;
	[tilespmem:$0x18CC0] =	vst v63  }
0xe4: {  	_ =	swait.ge [sflag:s13], $0x1400  }
0xe5: {  	[sflag:s13] =	ssyncset.done $0x0  }
0xe6: {  	s10 =	rddreg [dreg:$0x14];
	[sflag:s13] =	ssyncadd.s32 $0xFFFFEC00  }
0xe7: {  	[spmem:s10] =	stream.linear.scatter [tilespmem:s14], [sflag:$0x5], $0x1400, $0x38;
	[tilespmem:$0x18CC0] =	vst v63  }
0xe8: {  	_ =	swait.ge [sflag:s13], $0x1400  }
0xe9: {  	[sflag:s13] =	ssyncset.done $0x0  }
0xea: {  	s11 =	rddreg [dreg:$0x15];
	[sflag:s13] =	ssyncadd.s32 $0xFFFFEC00  }
0xeb: {  	[spmem:s11] =	stream.linear.scatter [tilespmem:s14], [sflag:$0x5], $0x1400, $0x38;
	[tilespmem:$0x18CC0] =	vst v63  }
0xec: {  	_ =	swait.ge [sflag:s13], $0x1400  }
0xed: {  	[sflag:s13] =	ssyncset.done $0x0  }
0xee: {  	s12 =	rddreg [dreg:$0x16];
	[sflag:s13] =	ssyncadd.s32 $0xFFFFEC00  }
0xef: {  	[spmem:s12] =	stream.linear.scatter [tilespmem:s14], [sflag:$0x5], $0x1400, $0x38;
	[tilespmem:$0x18CC0] =	vst v63  }
0xf0: {  	_ =	swait.ge [sflag:s13], $0x1400  }
0xf1: {  	[sflag:s13] =	ssyncset.done $0x0  }
0xf2: {  	s15 =	rddreg [dreg:$0x17];
	[sflag:s13] =	ssyncadd.s32 $0xFFFFEC00  }
0xf3: {  	[spmem:s15] =	stream.linear.scatter [tilespmem:s14], [sflag:$0x5], $0x1400, $0x38;
	[tilespmem:$0x18CC0] =	vst v63  }
0xf4: {  	_ =	swait.ge [sflag:s13], $0x1400  }
0xf5: {  	[sflag:s13] =	ssyncset.done $0x0  }
0xf6: {  	s16 =	rddreg [dreg:$0x18];
	[sflag:s13] =	ssyncadd.s32 $0xFFFFEC00  }
0xf7: {  	[spmem:s16] =	stream.linear.scatter [tilespmem:s14], [sflag:$0x5], $0x1000, $0x38;
	[tilespmem:$0x18CC0] =	vst v63  }
0xf8: {  	_ =	swait.ge [sflag:s13], $0x1000  }
0xf9: {  	[sflag:s13] =	ssyncset.done $0x0  }
0xfa: {  	s0 =	simm.s32 @!p0 $0xC740;
	s6 =	rddreg [dreg:$0x1c];
	[sflag:s13] =	ssyncadd.s32 $0xFFFFF000  }
0xfb: {  	[spmem:s6] =	stream.linear.scatter @!p0 [tilespmem:s0], [sflag:$0x5], $0x400, $0x38;
	[tilespmem:$0x18CC0] =	vst v63  }
0xfc: {  	s0 =	simm.s32 @!p0 $0x5  }
0xfd: {  	_ =	swait.ge @!p0 [sflag:s0], $0x400  }
0xfe: {  	[sflag:s0] =	ssyncset.done @!p0 $0x0  }
0xff: {  	[sflag:s0] =	ssyncadd.s32 @!p0 $0xFFFFFC00  }
0x100: {  	[bflag:$0x0] =	sbarrier.arrive $0xFFFF  }
0x101: {  	v2 =	vld [tilespmem:$0xEF40]  }
0x102: {  	v3 =	vld [tilespmem:$0xEF50]  }
0x103: {  	v4 =	vld [tilespmem:$0xEF60]  }
0x104: {  	v5 =	vld [tilespmem:$0xEF70]  }
0x105: {  	v17 =	vld [tilespmem:$0xEFF0]  }
0x106: {  	v6 =	vld [tilespmem:$0xEF80]  }
0x107: {  	v8 =	vld [tilespmem:$0xEF90];
	v7 =	vmul.f32 $6.553700000e+04, v2  }
0x108: {  	v10 =	vld [tilespmem:$0xEFA0];
	v9 =	vmul.f32 $6.553700000e+04, v3;
	v11 =	vmul.f32 $6.553700000e+04, v4  }
0x109: {  	v12 =	vld [tilespmem:$0xEFB0];
	v13 =	vmul.f32 $6.553700000e+04, v5;
	v2 =	vsub.f32 v7, v2  }
0x10a: {  	v14 =	vld [tilespmem:$0xEFC0];
	v25 =	vmul.f32 $6.553700000e+04, v17;
	v3 =	vsub.f32 v9, v3;
	v4 =	vsub.f32 v11, v4  }
0x10b: {  	v15 =	vld [tilespmem:$0xEFD0];
	v5 =	vsub.f32 v13, v5;
	v2 =	vsub.f32 v7, v2;
	v7 =	vmul.f32 $6.553700000e+04, v6  }
0x10c: {  	v16 =	vld [tilespmem:$0xEFE0];
	v17 =	vsub.f32 v25, v17;
	v3 =	vsub.f32 v9, v3;
	v9 =	vmul.f32 $6.553700000e+04, v8  }
0x10d: {  	v18 =	vld [tilespmem:$0xF000];
	v4 =	vsub.f32 v11, v4;
	v11 =	vmul.f32 $6.553700000e+04, v10;
	v6 =	vsub.f32 v7, v6  }
0x10e: {  	v24 =	vld [tilespmem:$0xF030];
	v5 =	vsub.f32 v13, v5;
	v13 =	vmul.f32 $6.553700000e+04, v12;
	v8 =	vsub.f32 v9, v8  }
0x10f: {  	v20 =	vld [tilespmem:$0xF010];
	v19 =	vmul.f32 $6.553700000e+04, v14;
	v10 =	vsub.f32 v11, v10;
	v6 =	vsub.f32 v7, v6  }
0x110: {  	v22 =	vld [tilespmem:$0xF020];
	v21 =	vmul.f32 $6.553700000e+04, v15;
	v7 =	vsub.f32 v9, v8;
	v9 =	vsub.f32 v13, v12  }
0x111: {  	v23 =	vmul.f32 $6.553700000e+04, v16;
	v8 =	vsub.f32 v11, v10;
	v11 =	vsub.f32 v19, v14  }
0x112: {  	v9 =	vsub.f32 v13, v9;
	v13 =	vsub.f32 v21, v15  }
0x113: {  	v63 =	vmul.f32 $6.553700000e+04, v24;
	v11 =	vsub.f32 v19, v11;
	v15 =	vsub.f32 v23, v16  }
0x114: {  	s29 =	rddreg [dreg:$0x19];
	v10 =	vld [tilespmem:$0xF040];
	v19 =	vmul.f32 $6.553700000e+04, v18;
	v13 =	vsub.f32 v21, v13;
	v21 =	vmul.f32 $6.553700000e+04, v20  }
0x115: {  	s17 =	simm.s32 $0x0;
	s24 =	simm.s32 $0x9C40;
	s2 =	rddreg [dreg:$0x0];
	v24 =	vsub.f32 v63, v24;
	v16 =	vld [tilespmem:$0xF070];
	v15 =	vsub.f32 v23, v15;
	v23 =	vmul.f32 $6.553700000e+04, v22  }
0x116: {  	s25 =	simm.s32 $0x50;
	s30 =	simm.s32 $0x9F40;
	s4 =	rddreg [dreg:$0x5];
	v12 =	vld [tilespmem:$0xF050];
	v18 =	vsub.f32 v19, v18;
	v20 =	vsub.f32 v21, v20  }
0x117: {  	v17 =	vsub.f32 v25, v17;
	v14 =	vld [tilespmem:$0xF060];
	[tilespmem:s24], [sflag:$0x3] =	stream.linear.gather [hbm4b:s29+s17], $0x180, $0x38;
	v22 =	vsub.f32 v23, v22  }
0x118: {  	s23 =	simm.s32 $0x0;
	s31 =	simm.s32 $0x3;
	s5 =	rddreg [dreg:$0x3];
	v18 =	vsub.f32 v19, v18;
	v19 =	vsub.f32 v21, v20  }
0x119: {  	[tilespmem:s30], [sflag:$0x1] =	stream.indirect.gather [hbm4b:s2+s25], $0x40, s17, s25, $0xb8;
	v20 =	vsub.f32 v23, v22;
	v21 =	vsub.f32 v63, v24;
	[tilespmem:$0x18CC0] =	vst v63  }
.LBB2_8:
0x11a: {  	_ =	swait.ge [sflag:s31], $0x180  }
0x11b: {  	[sflag:s31] =	ssyncset.done $0x0  }
0x11c: {  	s0 =	simm.s32 $0x1;
	[sflag:s31] =	ssyncadd.s32 $0xFFFFFE80  }
0x11d: {  	_ =	swait.ge [sflag:s0], $0x1400  }
0x11e: {  	[sflag:s0] =	ssyncset.done $0x0  }
0x11f: {  	s20 =	simm.s32 $0x9C44;
	[sflag:s0] =	ssyncadd.s32 $0xFFFFEC00  }
0x120: {  	v22 =	vld [tilespmem:s20+$0x0];
	_ =	sdelay $0x4  }
0x121: {  	v23 =	vmul.f32 $6.553700000e+04, v22;
	_ =	sdelay $0x1  }
0x122: {  	s19 =	simm.s32 $0x9F80;
	v22 =	vsub.f32 v23, v22  }
0x123: {  	v24 =	vld [tilespmem:s19+$0x0]  }
0x124: {  	v22 =	vsub.f32 v23, v22;
	_ =	sdelay $0x1  }
0x125: {  	v23 =	vld [tilespmem:s20+$0xFFFFFFFC];
	v31 =	vbroadcast v22, $0x0;
	_ =	sdelay $0x1  }
0x126: {  	v24 =	vadd.f32 v24, v10;
	v30 =	vbroadcast v22, $0x1;
	v25 =	vmul.f32 v31, v2;
	_ =	sdelay $0x1  }
0x127: {  	v29 =	vbroadcast v22, $0x2;
	v24 =	vadd.f32 v25, v24;
	v25 =	vmul.f32 v30, v6  }
0x128: {  	v26 =	vmul.f32 $6.553700000e+04, v23  }
0x129: {  	v28 =	vbroadcast v22, $0x3;
	v22 =	vadd.f32 v24, v25;
	v24 =	vmul.f32 v29, v11  }
0x12a: {  	v23 =	vsub.f32 v26, v23  }
0x12b: {  	v25 =	vld [tilespmem:s19+$0xFFFFFFC0];
	v22 =	vadd.f32 v22, v24;
	v24 =	vmul.f32 v28, v18  }
0x12c: {  	v23 =	vsub.f32 v26, v23  }
0x12d: {  	v22 =	vadd.f32 v22, v24  }
0x12e: {  	v24 =	vbroadcast v23, $0x0  }
0x12f: {  	s26 =	simm.s32 $0xC780;
	v22 =	vmax.f32 v22, $0.0e+00  }
0x130: {  	v27 =	vbroadcast v23, $0x1;
	v25 =	vadd.f32 v25, v10;
	v26 =	vmul.f32 v24, v2;
	[tilespmem:s26+$0x0] =	vst v22  }
0x131: {  	v22 =	vld [tilespmem:s19+$0x10]  }
0x132: {  	v32 =	vbroadcast v23, $0x2;
	v25 =	vadd.f32 v26, v25;
	v26 =	vmul.f32 v27, v6  }
0x133: {  	v33 =	vbroadcast v23, $0x3  }
0x134: {  	v23 =	vadd.f32 v25, v26;
	v25 =	vmul.f32 v32, v11  }
0x135: {  	v26 =	vmul.f32 v33, v18  }
0x136: {  	s21 =	simm.s32 $0x9C4C;
	v23 =	vadd.f32 v23, v25;
	v25 =	vmul.f32 v31, v3;
	v22 =	vadd.f32 v22, v12  }
0x137: {  	v34 =	vld [tilespmem:s21+$0x0]  }
0x138: {  	v23 =	vadd.f32 v23, v26;
	v22 =	vadd.f32 v25, v22;
	v25 =	vmul.f32 v30, v7;
	_ =	sdelay $0x1  }
0x139: {  	v23 =	vmax.f32 v23, $0.0e+00;
	v22 =	vadd.f32 v22, v25;
	v25 =	vmul.f32 v29, v13  }
0x13a: {  	[tilespmem:s26+$0xFFFFFFC0] =	vst v23;
	v23 =	vld [tilespmem:s21+$0xFFFFFFFC]  }
0x13b: {  	v35 =	vmul.f32 $6.553700000e+04, v34;
	v26 =	vld [tilespmem:s19+$0xFFFFFFD0];
	v22 =	vadd.f32 v22, v25;
	v25 =	vmul.f32 v28, v19  }
0x13c: {  	v58 =	vmul.f32 v31, v4  }
0x13d: {  	s28 =	simm.s32 $0xA000;
	v59 =	vmul.f32 v30, v8;
	v22 =	vadd.f32 v22, v25;
	v25 =	vsub.f32 v35, v34  }
0x13e: {  	v39 =	vld [tilespmem:s28+$0x0];
	v60 =	vmul.f32 v29, v15;
	v62 =	vmul.f32 v28, v20  }
0x13f: {  	v37 =	vmul.f32 v27, v7;
	v22 =	vmax.f32 v22, $0.0e+00;
	v25 =	vsub.f32 v35, v25  }
0x140: {  	v36 =	vmul.f32 v24, v3;
	v42 =	vmul.f32 $6.553700000e+04, v23;
	v26 =	vadd.f32 v26, v12;
	[tilespmem:s26+$0x10] =	vst v22  }
0x141: {  	v53 =	vmul.f32 v32, v13;
	v45 =	vld [tilespmem:s19+$0x20];
	v40 =	vbroadcast v25, $0x0  }
0x142: {  	v41 =	vmul.f32 v24, v4;
	v22 =	vsub.f32 v42, v23;
	v26 =	vadd.f32 v36, v26  }
0x143: {  	v54 =	vadd.f32 v39, v10;
	v23 =	vbroadcast v25, $0x1;
	v55 =	vmul.f32 v40, v2  }
0x144: {  	v43 =	vmul.f32 v24, v5;
	v42 =	vsub.f32 v42, v22;
	v24 =	vadd.f32 v26, v37  }
0x145: {  	v57 =	vld [tilespmem:s28+$0xFFFFFFC0];
	v22 =	vbroadcast v25, $0x2;
	v56 =	vmul.f32 v23, v6;
	v26 =	vadd.f32 v55, v54  }
0x146: {  	v38 =	vmul.f32 v33, v19;
	v34 =	vadd.f32 v24, v53;
	v45 =	vadd.f32 v45, v14  }
0x147: {  	v24 =	vbroadcast v25, $0x3;
	v25 =	vadd.f32 v26, v56;
	v26 =	vmul.f32 v22, v11  }
0x148: {  	v44 =	vmul.f32 v32, v15;
	v34 =	vadd.f32 v34, v38;
	v39 =	vadd.f32 v45, v58  }
0x149: {  	v38 =	vbroadcast v42, $0x0;
	v25 =	vadd.f32 v25, v26;
	v26 =	vmul.f32 v24, v18  }
0x14a: {  	v37 =	vadd.f32 v57, v10;
	v34 =	vmax.f32 v34, $0.0e+00;
	v36 =	vadd.f32 v39, v59  }
0x14b: {  	v61 =	vmul.f32 v38, v2;
	[tilespmem:s26+$0xFFFFFFD0] =	vst v34;
	v34 =	vbroadcast v42, $0x1;
	v25 =	vadd.f32 v25, v26  }
0x14c: {  	v46 =	vmul.f32 v33, v20;
	v47 =	vbroadcast v42, $0x2;
	v26 =	vadd.f32 v36, v60  }
0x14d: {  	s29 =	simm.s32 $0xC800;
	v63 =	vld [tilespmem:s19+$0xFFFFFFE0];
	v37 =	vadd.f32 v61, v37;
	v52 =	vmul.f32 v34, v6;
	v25 =	vmax.f32 v25, $0.0e+00  }
0x14e: {  	v31 =	vmul.f32 v31, v5;
	v30 =	vmul.f32 v30, v9;
	v36 =	vadd.f32 v26, v62;
	[tilespmem:s29+$0x0] =	vst v25  }
0x14f: {  	v54 =	vmul.f32 v47, v11;
	v42 =	vbroadcast v42, $0x3;
	v37 =	vadd.f32 v37, v52;
	v53 =	vld [tilespmem:s28+$0x10]  }
0x150: {  	v29 =	vmul.f32 v29, v17;
	v28 =	vmul.f32 v28, v21;
	v36 =	vmax.f32 v36, $0.0e+00  }
0x151: {  	v35 =	vmul.f32 v27, v8;
	v56 =	vmul.f32 v42, v18;
	v37 =	vadd.f32 v37, v54;
	[tilespmem:s26+$0x20] =	vst v36  }
0x152: {  	v27 =	vmul.f32 v27, v9;
	v49 =	vmul.f32 v47, v13;
	v55 =	vadd.f32 v63, v14;
	v57 =	vld [tilespmem:s19+$0x30]  }
0x153: {  	s22 =	simm.s32 $0x9C54;
	v58 =	vmul.f32 v40, v3;
	v26 =	vmul.f32 v32, v17;
	v36 =	vadd.f32 v37, v56  }
0x154: {  	v60 =	vld [tilespmem:s22+$0x0];
	v25 =	vmul.f32 v33, v21;
	v33 =	vadd.f32 v55, v41;
	v32 =	vadd.f32 v53, v12  }
0x155: {  	v48 =	vmul.f32 v38, v3;
	v61 =	vmul.f32 v23, v7;
	v59 =	vmax.f32 v36, $0.0e+00  }
0x156: {  	v45 =	vmul.f32 v34, v7;
	v62 =	vld [tilespmem:s22+$0xFFFFFFFC];
	v33 =	vadd.f32 v33, v35;
	[tilespmem:s29+$0xFFFFFFC0] =	vst v59;
	v37 =	vadd.f32 v58, v32  }
0x157: {  	v50 =	vmul.f32 v42, v19;
	v52 =	vmul.f32 v38, v4;
	v51 =	vld [tilespmem:s28+$0xFFFFFFD0];
	v39 =	vadd.f32 v57, v16  }
0x158: {  	v63 =	vmul.f32 v22, v13;
	v33 =	vadd.f32 v33, v44;
	v37 =	vadd.f32 v37, v61  }
0x159: {  	v54 =	vmul.f32 v34, v8;
	v55 =	vmul.f32 $6.553700000e+04, v60;
	v31 =	vadd.f32 v39, v31  }
0x15a: {  	s18 =	simm.s32 $0xA080;
	v53 =	vmul.f32 v24, v19;
	v33 =	vadd.f32 v33, v46;
	v37 =	vadd.f32 v37, v63  }
0x15b: {  	v32 =	vmul.f32 v47, v15;
	v57 =	vmul.f32 $6.553700000e+04, v62;
	v61 =	vld [tilespmem:s18+$0xFFFFFFC0];
	v31 =	vadd.f32 v31, v30  }
0x15c: {  	v46 =	vmax.f32 v33, $0.0e+00;
	v58 =	vadd.f32 v51, v12;
	v37 =	vadd.f32 v37, v53  }
0x15d: {  	v59 =	vld [tilespmem:s18+$0x0];
	v33 =	vmul.f32 v42, v20;
	v56 =	vadd.f32 v31, v29;
	v29 =	vsub.f32 v55, v60  }
0x15e: {  	v30 =	vmul.f32 v38, v5;
	v60 =	vsub.f32 v57, v62;
	v37 =	vmax.f32 v37, $0.0e+00  }
0x15f: {  	v31 =	vmul.f32 v34, v9;
	v63 =	vadd.f32 v48, v58;
	v41 =	vsub.f32 v55, v29;
	[tilespmem:s29+$0x10] =	vst v37  }
0x160: {  	v44 =	vadd.f32 v61, v10;
	v61 =	vmul.f32 v23, v8;
	v29 =	vmul.f32 v47, v17;
	v48 =	vld [tilespmem:s28+$0x20]  }
0x161: {  	v62 =	vadd.f32 v56, v28;
	v28 =	vmul.f32 v42, v21;
	v36 =	vbroadcast v41, $0x0  }
0x162: {  	[tilespmem:s26+$0xFFFFFFE0] =	vst v46;
	v39 =	vsub.f32 v57, v60;
	v57 =	vadd.f32 v59, v10;
	v59 =	vmul.f32 v40, v4  }
0x163: {  	v46 =	vld [tilespmem:s19+$0xFFFFFFF0];
	v37 =	vbroadcast v41, $0x1;
	v58 =	vmul.f32 v36, v2  }
0x164: {  	v38 =	vadd.f32 v63, v45;
	v63 =	vmul.f32 v22, v15;
	v35 =	vbroadcast v41, $0x2  }
0x165: {  	v60 =	vmul.f32 v37, v6;
	v42 =	vadd.f32 v58, v57;
	v47 =	vadd.f32 v48, v14  }
0x166: {  	v53 =	vmax.f32 v62, $0.0e+00;
	v34 =	vbroadcast v41, $0x3;
	v38 =	vadd.f32 v38, v49  }
0x167: {  	v62 =	vmul.f32 v35, v11;
	v42 =	vadd.f32 v42, v60;
	v45 =	vadd.f32 v47, v59  }
0x168: {  	v55 =	vadd.f32 v46, v16;
	v38 =	vadd.f32 v38, v50;
	v47 =	vbroadcast v39, $0x0  }
0x169: {  	v50 =	vmul.f32 v34, v18;
	v42 =	vadd.f32 v42, v62;
	v41 =	vadd.f32 v45, v61  }
0x16a: {  	v57 =	vbroadcast v39, $0x1;
	v38 =	vmax.f32 v38, $0.0e+00;
	v51 =	vmul.f32 v47, v2  }
0x16b: {  	v58 =	vmul.f32 v24, v20;
	[tilespmem:s29+$0xFFFFFFD0] =	vst v38;
	v42 =	vadd.f32 v42, v50;
	v56 =	vadd.f32 v41, v63  }
0x16c: {  	v59 =	vmul.f32 v57, v6;
	v60 =	vld [tilespmem:s28+$0xFFFFFFE0];
	v44 =	vadd.f32 v51, v44;
	v41 =	vbroadcast v39, $0x2  }
0x16d: {  	s19 =	simm.s32 $0xC880;
	v46 =	vmul.f32 v57, v7;
	v42 =	vmax.f32 v42, $0.0e+00;
	v38 =	vadd.f32 v56, v58  }
0x16e: {  	v39 =	vbroadcast v39, $0x3;
	v44 =	vadd.f32 v44, v59;
	v61 =	vmul.f32 v41, v11;
	[tilespmem:s19+$0x0] =	vst v42  }
0x16f: {  	v48 =	vmul.f32 v47, v3;
	v51 =	vmul.f32 v57, v8;
	v56 =	vld [tilespmem:s18+$0x10];
	v58 =	vmax.f32 v38, $0.0e+00  }
0x170: {  	v62 =	vmul.f32 v39, v18;
	v50 =	vmul.f32 v41, v15;
	v45 =	vadd.f32 v44, v61;
	[tilespmem:s29+$0x20] =	vst v58  }
0x171: {  	[tilespmem:s26+$0x30] =	vst v53;
	v59 =	vadd.f32 v60, v14;
	v49 =	vmul.f32 v39, v20;
	v42 =	vmul.f32 v39, v19;
	v53 =	vld [tilespmem:s28+$0x30]  }
0x172: {  	v44 =	vmul.f32 v41, v13;
	v38 =	vmul.f32 v47, v4;
	v60 =	vadd.f32 v45, v62  }
0x173: {  	v59 =	vadd.f32 v59, v52;
	v52 =	vadd.f32 v55, v43;
	v43 =	vmul.f32 v40, v5  }
0x174: {  	v63 =	vmax.f32 v60, $0.0e+00;
	v55 =	vadd.f32 v56, v12;
	v56 =	vmul.f32 v36, v3  }
0x175: {  	s20 =	simm.s32 $0x4;
	s21 =	simm.s32 $0x9C5C;
	v45 =	vmul.f32 v47, v5;
	v47 =	vmul.f32 v57, v9;
	v54 =	vadd.f32 v59, v54;
	[tilespmem:s19+$0xFFFFFFC0] =	vst v63  }
.LBB2_9:
0x176: {  	v57 =	vld [tilespmem:s21+$0x0];
	s20 =	sadd.s32 $0x2, s20;
	v55 =	vadd.f32 v56, v55;
	v56 =	vmul.f32 v37, v7;
	v53 =	vadd.f32 v53, v16;
	v40 =	vmovc v36  }
0x177: {  	v27 =	vadd.f32 v52, v27;
	v36 =	vld [tilespmem:s21+$0xFFFFFFFC];
	p1 =	slt.u32 s20, $0x4E;
	v58 =	vadd.f32 v54, v32;
	v54 =	vmul.f32 v23, v9;
	v23 =	vmovc v37  }
0x178: {  	v37 =	vld [tilespmem:s18+$0xFFFFFFD0];
	v52 =	vadd.f32 v55, v56;
	v55 =	vmul.f32 v35, v13;
	v53 =	vadd.f32 v53, v43;
	v43 =	vmovc v51  }
0x179: {  	v41 =	vmul.f32 v41, v17;
	v51 =	vmul.f32 v22, v17;
	v22 =	vmovc v35;
	v33 =	vadd.f32 v58, v33  }
0x17a: {  	v32 =	vmovc v50;
	v35 =	vadd.f32 v52, v55;
	v52 =	vmul.f32 v34, v19;
	v53 =	vadd.f32 v53, v54  }
0x17b: {  	v54 =	vadd.f32 v27, v26;
	v26 =	vmovc v29;
	v29 =	vmovc v41;
	v50 =	vmul.f32 $6.553700000e+04, v57;
	v55 =	vmax.f32 v33, $0.0e+00  }
0x17c: {  	v41 =	vmul.f32 v24, v21;
	v56 =	vadd.f32 v35, v52;
	[tilespmem:s29+$0xFFFFFFE0] =	vst v55;
	v35 =	vadd.f32 v53, v51  }
0x17d: {  	v24 =	vmovc v34;
	v51 =	vmul.f32 $6.553700000e+04, v36;
	v52 =	vsub.f32 v50, v57;
	v37 =	vadd.f32 v37, v12;
	v53 =	vld [tilespmem:s28+$0xFFFFFFF0];
	v33 =	vmovc v49;
	s28 =	smov.u32 s18;
	s18 =	sadd.s32 $0x80, s18  }
0x17e: {  	v39 =	vmul.f32 v39, v21;
	v27 =	vmovc v31;
	v57 =	vmovc v45;
	v34 =	vld [tilespmem:s18+$0x0];
	v49 =	vmax.f32 v56, $0.0e+00;
	v35 =	vadd.f32 v35, v41  }
0x17f: {  	v31 =	vmov v47;
	v36 =	vsub.f32 v51, v36;
	v41 =	vld [tilespmem:s18+$0xFFFFFFC0];
	v45 =	vsub.f32 v50, v52;
	[tilespmem:s19+$0x10] =	vst v49  }
0x180: {  	v37 =	vadd.f32 v48, v37;
	v48 =	vadd.f32 v54, v25;
	v25 =	vmovc v28;
	v28 =	vmovc v39;
	v47 =	vld [tilespmem:s28+$0x20];
	v35 =	vmax.f32 v35, $0.0e+00  }
0x181: {  	v39 =	vsub.f32 v51, v36;
	v36 =	vbroadcast v45, $0x0;
	[tilespmem:s29+$0x30] =	vst v35  }
0x182: {  	v46 =	vadd.f32 v37, v46;
	v35 =	vmax.f32 v48, $0.0e+00;
	v52 =	vadd.f32 v53, v16  }
0x183: {  	v37 =	vbroadcast v45, $0x1;
	v34 =	vadd.f32 v34, v10;
	v48 =	vmul.f32 v36, v2;
	[tilespmem:s26+$0xFFFFFFF0] =	vst v35;
	s26 =	smov.u32 s29;
	s29 =	smov.u32 s19  }
0x184: {  	v49 =	vmul.f32 v40, v4;
	v35 =	vbroadcast v45, $0x2;
	v41 =	vadd.f32 v41, v10  }
0x185: {  	v50 =	vmul.f32 v37, v6;
	v48 =	vadd.f32 v48, v34;
	v47 =	vadd.f32 v47, v14  }
0x186: {  	v44 =	vadd.f32 v46, v44;
	v34 =	vbroadcast v45, $0x3;
	v45 =	vmul.f32 v23, v8  }
0x187: {  	v46 =	vadd.f32 v48, v50;
	v48 =	vmul.f32 v35, v11;
	v47 =	vadd.f32 v47, v49  }
0x188: {  	v54 =	vbroadcast v39, $0x0;
	v42 =	vadd.f32 v44, v42;
	v44 =	vmul.f32 v22, v15  }
0x189: {  	v46 =	vadd.f32 v46, v48;
	v48 =	vmul.f32 v34, v18;
	v45 =	vadd.f32 v47, v45  }
0x18a: {  	v58 =	vbroadcast v39, $0x1;
	v42 =	vmax.f32 v42, $0.0e+00;
	v47 =	vmul.f32 v54, v2  }
0x18b: {  	v46 =	vadd.f32 v46, v48;
	[tilespmem:s19+$0xFFFFFFD0] =	vst v42;
	v42 =	vadd.f32 v45, v44;
	v44 =	vmul.f32 v24, v20  }
0x18c: {  	v45 =	vadd.f32 v47, v41;
	v47 =	vmul.f32 v58, v6;
	v41 =	vbroadcast v39, $0x2;
	v49 =	vld [tilespmem:s28+$0xFFFFFFE0]  }
0x18d: {  	v39 =	vbroadcast v39, $0x3;
	s19 =	sadd.s32 $0x80, s19;
	v46 =	vmax.f32 v46, $0.0e+00;
	v42 =	vadd.f32 v42, v44  }
0x18e: {  	v48 =	vmul.f32 v54, v3;
	v44 =	vadd.f32 v45, v47;
	v45 =	vmul.f32 v41, v11;
	[tilespmem:s19+$0x0] =	vst v46  }
0x18f: {  	v47 =	vmul.f32 v39, v18;
	v46 =	vmul.f32 v58, v7;
	v55 =	vld [tilespmem:s18+$0x10];
	v50 =	vmax.f32 v42, $0.0e+00  }
0x190: {  	v45 =	vadd.f32 v44, v45;
	v44 =	vmul.f32 v41, v13;
	v42 =	vmul.f32 v39, v19;
	[tilespmem:s29+$0x20] =	vst v50  }
.Ltmp5:
0x191: {  	v56 =	vmul.f32 v54, v4;
	v51 =	vmul.f32 v58, v8;
	v59 =	vadd.f32 v49, v14;
	v53 =	vld [tilespmem:s28+$0x30];
	(pc) =	sbr.rel @p1 .LBB2_9-.Ltmp5, $4  }
0x192: {  	v50 =	vmul.f32 v41, v15;
	v47 =	vadd.f32 v45, v47;
	v49 =	vmul.f32 v39, v20  }
0x193: {  	v52 =	vadd.f32 v52, v30;
	v45 =	vmul.f32 v54, v5;
	v54 =	vadd.f32 v59, v38;
	v38 =	vmovc v56  }
0x194: {  	v30 =	vmovc v57;
	v47 =	vmax.f32 v47, $0.0e+00;
	v56 =	vmul.f32 v36, v3;
	v55 =	vadd.f32 v55, v12  }
0x195: {  	s21 =	sadd.s32 $0x8, s21;
	[tilespmem:s19+$0xFFFFFFC0] =	vst v47;
	v47 =	vmul.f32 v58, v9;
	v54 =	vadd.f32 v54, v43;
	v43 =	vmul.f32 v40, v5  }
0x196: {  	v40 =	vld [tilespmem:s18+$0xFFFFFFD0];
	_ =	sdelay $0x4  }
0x197: {  	v55 =	vadd.f32 v56, v55;
	v61 =	vmul.f32 v37, v7;
	v40 =	vadd.f32 v40, v12;
	_ =	sdelay $0x1  }
0x198: {  	v62 =	vmul.f32 v35, v13;
	v55 =	vadd.f32 v55, v61;
	v40 =	vadd.f32 v48, v40;
	_ =	sdelay $0x1  }
0x199: {  	v57 =	vmul.f32 v34, v19;
	v63 =	vadd.f32 v55, v62;
	v40 =	vadd.f32 v40, v46;
	_ =	sdelay $0x1  }
0x19a: {  	v58 =	vadd.f32 v63, v57;
	v40 =	vadd.f32 v40, v44;
	_ =	sdelay $0x1  }
0x19b: {  	v59 =	vmax.f32 v58, $0.0e+00;
	v40 =	vadd.f32 v40, v42  }
0x19c: {  	[tilespmem:s19+$0x10] =	vst v59  }
0x19d: {  	v60 =	vld [tilespmem:s18+$0x20];
	v40 =	vmax.f32 v40, $0.0e+00  }
0x19e: {  	[tilespmem:s19+$0xFFFFFFD0] =	vst v40  }
0x19f: {  	v40 =	vld [tilespmem:s18+$0xFFFFFFE0];
	_ =	sdelay $0x2  }
0x1a0: {  	v61 =	vmul.f32 v36, v4;
	v42 =	vadd.f32 v60, v14;
	_ =	sdelay $0x1  }
0x1a1: {  	v62 =	vmul.f32 v37, v8;
	v42 =	vadd.f32 v42, v61;
	v40 =	vadd.f32 v40, v14;
	_ =	sdelay $0x1  }
0x1a2: {  	v63 =	vmul.f32 v35, v15;
	v42 =	vadd.f32 v42, v62;
	v38 =	vadd.f32 v40, v38;
	_ =	sdelay $0x1  }
0x1a3: {  	v48 =	vmul.f32 v34, v20;
	v46 =	vadd.f32 v42, v63;
	v38 =	vadd.f32 v38, v51  }
0x1a4: {  	v32 =	vadd.f32 v54, v32  }
0x1a5: {  	v40 =	vadd.f32 v46, v48;
	v38 =	vadd.f32 v38, v50  }
0x1a6: {  	v32 =	vadd.f32 v32, v33  }
0x1a7: {  	v50 =	vmax.f32 v40, $0.0e+00;
	v38 =	vadd.f32 v38, v49  }
0x1a8: {  	v32 =	vmax.f32 v32, $0.0e+00;
	[tilespmem:s19+$0x20] =	vst v50  }
0x1a9: {  	[tilespmem:s29+$0xFFFFFFE0] =	vst v32;
	v51 =	vld [tilespmem:s18+$0x30];
	v54 =	vmax.f32 v38, $0.0e+00  }
0x1aa: {  	v56 =	vld [tilespmem:s28+$0xFFFFFFF0];
	[tilespmem:s19+$0xFFFFFFE0] =	vst v54  }
0x1ab: {  	v55 =	vadd.f32 v53, v16;
	v33 =	vld [tilespmem:s18+$0xFFFFFFF0]  }
0x1ac: {  	v27 =	vadd.f32 v52, v27  }
0x1ad: {  	v23 =	vmul.f32 v23, v9;
	v38 =	vadd.f32 v55, v43  }
0x1ae: {  	v26 =	vadd.f32 v27, v26;
	v57 =	vmul.f32 v36, v5;
	v32 =	vadd.f32 v51, v16  }
0x1af: {  	v22 =	vmul.f32 v22, v17;
	v27 =	vadd.f32 v56, v16;
	v23 =	vadd.f32 v38, v23  }
0x1b0: {  	v58 =	vmul.f32 v37, v9;
	v32 =	vadd.f32 v32, v57;
	v33 =	vadd.f32 v33, v16  }
0x1b1: {  	v22 =	vadd.f32 v23, v22;
	v23 =	vmul.f32 v24, v21;
	v24 =	vadd.f32 v27, v30  }
0x1b2: {  	v27 =	vmul.f32 v35, v17;
	v30 =	vadd.f32 v32, v58;
	v59 =	vadd.f32 v33, v45  }
0x1b3: {  	v60 =	vmul.f32 v41, v17;
	v22 =	vadd.f32 v22, v23;
	v23 =	vadd.f32 v24, v31  }
0x1b4: {  	v24 =	vadd.f32 v30, v27;
	v27 =	vmul.f32 v34, v21;
	v30 =	vadd.f32 v59, v47  }
0x1b5: {  	v25 =	vadd.f32 v26, v25;
	v31 =	vmul.f32 v39, v21;
	v23 =	vadd.f32 v23, v29  }
0x1b6: {  	v22 =	vmax.f32 v22, $0.0e+00;
	v24 =	vadd.f32 v24, v27;
	v26 =	vadd.f32 v30, v60  }
0x1b7: {  	[tilespmem:s29+$0x30] =	vst v22;
	v22 =	vmax.f32 v25, $0.0e+00;
	v23 =	vadd.f32 v23, v28  }
0x1b8: {  	s0 =	smul.u32 $0x280, s17;
	[tilespmem:s26+$0xFFFFFFF0] =	vst v22;
	v22 =	vmax.f32 v24, $0.0e+00;
	v24 =	vadd.f32 v26, v31  }
0x1b9: {  	[tilespmem:s19+$0x30] =	vst v22;
	v22 =	vmax.f32 v23, $0.0e+00  }
0x1ba: {  	s0 =	sshra.s32 s0, $0x2;
	s26 =	sshllo.u32 s17, $0x1;
	[tilespmem:s29+$0xFFFFFFF0] =	vst v22;
	v22 =	vmax.f32 v24, $0.0e+00  }
0x1bb: {  	s0 =	sadd.s32 $0x4E20, s0;
	s1 =	smul.u32 $0x50, s26;
	[tilespmem:s19+$0xFFFFFFF0] =	vst v22  }
0x1bc: {  	[spmem:s5] =	stream.indirect.scatter.add.f32 [tilespmem:s14], [sflag:$0x5], $0x40, s0, s25, $0xb8;
	[tilespmem:$0x18CC0] =	vst v63  }
0x1bd: {  	s20 =	sadd.s32 s4, s1;
	_ =	swait.ge [sflag:s13], $0x1400  }
0x1be: {  	s0 =	sshrl.u32 s20, $0x1;
	[sflag:s13] =	ssyncset.done $0x0  }
0x1bf: {  	s21 =	simm.s32 $0x9DC0;
	s0 =	sadd.s32 s3, s0;
	[sflag:s13] =	ssyncadd.s32 $0xFFFFEC00  }
0x1c0: {  	[tilespmem:s21], [sflag:$0x4] =	stream.linear.gather [hbm4b:s0+s23], $0x180, $0x38;
	[tilespmem:$0x18CC0] =	vst v63  }
0x1c1: {  	s22 =	simm.s32 $0xB340  }
0x1c2: {  	[tilespmem:s22], [sflag:$0x2] =	stream.indirect.gather [hbm4b:s2+s25], $0x40, s1, s25, $0xb8;
	[tilespmem:$0x18CC0] =	vst v63  }
0x1c3: {  	s1 =	simm.s32 $0x4  }
0x1c4: {  	_ =	swait.ge [sflag:s1], $0x180  }
0x1c5: {  	[sflag:s1] =	ssyncset.done $0x0  }
0x1c6: {  	s18 =	simm.s32 $0x2;
	[sflag:s1] =	ssyncadd.s32 $0xFFFFFE80  }
0x1c7: {  	_ =	swait.ge [sflag:s18], $0x1400  }
0x1c8: {  	[sflag:s18] =	ssyncset.done $0x0  }
0x1c9: {  	s19 =	simm.s32 $0x9DC4;
	[sflag:s18] =	ssyncadd.s32 $0xFFFFEC00  }
0x1ca: {  	v22 =	vld [tilespmem:s19+$0x0];
	_ =	sdelay $0x4  }
0x1cb: {  	v23 =	vmul.f32 $6.553700000e+04, v22;
	_ =	sdelay $0x1  }
0x1cc: {  	s20 =	simm.s32 $0xB3B0;
	v22 =	vsub.f32 v23, v22  }
0x1cd: {  	v24 =	vld [tilespmem:s20+$0xFFFFFFD0]  }
0x1ce: {  	v22 =	vsub.f32 v23, v22;
	_ =	sdelay $0x1  }
0x1cf: {  	v23 =	vld [tilespmem:s19+$0xFFFFFFFC];
	v31 =	vbroadcast v22, $0x0;
	_ =	sdelay $0x1  }
0x1d0: {  	v24 =	vadd.f32 v24, v10;
	v30 =	vbroadcast v22, $0x1;
	v25 =	vmul.f32 v31, v2;
	_ =	sdelay $0x1  }
0x1d1: {  	v29 =	vbroadcast v22, $0x2;
	v24 =	vadd.f32 v25, v24;
	v25 =	vmul.f32 v30, v6  }
0x1d2: {  	v26 =	vmul.f32 $6.553700000e+04, v23  }
0x1d3: {  	v28 =	vbroadcast v22, $0x3;
	v22 =	vadd.f32 v24, v25;
	v24 =	vmul.f32 v29, v11  }
0x1d4: {  	v23 =	vsub.f32 v26, v23  }
0x1d5: {  	v25 =	vld [tilespmem:s20+$0xFFFFFF90];
	v22 =	vadd.f32 v22, v24;
	v24 =	vmul.f32 v28, v18  }
0x1d6: {  	v23 =	vsub.f32 v26, v23  }
0x1d7: {  	v22 =	vadd.f32 v22, v24  }
0x1d8: {  	v24 =	vbroadcast v23, $0x0  }
0x1d9: {  	s28 =	simm.s32 $0xDBB0;
	v22 =	vmax.f32 v22, $0.0e+00  }
0x1da: {  	v27 =	vbroadcast v23, $0x1;
	v25 =	vadd.f32 v25, v10;
	v26 =	vmul.f32 v24, v2;
	[tilespmem:s28+$0xFFFFFFD0] =	vst v22  }
0x1db: {  	v22 =	vld [tilespmem:s20+$0xFFFFFFE0]  }
0x1dc: {  	v32 =	vbroadcast v23, $0x2;
	v25 =	vadd.f32 v26, v25;
	v26 =	vmul.f32 v27, v6  }
0x1dd: {  	v33 =	vbroadcast v23, $0x3  }
0x1de: {  	v23 =	vadd.f32 v25, v26;
	v25 =	vmul.f32 v32, v11  }
0x1df: {  	v26 =	vmul.f32 v33, v18  }
0x1e0: {  	s21 =	simm.s32 $0x9DCC;
	v23 =	vadd.f32 v23, v25;
	v25 =	vmul.f32 v31, v3;
	v22 =	vadd.f32 v22, v12  }
0x1e1: {  	v61 =	vld [tilespmem:s21+$0x0]  }
0x1e2: {  	v23 =	vadd.f32 v23, v26;
	v22 =	vadd.f32 v25, v22;
	v25 =	vmul.f32 v30, v7;
	_ =	sdelay $0x1  }
0x1e3: {  	v23 =	vmax.f32 v23, $0.0e+00;
	v22 =	vadd.f32 v22, v25;
	v25 =	vmul.f32 v29, v13  }
0x1e4: {  	[tilespmem:s28+$0xFFFFFF90] =	vst v23;
	v23 =	vld [tilespmem:s21+$0xFFFFFFFC]  }
0x1e5: {  	s29 =	simm.s32 $0xB430;
	v62 =	vmul.f32 $6.553700000e+04, v61;
	v26 =	vld [tilespmem:s20+$0xFFFFFFA0];
	v22 =	vadd.f32 v22, v25;
	v25 =	vmul.f32 v28, v19  }
0x1e6: {  	v51 =	vld [tilespmem:s29+$0xFFFFFFD0]  }
0x1e7: {  	v58 =	vmul.f32 v31, v4;
	v22 =	vadd.f32 v22, v25;
	v25 =	vsub.f32 v62, v61  }
0x1e8: {  	v57 =	vld [tilespmem:s29+$0xFFFFFF90];
	v59 =	vmul.f32 v30, v8;
	v60 =	vmul.f32 v29, v15  }
0x1e9: {  	v48 =	vmul.f32 v27, v7;
	v22 =	vmax.f32 v22, $0.0e+00;
	v25 =	vsub.f32 v62, v25  }
0x1ea: {  	v63 =	vmul.f32 v24, v3;
	v52 =	vmul.f32 $6.553700000e+04, v23;
	v26 =	vadd.f32 v26, v12;
	[tilespmem:s28+$0xFFFFFFE0] =	vst v22  }
0x1eb: {  	v54 =	vadd.f32 v51, v10;
	v49 =	vmul.f32 v32, v13;
	v53 =	vld [tilespmem:s20+$0xFFFFFFF0];
	v40 =	vbroadcast v25, $0x0  }
0x1ec: {  	v41 =	vmul.f32 v24, v4;
	v22 =	vsub.f32 v52, v23;
	v26 =	vadd.f32 v63, v26  }
0x1ed: {  	v37 =	vadd.f32 v57, v10;
	v23 =	vbroadcast v25, $0x1;
	v55 =	vmul.f32 v40, v2  }
0x1ee: {  	v43 =	vmul.f32 v24, v5;
	v42 =	vsub.f32 v52, v22;
	v24 =	vadd.f32 v26, v48  }
0x1ef: {  	v22 =	vbroadcast v25, $0x2;
	v56 =	vmul.f32 v23, v6;
	v26 =	vadd.f32 v55, v54  }
0x1f0: {  	v50 =	vmul.f32 v33, v19;
	v34 =	vadd.f32 v24, v49;
	v45 =	vadd.f32 v53, v14  }
0x1f1: {  	v24 =	vbroadcast v25, $0x3;
	v25 =	vadd.f32 v26, v56;
	v26 =	vmul.f32 v22, v11  }
0x1f2: {  	v35 =	vmul.f32 v27, v8;
	v34 =	vadd.f32 v34, v50;
	v39 =	vadd.f32 v45, v58  }
0x1f3: {  	v38 =	vbroadcast v42, $0x0;
	v25 =	vadd.f32 v25, v26;
	v26 =	vmul.f32 v24, v18  }
0x1f4: {  	v44 =	vmul.f32 v32, v15;
	v34 =	vmax.f32 v34, $0.0e+00;
	v36 =	vadd.f32 v39, v59  }
0x1f5: {  	v61 =	vmul.f32 v38, v2;
	[tilespmem:s28+$0xFFFFFFA0] =	vst v34;
	v34 =	vbroadcast v42, $0x1;
	v25 =	vadd.f32 v25, v26  }
0x1f6: {  	v62 =	vmul.f32 v28, v20;
	v47 =	vbroadcast v42, $0x2;
	v26 =	vadd.f32 v36, v60  }
0x1f7: {  	s18 =	simm.s32 $0xDC30;
	v37 =	vadd.f32 v61, v37;
	v63 =	vld [tilespmem:s20+$0xFFFFFFB0];
	v52 =	vmul.f32 v34, v6;
	v25 =	vmax.f32 v25, $0.0e+00  }
0x1f8: {  	v46 =	vmul.f32 v33, v20;
	v27 =	vmul.f32 v27, v9;
	v36 =	vadd.f32 v26, v62;
	[tilespmem:s18+$0xFFFFFFD0] =	vst v25  }
0x1f9: {  	v54 =	vmul.f32 v47, v11;
	v42 =	vbroadcast v42, $0x3;
	v37 =	vadd.f32 v37, v52;
	v53 =	vld [tilespmem:s29+$0xFFFFFFE0]  }
0x1fa: {  	v31 =	vmul.f32 v31, v5;
	v30 =	vmul.f32 v30, v9;
	v36 =	vmax.f32 v36, $0.0e+00  }
0x1fb: {  	v29 =	vmul.f32 v29, v17;
	v56 =	vmul.f32 v42, v18;
	v37 =	vadd.f32 v37, v54;
	[tilespmem:s28+$0xFFFFFFF0] =	vst v36  }
0x1fc: {  	v28 =	vmul.f32 v28, v21;
	v48 =	vmul.f32 v38, v3;
	v55 =	vadd.f32 v63, v14;
	v57 =	vld [tilespmem:s20+$0x0]  }
0x1fd: {  	s22 =	simm.s32 $0x9DD4;
	v58 =	vmul.f32 v40, v3;
	v26 =	vmul.f32 v32, v17;
	v36 =	vadd.f32 v37, v56  }
0x1fe: {  	v60 =	vld [tilespmem:s22+$0x0];
	v25 =	vmul.f32 v33, v21;
	v33 =	vadd.f32 v55, v41;
	v32 =	vadd.f32 v53, v12  }
0x1ff: {  	v49 =	vmul.f32 v47, v13;
	v61 =	vmul.f32 v23, v7;
	v59 =	vmax.f32 v36, $0.0e+00  }
0x200: {  	v45 =	vmul.f32 v34, v7;
	v62 =	vld [tilespmem:s22+$0xFFFFFFFC];
	v33 =	vadd.f32 v33, v35;
	[tilespmem:s18+$0xFFFFFF90] =	vst v59;
	v37 =	vadd.f32 v58, v32  }
0x201: {  	v50 =	vmul.f32 v42, v19;
	v52 =	vmul.f32 v38, v4;
	v51 =	vld [tilespmem:s29+$0xFFFFFFA0];
	v39 =	vadd.f32 v57, v16  }
0x202: {  	v63 =	vmul.f32 v22, v13;
	v33 =	vadd.f32 v33, v44;
	v37 =	vadd.f32 v37, v61  }
0x203: {  	v54 =	vmul.f32 v34, v8;
	v55 =	vmul.f32 $6.553700000e+04, v60;
	v31 =	vadd.f32 v39, v31  }
0x204: {  	s19 =	simm.s32 $0xB4B0;
	v53 =	vmul.f32 v24, v19;
	v33 =	vadd.f32 v33, v46;
	v37 =	vadd.f32 v37, v63  }
0x205: {  	v32 =	vmul.f32 v47, v15;
	v57 =	vmul.f32 $6.553700000e+04, v62;
	v61 =	vld [tilespmem:s19+$0xFFFFFF90];
	v31 =	vadd.f32 v31, v30  }
0x206: {  	v46 =	vmax.f32 v33, $0.0e+00;
	v58 =	vadd.f32 v51, v12;
	v37 =	vadd.f32 v37, v53  }
0x207: {  	v59 =	vld [tilespmem:s19+$0xFFFFFFD0];
	v33 =	vmul.f32 v42, v20;
	v56 =	vadd.f32 v31, v29;
	v29 =	vsub.f32 v55, v60  }
0x208: {  	v30 =	vmul.f32 v38, v5;
	v60 =	vsub.f32 v57, v62;
	v37 =	vmax.f32 v37, $0.0e+00  }
0x209: {  	v31 =	vmul.f32 v34, v9;
	v63 =	vadd.f32 v48, v58;
	v41 =	vsub.f32 v55, v29;
	[tilespmem:s18+$0xFFFFFFE0] =	vst v37  }
0x20a: {  	v44 =	vadd.f32 v61, v10;
	v61 =	vmul.f32 v23, v8;
	v29 =	vmul.f32 v47, v17;
	v48 =	vld [tilespmem:s29+$0xFFFFFFF0]  }
0x20b: {  	v62 =	vadd.f32 v56, v28;
	v28 =	vmul.f32 v42, v21;
	v36 =	vbroadcast v41, $0x0  }
0x20c: {  	[tilespmem:s28+$0xFFFFFFB0] =	vst v46;
	v39 =	vsub.f32 v57, v60;
	v57 =	vadd.f32 v59, v10;
	v59 =	vmul.f32 v40, v4  }
0x20d: {  	v46 =	vld [tilespmem:s20+$0xFFFFFFC0];
	v37 =	vbroadcast v41, $0x1;
	v58 =	vmul.f32 v36, v2  }
0x20e: {  	v38 =	vadd.f32 v63, v45;
	v63 =	vmul.f32 v22, v15;
	v35 =	vbroadcast v41, $0x2  }
0x20f: {  	v60 =	vmul.f32 v37, v6;
	v42 =	vadd.f32 v58, v57;
	v47 =	vadd.f32 v48, v14  }
0x210: {  	v53 =	vmax.f32 v62, $0.0e+00;
	v34 =	vbroadcast v41, $0x3;
	v38 =	vadd.f32 v38, v49  }
0x211: {  	v62 =	vmul.f32 v35, v11;
	v42 =	vadd.f32 v42, v60;
	v45 =	vadd.f32 v47, v59  }
0x212: {  	v55 =	vadd.f32 v46, v16;
	v38 =	vadd.f32 v38, v50;
	v47 =	vbroadcast v39, $0x0  }
0x213: {  	v50 =	vmul.f32 v34, v18;
	v42 =	vadd.f32 v42, v62;
	v41 =	vadd.f32 v45, v61  }
0x214: {  	v57 =	vbroadcast v39, $0x1;
	v38 =	vmax.f32 v38, $0.0e+00;
	v51 =	vmul.f32 v47, v2  }
0x215: {  	v58 =	vmul.f32 v24, v20;
	[tilespmem:s18+$0xFFFFFFA0] =	vst v38;
	v42 =	vadd.f32 v42, v50;
	v56 =	vadd.f32 v41, v63  }
0x216: {  	v59 =	vmul.f32 v57, v6;
	v60 =	vld [tilespmem:s29+$0xFFFFFFB0];
	v44 =	vadd.f32 v51, v44;
	v41 =	vbroadcast v39, $0x2  }
0x217: {  	s20 =	simm.s32 $0xDCB0;
	v46 =	vmul.f32 v57, v7;
	v42 =	vmax.f32 v42, $0.0e+00;
	v38 =	vadd.f32 v56, v58  }
0x218: {  	v39 =	vbroadcast v39, $0x3;
	v44 =	vadd.f32 v44, v59;
	v61 =	vmul.f32 v41, v11;
	[tilespmem:s20+$0xFFFFFFD0] =	vst v42  }
0x219: {  	v48 =	vmul.f32 v47, v3;
	v51 =	vmul.f32 v57, v8;
	v56 =	vld [tilespmem:s19+$0xFFFFFFE0];
	v58 =	vmax.f32 v38, $0.0e+00  }
0x21a: {  	v62 =	vmul.f32 v39, v18;
	v50 =	vmul.f32 v41, v15;
	v45 =	vadd.f32 v44, v61;
	[tilespmem:s18+$0xFFFFFFF0] =	vst v58  }
0x21b: {  	[tilespmem:s28+$0x0] =	vst v53;
	v59 =	vadd.f32 v60, v14;
	v49 =	vmul.f32 v39, v20;
	v42 =	vmul.f32 v39, v19;
	v53 =	vld [tilespmem:s29+$0x0]  }
0x21c: {  	v44 =	vmul.f32 v41, v13;
	v38 =	vmul.f32 v47, v4;
	v60 =	vadd.f32 v45, v62  }
0x21d: {  	v59 =	vadd.f32 v59, v52;
	v52 =	vadd.f32 v55, v43;
	v43 =	vmul.f32 v40, v5  }
0x21e: {  	v63 =	vmax.f32 v60, $0.0e+00;
	v55 =	vadd.f32 v56, v12;
	v56 =	vmul.f32 v36, v3  }
0x21f: {  	s21 =	simm.s32 $0x4;
	s22 =	simm.s32 $0x9DDC;
	v45 =	vmul.f32 v47, v5;
	v47 =	vmul.f32 v57, v9;
	v54 =	vadd.f32 v59, v54;
	[tilespmem:s20+$0xFFFFFF90] =	vst v63  }
.LBB2_11:
0x220: {  	v57 =	vld [tilespmem:s22+$0x0];
	s21 =	sadd.s32 $0x2, s21;
	v55 =	vadd.f32 v56, v55;
	v56 =	vmul.f32 v37, v7;
	v53 =	vadd.f32 v53, v16;
	v40 =	vmovc v36  }
0x221: {  	v27 =	vadd.f32 v52, v27;
	v36 =	vld [tilespmem:s22+$0xFFFFFFFC];
	p1 =	slt.u32 s21, $0x4E;
	v58 =	vadd.f32 v54, v32;
	v54 =	vmul.f32 v23, v9;
	v23 =	vmovc v37  }
0x222: {  	v37 =	vld [tilespmem:s19+$0xFFFFFFA0];
	v52 =	vadd.f32 v55, v56;
	v55 =	vmul.f32 v35, v13;
	v53 =	vadd.f32 v53, v43;
	v43 =	vmovc v51  }
0x223: {  	v41 =	vmul.f32 v41, v17;
	v51 =	vmul.f32 v22, v17;
	v22 =	vmovc v35;
	v33 =	vadd.f32 v58, v33  }
0x224: {  	v32 =	vmovc v50;
	v35 =	vadd.f32 v52, v55;
	v52 =	vmul.f32 v34, v19;
	v53 =	vadd.f32 v53, v54  }
0x225: {  	v54 =	vadd.f32 v27, v26;
	v26 =	vmovc v29;
	v29 =	vmovc v41;
	v50 =	vmul.f32 $6.553700000e+04, v57;
	v55 =	vmax.f32 v33, $0.0e+00  }
0x226: {  	v41 =	vmul.f32 v24, v21;
	v56 =	vadd.f32 v35, v52;
	[tilespmem:s18+$0xFFFFFFB0] =	vst v55;
	v35 =	vadd.f32 v53, v51  }
0x227: {  	v24 =	vmovc v34;
	v51 =	vmul.f32 $6.553700000e+04, v36;
	v52 =	vsub.f32 v50, v57;
	v37 =	vadd.f32 v37, v12;
	v53 =	vld [tilespmem:s29+$0xFFFFFFC0];
	v33 =	vmovc v49;
	s29 =	smov.u32 s19;
	s19 =	sadd.s32 $0x80, s19  }
0x228: {  	v39 =	vmul.f32 v39, v21;
	v27 =	vmovc v31;
	v57 =	vmovc v45;
	v34 =	vld [tilespmem:s19+$0xFFFFFFD0];
	v49 =	vmax.f32 v56, $0.0e+00;
	v35 =	vadd.f32 v35, v41  }
0x229: {  	v31 =	vmov v47;
	v36 =	vsub.f32 v51, v36;
	v41 =	vld [tilespmem:s19+$0xFFFFFF90];
	v45 =	vsub.f32 v50, v52;
	[tilespmem:s20+$0xFFFFFFE0] =	vst v49  }
0x22a: {  	v37 =	vadd.f32 v48, v37;
	v48 =	vadd.f32 v54, v25;
	v25 =	vmovc v28;
	v28 =	vmovc v39;
	v47 =	vld [tilespmem:s29+$0xFFFFFFF0];
	v35 =	vmax.f32 v35, $0.0e+00  }
0x22b: {  	v39 =	vsub.f32 v51, v36;
	v36 =	vbroadcast v45, $0x0;
	[tilespmem:s18+$0x0] =	vst v35  }
0x22c: {  	v46 =	vadd.f32 v37, v46;
	v35 =	vmax.f32 v48, $0.0e+00;
	v52 =	vadd.f32 v53, v16  }
0x22d: {  	v37 =	vbroadcast v45, $0x1;
	v34 =	vadd.f32 v34, v10;
	v48 =	vmul.f32 v36, v2;
	[tilespmem:s28+$0xFFFFFFC0] =	vst v35;
	s28 =	smov.u32 s18;
	s18 =	smov.u32 s20  }
0x22e: {  	v49 =	vmul.f32 v40, v4;
	v35 =	vbroadcast v45, $0x2;
	v41 =	vadd.f32 v41, v10  }
0x22f: {  	v50 =	vmul.f32 v37, v6;
	v48 =	vadd.f32 v48, v34;
	v47 =	vadd.f32 v47, v14  }
0x230: {  	v44 =	vadd.f32 v46, v44;
	v34 =	vbroadcast v45, $0x3;
	v45 =	vmul.f32 v23, v8  }
0x231: {  	v46 =	vadd.f32 v48, v50;
	v48 =	vmul.f32 v35, v11;
	v47 =	vadd.f32 v47, v49  }
0x232: {  	v54 =	vbroadcast v39, $0x0;
	v42 =	vadd.f32 v44, v42;
	v44 =	vmul.f32 v22, v15  }
0x233: {  	v46 =	vadd.f32 v46, v48;
	v48 =	vmul.f32 v34, v18;
	v45 =	vadd.f32 v47, v45  }
0x234: {  	v58 =	vbroadcast v39, $0x1;
	v42 =	vmax.f32 v42, $0.0e+00;
	v47 =	vmul.f32 v54, v2  }
0x235: {  	v46 =	vadd.f32 v46, v48;
	[tilespmem:s20+$0xFFFFFFA0] =	vst v42;
	v42 =	vadd.f32 v45, v44;
	v44 =	vmul.f32 v24, v20  }
0x236: {  	v45 =	vadd.f32 v47, v41;
	v47 =	vmul.f32 v58, v6;
	v41 =	vbroadcast v39, $0x2;
	v49 =	vld [tilespmem:s29+$0xFFFFFFB0]  }
0x237: {  	v39 =	vbroadcast v39, $0x3;
	s20 =	sadd.s32 $0x80, s20;
	v46 =	vmax.f32 v46, $0.0e+00;
	v42 =	vadd.f32 v42, v44  }
0x238: {  	v48 =	vmul.f32 v54, v3;
	v44 =	vadd.f32 v45, v47;
	v45 =	vmul.f32 v41, v11;
	[tilespmem:s20+$0xFFFFFFD0] =	vst v46  }
0x239: {  	v47 =	vmul.f32 v39, v18;
	v46 =	vmul.f32 v58, v7;
	v55 =	vld [tilespmem:s19+$0xFFFFFFE0];
	v50 =	vmax.f32 v42, $0.0e+00  }
0x23a: {  	v45 =	vadd.f32 v44, v45;
	v44 =	vmul.f32 v41, v13;
	v42 =	vmul.f32 v39, v19;
	[tilespmem:s18+$0xFFFFFFF0] =	vst v50  }
.Ltmp6:
0x23b: {  	v56 =	vmul.f32 v54, v4;
	v51 =	vmul.f32 v58, v8;
	v59 =	vadd.f32 v49, v14;
	v53 =	vld [tilespmem:s29+$0x0];
	(pc) =	sbr.rel @p1 .LBB2_11-.Ltmp6, $4  }
0x23c: {  	v50 =	vmul.f32 v41, v15;
	v47 =	vadd.f32 v45, v47;
	v49 =	vmul.f32 v39, v20  }
0x23d: {  	v52 =	vadd.f32 v52, v30;
	v45 =	vmul.f32 v54, v5;
	v54 =	vadd.f32 v59, v38;
	v38 =	vmovc v56  }
0x23e: {  	v30 =	vmovc v57;
	v47 =	vmax.f32 v47, $0.0e+00;
	v56 =	vmul.f32 v36, v3;
	v55 =	vadd.f32 v55, v12  }
0x23f: {  	s22 =	sadd.s32 $0x8, s22;
	[tilespmem:s20+$0xFFFFFF90] =	vst v47;
	v47 =	vmul.f32 v58, v9;
	v54 =	vadd.f32 v54, v43;
	v43 =	vmul.f32 v40, v5  }
0x240: {  	v40 =	vld [tilespmem:s19+$0xFFFFFFA0];
	_ =	sdelay $0x4  }
0x241: {  	v55 =	vadd.f32 v56, v55;
	v61 =	vmul.f32 v37, v7;
	v40 =	vadd.f32 v40, v12;
	_ =	sdelay $0x1  }
0x242: {  	v62 =	vmul.f32 v35, v13;
	v55 =	vadd.f32 v55, v61;
	v40 =	vadd.f32 v48, v40;
	_ =	sdelay $0x1  }
0x243: {  	v63 =	vmul.f32 v34, v19;
	v48 =	vadd.f32 v55, v62;
	v40 =	vadd.f32 v40, v46;
	_ =	sdelay $0x1  }
0x244: {  	v56 =	vadd.f32 v48, v63;
	v40 =	vadd.f32 v40, v44;
	_ =	sdelay $0x1  }
0x245: {  	v57 =	vmax.f32 v56, $0.0e+00;
	v40 =	vadd.f32 v40, v42  }
0x246: {  	[tilespmem:s20+$0xFFFFFFE0] =	vst v57  }
0x247: {  	v58 =	vld [tilespmem:s19+$0xFFFFFFF0];
	v40 =	vmax.f32 v40, $0.0e+00  }
0x248: {  	[tilespmem:s20+$0xFFFFFFA0] =	vst v40  }
0x249: {  	v40 =	vld [tilespmem:s19+$0xFFFFFFB0];
	_ =	sdelay $0x2  }
0x24a: {  	v59 =	vmul.f32 v36, v4;
	v42 =	vadd.f32 v58, v14;
	_ =	sdelay $0x1  }
0x24b: {  	v60 =	vmul.f32 v37, v8;
	v42 =	vadd.f32 v42, v59;
	v40 =	vadd.f32 v40, v14;
	_ =	sdelay $0x1  }
0x24c: {  	v61 =	vmul.f32 v35, v15;
	v42 =	vadd.f32 v42, v60;
	v38 =	vadd.f32 v40, v38;
	_ =	sdelay $0x1  }
0x24d: {  	v63 =	vmul.f32 v34, v20;
	v62 =	vadd.f32 v42, v61;
	v38 =	vadd.f32 v38, v51  }
0x24e: {  	v32 =	vadd.f32 v54, v32  }
0x24f: {  	v40 =	vadd.f32 v62, v63;
	v38 =	vadd.f32 v38, v50  }
0x250: {  	v32 =	vadd.f32 v32, v33  }
0x251: {  	v42 =	vmax.f32 v40, $0.0e+00;
	v38 =	vadd.f32 v38, v49  }
0x252: {  	v32 =	vmax.f32 v32, $0.0e+00;
	[tilespmem:s20+$0xFFFFFFF0] =	vst v42  }
0x253: {  	[tilespmem:s18+$0xFFFFFFB0] =	vst v32;
	v44 =	vld [tilespmem:s19+$0x0];
	v46 =	vmax.f32 v38, $0.0e+00  }
0x254: {  	v49 =	vld [tilespmem:s29+$0xFFFFFFC0];
	[tilespmem:s20+$0xFFFFFFB0] =	vst v46  }
0x255: {  	v48 =	vadd.f32 v53, v16;
	v33 =	vld [tilespmem:s19+$0xFFFFFFC0]  }
0x256: {  	v27 =	vadd.f32 v52, v27  }
0x257: {  	v23 =	vmul.f32 v23, v9;
	v38 =	vadd.f32 v48, v43  }
0x258: {  	v26 =	vadd.f32 v27, v26;
	v50 =	vmul.f32 v36, v5;
	v32 =	vadd.f32 v44, v16  }
0x259: {  	v22 =	vmul.f32 v22, v17;
	v23 =	vadd.f32 v38, v23;
	v51 =	vadd.f32 v49, v16  }
0x25a: {  	v52 =	vmul.f32 v37, v9;
	v32 =	vadd.f32 v32, v50;
	v33 =	vadd.f32 v33, v16  }
0x25b: {  	v22 =	vadd.f32 v23, v22;
	v23 =	vmul.f32 v24, v21;
	v53 =	vadd.f32 v51, v30  }
0x25c: {  	v54 =	vmul.f32 v35, v17;
	v55 =	vadd.f32 v32, v52;
	v56 =	vadd.f32 v33, v45  }
0x25d: {  	v57 =	vmul.f32 v41, v17;
	v22 =	vadd.f32 v22, v23;
	v23 =	vadd.f32 v53, v31  }
0x25e: {  	v59 =	vmul.f32 v34, v21;
	v58 =	vadd.f32 v55, v54;
	v60 =	vadd.f32 v56, v47  }
0x25f: {  	v25 =	vadd.f32 v26, v25;
	v61 =	vmul.f32 v39, v21;
	v23 =	vadd.f32 v23, v29  }
0x260: {  	v22 =	vmax.f32 v22, $0.0e+00;
	v24 =	vadd.f32 v58, v59;
	v62 =	vadd.f32 v60, v57  }
0x261: {  	[tilespmem:s18+$0x0] =	vst v22;
	v22 =	vmax.f32 v25, $0.0e+00;
	v23 =	vadd.f32 v23, v28  }
0x262: {  	s0 =	smul.u32 $0x140, s26;
	[tilespmem:s28+$0xFFFFFFC0] =	vst v22;
	v22 =	vmax.f32 v24, $0.0e+00;
	v63 =	vadd.f32 v62, v61  }
0x263: {  	[tilespmem:s20+$0x0] =	vst v22;
	v22 =	vmax.f32 v23, $0.0e+00  }
0x264: {  	p1 =	seq.s32 s17, $0x7C;
	s0 =	sshra.s32 s0, $0x2;
	[tilespmem:s18+$0xFFFFFFC0] =	vst v22;
	v22 =	vmax.f32 v63, $0.0e+00  }
.Ltmp7:
0x265: {  	s1 =	simm.s32 $0xDB40;
	s0 =	sadd.s32 $0x4E20, s0;
	[tilespmem:s20+$0xFFFFFFC0] =	vst v22;
	(pc) =	sbr.rel @p1 .LBB2_14-.Ltmp7, $4  }
0x266: {  	[spmem:s5] =	stream.indirect.scatter.add.f32 [tilespmem:s1], [sflag:$0x5], $0x40, s0, s25, $0xb8;
	[tilespmem:$0x18CC0] =	vst v63  }
0x267: {  	_ =	swait.ge [sflag:s13], $0x1400  }
0x268: {  	[sflag:s13] =	ssyncset.done $0x0  }
0x269: {  	[sflag:s13] =	ssyncadd.s32 $0xFFFFEC00  }
0x26a: {  	s0 =	smul.u32 $0xA0, s17;
	_ =	sdelay $0x1  }
0x26b: {  	s0 =	sadd.s32 $0xA0, s0  }
0x26c: {  	s1 =	sadd.s32 s4, s0  }
.Ltmp8:
0x26d: {  	s1 =	sshrl.u32 s1, $0x1;
	(pc) =	sbr.rel .LBB2_8-.Ltmp8, $4  }
0x26e: {  	s1 =	sadd.s32 s3, s1  }
0x26f: {  	[tilespmem:s24], [sflag:$0x3] =	stream.linear.gather [hbm4b:s1+s23], $0x180, $0x38;
	[tilespmem:$0x18CC0] =	vst v63  }
0x270: {  	s17 =	sadd.s32 $0x1, s17  }
0x271: {  	[tilespmem:s30], [sflag:$0x1] =	stream.indirect.gather [hbm4b:s2+s25], $0x40, s0, s25, $0xb8;
	[tilespmem:$0x18CC0] =	vst v63  }
.LBB2_15:
0x272: {  	_ =	sfence.sel $0x180000  }
0x273: {  	[bflag:$0x0] =	sbarrier.arrive $0xFFFF  }
0x274: {  	_ =	strace $0x90000047  }
0x275: {  	s0 =	stileid.u32;
	[bflag:$0x2] =	sbarrier.arrive $0xFFFF  }
0x276: {  	p0 =	sne.s32 s0, $0x0;
	s0 =	rddreg [dreg:$0x4]  }
0x277: {  	s0 =	sadd.s32 @!p0 $0x100000, s0  }
0x278: {  	[sflag:s0] =	ssyncadd.tile.s32 @!p0 $0x1;
	_ =	shalt  }
.Lfunc_end2:
_tile_overlayer_lowered:
.L_overlay_start_2:
0x279: {  	(tag) =	ssettag $0x2  }
0x27a: {  	s0 =	rddreg [dreg:$0x0];
	s2 =	stileid.u32  }
0x27b: {  	s1 =	rddreg [dreg:$0x1];
	p0 =	sne.s32 s2, $0x0  }
0x27c: {  	s3 =	rddreg [dreg:$0x2];
	[bflag:$0x3] =	sbarrier.arrive $0xFFFF;
	s2 =	simm.s32 @!p0 $0x1C05  }
0x27d: {  	[timem:s3], [sflag:s2] =	dma.local @!p0 [hbm:s0], s1  }
0x27e: {  	s0 =	simm.s32 @!p0 $0x5  }
0x27f: {  	_ =	swait.ge @!p0 [sflag:s0], s1  }
0x280: {  	s1 =	ssub.s32 @!p0 $0x0, s1;
	[sflag:s0] =	ssyncset.done @!p0 $0x0  }
0x281: {  	[sflag:s0] =	ssyncadd.s32 @!p0 s1  }
0x282: {  	[bflag:$0x3] =	sbarrier.arrive $0xFFFF  }
0x283: {  	_ =	shalt  }

</sc_bundles>
